<compile_context>
chip_gen: v7x
topology: tpu7x:2x2x1
jax: 0.10.2.dev20260603
libtpu: 0.0.44.dev20260713+nightly
codegen_flags: <defaults>
</compile_context>

<pallas_src>
import functools

import jax
import jax.numpy as jnp
from jax import lax
from jax.experimental import pallas as pl
from jax.experimental.pallas import tpu as pltpu
from jax.experimental.pallas import tpu_sc as plsc

_L = 16
_NC = 2
_NS = 16
_NW = _NC * _NS


@functools.partial(jax.jit, static_argnums=(5,))
def _run(wf, sf, ef, nf, ff, S):
    R = wf.shape[1]
    NB = S + 1
    NO = 2 * NB
    RW = R // _NW
    SB = 128
    NSB = RW // SB
    GPB = SB // _L
    NBL = NB * _L

    mesh = plsc.VectorSubcoreMesh(core_axis_name="c", subcore_axis_name="s")

    @functools.partial(
        pl.kernel,
        out_type=jax.ShapeDtypeStruct((NO, R), jnp.float32),
        mesh=mesh,
        compiler_params=pltpu.CompilerParams(needs_layout_passes=False),
        scratch_types=[
            pltpu.VMEM((S, SB), jnp.float32),
            pltpu.VMEM((S, SB), jnp.float32),
            pltpu.VMEM((S + 1, SB), jnp.float32),
            pltpu.VMEM((S + 1, SB), jnp.float32),
            pltpu.VMEM((SB,), jnp.float32),
            pltpu.VMEM((SB,), jnp.float32),
            pltpu.VMEM((SB,), jnp.float32),
            pltpu.VMEM((SB,), jnp.float32),
            pltpu.VMEM((NO, SB), jnp.float32),
            pltpu.VMEM((NO, SB), jnp.float32),
            pltpu.SemaphoreType.DMA,
            pltpu.SemaphoreType.DMA,
            pltpu.SemaphoreType.DMA,
            pltpu.SemaphoreType.DMA,
            pltpu.VMEM((NBL,), jnp.float32),
            pltpu.VMEM((NBL,), jnp.float32),
            pltpu.VMEM(((NB + 1) * _L,), jnp.int32),
            pltpu.VMEM(((NB + 1) * _L,), jnp.int32),
        ],
    )
    def body(w_hbm, s_hbm, e_hbm, n_hbm, f_hbm, out_hbm,
             wblk0, wblk1, sblk0, sblk1, nblk0, nblk1, fblk0, fblk1,
             outblk0, outblk1, isem0, isem1, osem0, osem1,
             cdf0, cdf1, h0, h1):
        cdfs, hists = (cdf0, cdf1), (h0, h1)
        bufs = ((wblk0, sblk0, nblk0, fblk0), (wblk1, sblk1, nblk1, fblk1))
        outblks = (outblk0, outblk1)
        isems, osems = (isem0, isem1), (osem0, osem1)
        wid = lax.axis_index("s") * _NC + lax.axis_index("c")
        base = wid * RW
        lane = lax.iota(jnp.int32, _L)
        ones_i = jnp.ones((_L,), jnp.int32)
        zeros_i = jnp.zeros((_L,), jnp.int32)
        zeros_f = jnp.zeros((_L,), jnp.float32)

        def make_gpair(wblk, sblk, nblk, fblk, outblk):
          def gpair(gp, _):
            st = []
            for t in (0, 1):
                g16 = (gp * 2 + t) * _L
                rows = g16 + lane
                near = nblk[pl.ds(g16, _L)]
                far = fblk[pl.ds(g16, _L)]
                st.append(dict(
                    g16=g16, rows=rows,
                    near=near, fmn=far - near, cdf=cdfs[t], hist=hists[t],
                ))

            def pa(s, accs):
                out = []
                for t in (0, 1):
                    d = st[t]
                    ww = wblk[s, pl.ds(d["g16"], _L)]
                    acc = accs[t] + (ww + 0.01)
                    d["cdf"][pl.ds((s + 1) * _L, _L)] = acc
                    d["hist"][pl.ds(s * _L, _L)] = zeros_i
                    out.append(acc)
                return tuple(out)

            wss = plsc.parallel_loop(0, S, 1, unroll=4, carry=(zeros_f, zeros_f))(pa)
            invs = []
            for t in (0, 1):
                d = st[t]
                d["hist"][pl.ds(S * _L, _L)] = zeros_i
                d["hist"][pl.ds((S + 1) * _L, _L)] = zeros_i
                d["cdf"][pl.ds(0, _L)] = zeros_f
                invs.append(1.0 / wss[t])

            def pb(k, carry):
                for t in (0, 1):
                    d = st[t]
                    c = d["cdf"][pl.ds(k * _L, _L)] * invs[t]
                    d["cdf"][pl.ds(k * _L, _L)] = c
                    y = c * NB - 0.5
                    tr = y.astype(jnp.int32)
                    m = jnp.where(y > tr.astype(jnp.float32), tr + 1, tr)
                    plsc.addupdate_scatter(d["hist"], [m * _L + lane], ones_i)
                    ek = sblk[k, pl.ds(d["g16"], _L)]
                    val = d["near"] + ek * d["fmn"]
                    plsc.store_scatter(outblk, [m + k, d["rows"]], val)
                return carry

            plsc.parallel_loop(0, NB, 1, unroll=4, carry=jnp.int32(0))(pb)

            def pc(j, accs):
                u = (j.astype(jnp.float32) * 2.0 + 1.0) * (1.0 / NO)
                out = []
                for t in (0, 1):
                    d = st[t]
                    acc = accs[t] + d["hist"][pl.ds(j * _L, _L)]
                    aidx = acc * _L + lane
                    bidx = aidx - _L
                    c0 = plsc.load_gather(d["cdf"], [bidx])
                    c1 = plsc.load_gather(d["cdf"], [aidx])
                    e0 = plsc.load_gather(sblk, [acc - 1, d["rows"]])
                    e1 = plsc.load_gather(sblk, [acc, d["rows"]])
                    num = u - c0
                    den = c1 - c0
                    tt = jnp.where(num <= 0.0, 0.0,
                                   jnp.where(num >= den, 1.0, num / den))
                    bval = e0 + tt * (e1 - e0)
                    val = d["near"] + bval * d["fmn"]
                    plsc.store_scatter(outblk, [acc + j, d["rows"]], val)
                    out.append(acc)
                return tuple(out)

            plsc.parallel_loop(0, NB, 1, unroll=4, carry=(zeros_i, zeros_i))(pc)
            return 0
          return gpair

        gpairs = tuple(make_gpair(*bufs[p], outblks[p]) for p in (0, 1))

        def start_in(p, sb):
            wblk, sblk, nblk, fblk = bufs[p]

            @pl.when(sb < NSB)
            def _():
                row0 = base + sb * SB
                pltpu.async_copy(w_hbm.at[:, pl.ds(row0, SB)], wblk, isems[p])
                pltpu.async_copy(
                    s_hbm.at[:, pl.ds(row0, SB)], sblk.at[pl.ds(0, S)], isems[p])
                pltpu.async_copy(
                    e_hbm.at[pl.ds(row0, SB)], sblk.at[S], isems[p])
                pltpu.async_copy(n_hbm.at[pl.ds(row0, SB)], nblk, isems[p])
                pltpu.async_copy(f_hbm.at[pl.ds(row0, SB)], fblk, isems[p])

        def wait_in(p):
            wblk, sblk, nblk, fblk = bufs[p]

            pltpu.make_async_copy(
                w_hbm.at[:, pl.ds(0, SB)], wblk, isems[p]).wait()
            pltpu.make_async_copy(
                s_hbm.at[:, pl.ds(0, SB)], sblk.at[pl.ds(0, S)], isems[p]).wait()
            pltpu.make_async_copy(
                e_hbm.at[pl.ds(0, SB)], sblk.at[S], isems[p]).wait()
            pltpu.make_async_copy(e_hbm.at[pl.ds(0, SB)], nblk, isems[p]).wait()
            pltpu.make_async_copy(e_hbm.at[pl.ds(0, SB)], fblk, isems[p]).wait()

        def wait_out(p):
            pltpu.make_async_copy(
                out_hbm.at[:, pl.ds(0, SB)], outblks[p], osems[p]).wait()

        start_in(0, 0)

        def halfstep(h, _):
            for p in (0, 1):
                sb = h * 2 + p
                start_in(1 - p, sb + 1)
                wait_in(p)

                @pl.when(h > 0)
                def _():
                    wait_out(p)

                lax.fori_loop(0, GPB // 2, gpairs[p], 0)
                row0 = base + sb * SB
                pltpu.async_copy(
                    outblks[p], out_hbm.at[:, pl.ds(row0, SB)], osems[p])
            return 0

        lax.fori_loop(0, NSB // 2, halfstep, 0)
        wait_out(0)
        wait_out(1)

    return body(wf, sf, ef, nf, ff).T


def kernel(weights, spacing_starts, spacing_ends, nears, fars, num_samples=64):
    R, S = weights.shape[0], weights.shape[1]
    wf = weights[:, :, 0].T
    sf = spacing_starts[:, :, 0].T
    ef = spacing_ends[:, -1, 0]
    return _run(wf, sf, ef, nears.reshape(R), fars.reshape(R), S)

# --- scband reference (transcript-rebuilt; emitter-appended) ---
"""Pipeline reference for scband-error-bounded-sampler-78589311582769 (READ-ONLY COPY).

The authoritative reference and input builder live on the scoring server;
editing this copy changes nothing except your own understanding.
"""

import jax, jax.numpy as jnp
import numpy as np

R = 65536
S = 64

def setup_inputs(seed: int = 0) -> dict:
    key = jax.random.key(seed)
    k1, k2, k3, k4 = jax.random.split(key, 4)
    weights = jax.random.uniform(k1, (R, S, 1), dtype=jnp.float32)
    edges = jnp.sort(jax.random.uniform(k2, (R, S + 1), dtype=jnp.float32), axis=-1)
    edges = (edges - edges[:, :1]) / (edges[:, -1:] - edges[:, :1] + 1e-8)
    spacing_starts = edges[:, :-1, None]
    spacing_ends = edges[:, 1:, None]
    nears = jax.random.uniform(k3, (R, 1), dtype=jnp.float32, minval=0.01, maxval=0.1)
    fars = jax.random.uniform(k4, (R, 1), dtype=jnp.float32, minval=3.0, maxval=6.0)
    return {"weights": weights, "spacing_starts": spacing_starts, "spacing_ends": spacing_ends, "nears": nears, "fars": fars, "num_samples": S}

def reference(weights, spacing_starts, spacing_ends, nears, fars, num_samples=64):
    eps = 1e-5
    histogram_padding = 0.01
    num_bins = weights.shape[-2] + 1
    w = weights[..., 0] + histogram_padding
    ws = jnp.sum(w, axis=-1, keepdims=True)
    padding = jax.nn.relu(eps - ws)
    w = w + padding / w.shape[-1]
    ws = ws + padding
    pdf = w / ws
    cdf = jnp.minimum(jnp.ones_like(pdf), jnp.cumsum(pdf, axis=-1))
    cdf = jnp.concatenate([jnp.zeros_like(cdf[..., :1]), cdf], axis=-1)
    u = jnp.linspace(0.0, 1.0 - 1.0 / num_bins, num_bins, dtype=cdf.dtype) + 1.0 / (2 * num_bins)
    u = u + jnp.zeros_like(u) * num_samples
    u = jnp.broadcast_to(u, (*cdf.shape[:-1], num_bins))
    existing_bins = jnp.concatenate([spacing_starts[..., 0], spacing_ends[..., -1:, 0]], axis=-1)
    inds = jax.vmap(lambda a, v: jnp.searchsorted(a, v, side='right'))(cdf, u)
    below = jnp.clip(inds - 1, 0, existing_bins.shape[-1] - 1)
    above = jnp.clip(inds, 0, existing_bins.shape[-1] - 1)
    cdf_g0 = jnp.take_along_axis(cdf, below, axis=-1)
    bins_g0 = jnp.take_along_axis(existing_bins, below, axis=-1)
    cdf_g1 = jnp.take_along_axis(cdf, above, axis=-1)
    bins_g1 = jnp.take_along_axis(existing_bins, above, axis=-1)
    t = jnp.clip(jnp.nan_to_num((u - cdf_g0) / (cdf_g1 - cdf_g0), nan=0.0), 0.0, 1.0)
    bins = bins_g0 + t * (bins_g1 - bins_g0)
    bins = jnp.sort(jnp.concatenate([existing_bins, bins], axis=-1), axis=-1)
    bins = jax.lax.stop_gradient(bins)
    euclidean_bins = bins * fars + (1.0 - bins) * nears
    return euclidean_bins

if __name__ == "__main__":
    import jax
    _d = setup_inputs()
    print(jax.jit(kernel)(*tuple(_d.values())))

</pallas_src>

<mosaic_0001>
#map = affine_map<(d0, d1) -> (0, 0)>
#map1 = affine_map<(d0, d1) -> (0)>
module attributes {stable_mosaic.version = 14 : i64} {
  func.func @body(%arg0: i32, %arg1: i32, %arg2: memref<64x65536xf32, #tpu.memory_space<hbm>>, %arg3: memref<64x65536xf32, #tpu.memory_space<hbm>>, %arg4: memref<65536xf32, #tpu.memory_space<hbm>>, %arg5: memref<65536xf32, #tpu.memory_space<hbm>>, %arg6: memref<65536xf32, #tpu.memory_space<hbm>>, %arg7: memref<130x65536xf32, #tpu.memory_space<hbm>>, %arg8: memref<64x128xf32, #tpu.memory_space<vmem>>, %arg9: memref<64x128xf32, #tpu.memory_space<vmem>>, %arg10: memref<65x128xf32, #tpu.memory_space<vmem>>, %arg11: memref<65x128xf32, #tpu.memory_space<vmem>>, %arg12: memref<128xf32, #tpu.memory_space<vmem>>, %arg13: memref<128xf32, #tpu.memory_space<vmem>>, %arg14: memref<128xf32, #tpu.memory_space<vmem>>, %arg15: memref<128xf32, #tpu.memory_space<vmem>>, %arg16: memref<130x128xf32, #tpu.memory_space<vmem>>, %arg17: memref<130x128xf32, #tpu.memory_space<vmem>>, %arg18: memref<!tpu.dma_semaphore, #tpu.memory_space<semaphore_mem>>, %arg19: memref<!tpu.dma_semaphore, #tpu.memory_space<semaphore_mem>>, %arg20: memref<!tpu.dma_semaphore, #tpu.memory_space<semaphore_mem>>, %arg21: memref<!tpu.dma_semaphore, #tpu.memory_space<semaphore_mem>>, %arg22: memref<1040xf32, #tpu.memory_space<vmem>>, %arg23: memref<1040xf32, #tpu.memory_space<vmem>>, %arg24: memref<1056xi32, #tpu.memory_space<vmem>>, %arg25: memref<1056xi32, #tpu.memory_space<vmem>>) attributes {dimension_semantics = [#tpu.dimension_semantics<core_parallel>, #tpu.dimension_semantics<subcore_parallel>], iteration_bounds = array<i64: 2, 16>, scalar_prefetch = 0 : i64, scratch_operands = 18 : i64, tpu.core_type = #tpu.core_type<sc_vector_subcore>, window_params = [{transform_indices = #map}, {transform_indices = #map}, {transform_indices = #map1}, {transform_indices = #map1}, {transform_indices = #map1}, {transform_indices = #map}]} {
    %mul3A = arith.constant 2 : i32
    %mul3A_0 = arith.muli %arg1, %mul3A : i32
    %add3A = arith.addi %mul3A_0, %arg0 : i32
    %mul3A_1 = arith.constant 2048 : i32
    %mul3A_2 = arith.muli %add3A, %mul3A_1 : i32
    %iota3A = tpu.iota {dimensions = array<i32: 0>} : vector<16xi32>
    %broadcast_in_dim3A = arith.constant 1 : i32
    %broadcast_in_dim3A_3 = vector.broadcast %broadcast_in_dim3A : i32 to vector<16xi32>
    %broadcast_in_dim3A_4 = arith.constant 0 : i32
    %broadcast_in_dim3A_5 = vector.broadcast %broadcast_in_dim3A_4 : i32 to vector<16xi32>
    %broadcast_in_dim3A_6 = arith.constant 0.000000e+00 : f32
    %broadcast_in_dim3A_7 = vector.broadcast %broadcast_in_dim3A_6 : f32 to vector<16xf32>
    %add3A_8 = arith.constant 0 : i32
    %add3A_9 = arith.addi %mul3A_2, %add3A_8 : i32
    %dma_start3A = arith.constant 0 : i32
    %dma_start3A_10 = tpu.memref_slice %arg2[%dma_start3A, %add3A_9] : memref<64x65536xf32, #tpu.memory_space<hbm>> -> memref<64x128xf32, #tpu.memory_space<hbm>>
    %dma_start3A_11 = arith.constant 0 : i32
    %dma_start3A_12 = tpu.memref_slice %arg2[%dma_start3A_11, %add3A_9] : memref<64x65536xf32, #tpu.memory_space<hbm>> -> memref<64x128xf32, #tpu.memory_space<hbm>>
    tpu.enqueue_dma source(%dma_start3A_12 : memref<64x128xf32, #tpu.memory_space<hbm>>) target(%arg8 : memref<64x128xf32, #tpu.memory_space<vmem>>) target_semaphore(%arg18 : memref<!tpu.dma_semaphore, #tpu.memory_space<semaphore_mem>>)
    %dma_start3A_13 = arith.constant 0 : i32
    %dma_start3A_14 = arith.constant 0 : i32
    %dma_start3A_15 = tpu.memref_slice %arg10[%dma_start3A_13, %dma_start3A_14] : memref<65x128xf32, #tpu.memory_space<vmem>> -> memref<64x128xf32, #tpu.memory_space<vmem>>
    %dma_start3A_16 = arith.constant 0 : i32
    %dma_start3A_17 = tpu.memref_slice %arg3[%dma_start3A_16, %add3A_9] : memref<64x65536xf32, #tpu.memory_space<hbm>> -> memref<64x128xf32, #tpu.memory_space<hbm>>
    %dma_start3A_18 = arith.constant 0 : i32
    %dma_start3A_19 = arith.constant 0 : i32
    %dma_start3A_20 = tpu.memref_slice %arg10[%dma_start3A_18, %dma_start3A_19] : memref<65x128xf32, #tpu.memory_space<vmem>> -> memref<64x128xf32, #tpu.memory_space<vmem>>
    %dma_start3A_21 = arith.constant 0 : i32
    %dma_start3A_22 = tpu.memref_slice %arg3[%dma_start3A_21, %add3A_9] : memref<64x65536xf32, #tpu.memory_space<hbm>> -> memref<64x128xf32, #tpu.memory_space<hbm>>
    tpu.enqueue_dma source(%dma_start3A_22 : memref<64x128xf32, #tpu.memory_space<hbm>>) target(%dma_start3A_20 : memref<64x128xf32, #tpu.memory_space<vmem>>) target_semaphore(%arg18 : memref<!tpu.dma_semaphore, #tpu.memory_space<semaphore_mem>>)
    %dma_start3A_23 = arith.constant 64 : i32
    %dma_start3A_24 = arith.constant 0 : i32
    %dma_start3A_25 = tpu.memref_slice %arg10[%dma_start3A_23, %dma_start3A_24] : memref<65x128xf32, #tpu.memory_space<vmem>> -> memref<1x128xf32, #tpu.memory_space<vmem>>
    %dma_start3A_26 = tpu.memref_squeeze %dma_start3A_25 : memref<1x128xf32, #tpu.memory_space<vmem>> -> memref<128xf32, #tpu.memory_space<vmem>>
    %dma_start3A_27 = tpu.memref_slice %arg4[%add3A_9] : memref<65536xf32, #tpu.memory_space<hbm>> -> memref<128xf32, #tpu.memory_space<hbm>>
    %dma_start3A_28 = arith.constant 0 : i32
    %dma_start3A_29 = tpu.memref_slice %arg10[%dma_start3A_23, %dma_start3A_28] : memref<65x128xf32, #tpu.memory_space<vmem>> -> memref<1x128xf32, #tpu.memory_space<vmem>>
    %dma_start3A_30 = tpu.memref_squeeze %dma_start3A_29 : memref<1x128xf32, #tpu.memory_space<vmem>> -> memref<128xf32, #tpu.memory_space<vmem>>
    %dma_start3A_31 = tpu.memref_slice %arg4[%add3A_9] : memref<65536xf32, #tpu.memory_space<hbm>> -> memref<128xf32, #tpu.memory_space<hbm>>
    tpu.enqueue_dma source(%dma_start3A_31 : memref<128xf32, #tpu.memory_space<hbm>>) target(%dma_start3A_30 : memref<128xf32, #tpu.memory_space<vmem>>) target_semaphore(%arg18 : memref<!tpu.dma_semaphore, #tpu.memory_space<semaphore_mem>>)
    %dma_start3A_32 = tpu.memref_slice %arg5[%add3A_9] : memref<65536xf32, #tpu.memory_space<hbm>> -> memref<128xf32, #tpu.memory_space<hbm>>
    %dma_start3A_33 = tpu.memref_slice %arg5[%add3A_9] : memref<65536xf32, #tpu.memory_space<hbm>> -> memref<128xf32, #tpu.memory_space<hbm>>
    tpu.enqueue_dma source(%dma_start3A_33 : memref<128xf32, #tpu.memory_space<hbm>>) target(%arg12 : memref<128xf32, #tpu.memory_space<vmem>>) target_semaphore(%arg18 : memref<!tpu.dma_semaphore, #tpu.memory_space<semaphore_mem>>)
    %dma_start3A_34 = tpu.memref_slice %arg6[%add3A_9] : memref<65536xf32, #tpu.memory_space<hbm>> -> memref<128xf32, #tpu.memory_space<hbm>>
    %dma_start3A_35 = tpu.memref_slice %arg6[%add3A_9] : memref<65536xf32, #tpu.memory_space<hbm>> -> memref<128xf32, #tpu.memory_space<hbm>>
    tpu.enqueue_dma source(%dma_start3A_35 : memref<128xf32, #tpu.memory_space<hbm>>) target(%arg14 : memref<128xf32, #tpu.memory_space<vmem>>) target_semaphore(%arg18 : memref<!tpu.dma_semaphore, #tpu.memory_space<semaphore_mem>>)
    %scan3A = arith.constant 0 : i32
    %scan3A_36 = arith.constant 0 : i32
    %scan3A_37 = arith.constant 8 : i32
    %scan3A_38 = arith.addi %scan3A_36, %scan3A_37 : i32
    %scan3A_39 = arith.constant 1 : i32
    %scan3A_40 = scf.for %scan3A_53 = %scan3A_36 to %scan3A_38 step %scan3A_39 iter_args(%scan3A_54 = %scan3A) -> (i32)  : i32 {
      %mul3A_55 = arith.constant 2 : i32
      %mul3A_56 = arith.muli %scan3A_53, %mul3A_55 : i32
      %add3A_57 = arith.constant 0 : i32
      %add3A_58 = arith.addi %mul3A_56, %add3A_57 : i32
      %add3A_59 = arith.constant 1 : i32
      %add3A_60 = arith.addi %add3A_58, %add3A_59 : i32
      %lt3A = arith.constant 16 : i32
      %lt3A_61 = arith.cmpi slt, %add3A_60, %lt3A : i32
      %convert_element_type3A = arith.extui %lt3A_61 : i1 to i32
      %cond3A = arith.constant 0 : i32
      %cond3A_62 = arith.cmpi ne, %convert_element_type3A, %cond3A : i32
      scf.if %cond3A_62 {
        %mul3A_186 = arith.constant 128 : i32
        %mul3A_187 = arith.muli %add3A_60, %mul3A_186 : i32
        %add3A_188 = arith.addi %mul3A_2, %mul3A_187 : i32
        %dma_start3A_189 = arith.constant 0 : i32
        %dma_start3A_190 = tpu.memref_slice %arg2[%dma_start3A_189, %add3A_188] : memref<64x65536xf32, #tpu.memory_space<hbm>> -> memref<64x128xf32, #tpu.memory_space<hbm>>
        %dma_start3A_191 = arith.constant 0 : i32
        %dma_start3A_192 = tpu.memref_slice %arg2[%dma_start3A_191, %add3A_188] : memref<64x65536xf32, #tpu.memory_space<hbm>> -> memref<64x128xf32, #tpu.memory_space<hbm>>
        tpu.enqueue_dma source(%dma_start3A_192 : memref<64x128xf32, #tpu.memory_space<hbm>>) target(%arg9 : memref<64x128xf32, #tpu.memory_space<vmem>>) target_semaphore(%arg19 : memref<!tpu.dma_semaphore, #tpu.memory_space<semaphore_mem>>)
        %dma_start3A_193 = arith.constant 0 : i32
        %dma_start3A_194 = arith.constant 0 : i32
        %dma_start3A_195 = tpu.memref_slice %arg11[%dma_start3A_193, %dma_start3A_194] : memref<65x128xf32, #tpu.memory_space<vmem>> -> memref<64x128xf32, #tpu.memory_space<vmem>>
        %dma_start3A_196 = arith.constant 0 : i32
        %dma_start3A_197 = tpu.memref_slice %arg3[%dma_start3A_196, %add3A_188] : memref<64x65536xf32, #tpu.memory_space<hbm>> -> memref<64x128xf32, #tpu.memory_space<hbm>>
        %dma_start3A_198 = arith.constant 0 : i32
        %dma_start3A_199 = arith.constant 0 : i32
        %dma_start3A_200 = tpu.memref_slice %arg11[%dma_start3A_198, %dma_start3A_199] : memref<65x128xf32, #tpu.memory_space<vmem>> -> memref<64x128xf32, #tpu.memory_space<vmem>>
        %dma_start3A_201 = arith.constant 0 : i32
        %dma_start3A_202 = tpu.memref_slice %arg3[%dma_start3A_201, %add3A_188] : memref<64x65536xf32, #tpu.memory_space<hbm>> -> memref<64x128xf32, #tpu.memory_space<hbm>>
        tpu.enqueue_dma source(%dma_start3A_202 : memref<64x128xf32, #tpu.memory_space<hbm>>) target(%dma_start3A_200 : memref<64x128xf32, #tpu.memory_space<vmem>>) target_semaphore(%arg19 : memref<!tpu.dma_semaphore, #tpu.memory_space<semaphore_mem>>)
        %dma_start3A_203 = arith.constant 64 : i32
        %dma_start3A_204 = arith.constant 0 : i32
        %dma_start3A_205 = tpu.memref_slice %arg11[%dma_start3A_203, %dma_start3A_204] : memref<65x128xf32, #tpu.memory_space<vmem>> -> memref<1x128xf32, #tpu.memory_space<vmem>>
        %dma_start3A_206 = tpu.memref_squeeze %dma_start3A_205 : memref<1x128xf32, #tpu.memory_space<vmem>> -> memref<128xf32, #tpu.memory_space<vmem>>
        %dma_start3A_207 = tpu.memref_slice %arg4[%add3A_188] : memref<65536xf32, #tpu.memory_space<hbm>> -> memref<128xf32, #tpu.memory_space<hbm>>
        %dma_start3A_208 = arith.constant 0 : i32
        %dma_start3A_209 = tpu.memref_slice %arg11[%dma_start3A_203, %dma_start3A_208] : memref<65x128xf32, #tpu.memory_space<vmem>> -> memref<1x128xf32, #tpu.memory_space<vmem>>
        %dma_start3A_210 = tpu.memref_squeeze %dma_start3A_209 : memref<1x128xf32, #tpu.memory_space<vmem>> -> memref<128xf32, #tpu.memory_space<vmem>>
        %dma_start3A_211 = tpu.memref_slice %arg4[%add3A_188] : memref<65536xf32, #tpu.memory_space<hbm>> -> memref<128xf32, #tpu.memory_space<hbm>>
        tpu.enqueue_dma source(%dma_start3A_211 : memref<128xf32, #tpu.memory_space<hbm>>) target(%dma_start3A_210 : memref<128xf32, #tpu.memory_space<vmem>>) target_semaphore(%arg19 : memref<!tpu.dma_semaphore, #tpu.memory_space<semaphore_mem>>)
        %dma_start3A_212 = tpu.memref_slice %arg5[%add3A_188] : memref<65536xf32, #tpu.memory_space<hbm>> -> memref<128xf32, #tpu.memory_space<hbm>>
        %dma_start3A_213 = tpu.memref_slice %arg5[%add3A_188] : memref<65536xf32, #tpu.memory_space<hbm>> -> memref<128xf32, #tpu.memory_space<hbm>>
        tpu.enqueue_dma source(%dma_start3A_213 : memref<128xf32, #tpu.memory_space<hbm>>) target(%arg13 : memref<128xf32, #tpu.memory_space<vmem>>) target_semaphore(%arg19 : memref<!tpu.dma_semaphore, #tpu.memory_space<semaphore_mem>>)
        %dma_start3A_214 = tpu.memref_slice %arg6[%add3A_188] : memref<65536xf32, #tpu.memory_space<hbm>> -> memref<128xf32, #tpu.memory_space<hbm>>
        %dma_start3A_215 = tpu.memref_slice %arg6[%add3A_188] : memref<65536xf32, #tpu.memory_space<hbm>> -> memref<128xf32, #tpu.memory_space<hbm>>
        tpu.enqueue_dma source(%dma_start3A_215 : memref<128xf32, #tpu.memory_space<hbm>>) target(%arg15 : memref<128xf32, #tpu.memory_space<vmem>>) target_semaphore(%arg19 : memref<!tpu.dma_semaphore, #tpu.memory_space<semaphore_mem>>)
      } else {
      }
      %dma_wait3A_63 = arith.constant 0 : i32
      %dma_wait3A_64 = arith.constant 0 : i32
      %dma_wait3A_65 = tpu.memref_slice %arg2[%dma_wait3A_63, %dma_wait3A_64] : memref<64x65536xf32, #tpu.memory_space<hbm>> -> memref<64x128xf32, #tpu.memory_space<hbm>>
      %dma_wait3A_66 = arith.constant 0 : i32
      %dma_wait3A_67 = arith.constant 0 : i32
      %dma_wait3A_68 = tpu.memref_slice %arg2[%dma_wait3A_66, %dma_wait3A_67] : memref<64x65536xf32, #tpu.memory_space<hbm>> -> memref<64x128xf32, #tpu.memory_space<hbm>>
      tpu.wait_dma2 semaphore(%arg18 : memref<!tpu.dma_semaphore, #tpu.memory_space<semaphore_mem>>) src(%dma_wait3A_68 : memref<64x128xf32, #tpu.memory_space<hbm>>) dst(%arg8 : memref<64x128xf32, #tpu.memory_space<vmem>>)
      %dma_wait3A_69 = arith.constant 0 : i32
      %dma_wait3A_70 = arith.constant 0 : i32
      %dma_wait3A_71 = tpu.memref_slice %arg10[%dma_wait3A_69, %dma_wait3A_70] : memref<65x128xf32, #tpu.memory_space<vmem>> -> memref<64x128xf32, #tpu.memory_space<vmem>>
      %dma_wait3A_72 = arith.constant 0 : i32
      %dma_wait3A_73 = arith.constant 0 : i32
      %dma_wait3A_74 = tpu.memref_slice %arg3[%dma_wait3A_72, %dma_wait3A_73] : memref<64x65536xf32, #tpu.memory_space<hbm>> -> memref<64x128xf32, #tpu.memory_space<hbm>>
      %dma_wait3A_75 = arith.constant 0 : i32
      %dma_wait3A_76 = arith.constant 0 : i32
      %dma_wait3A_77 = tpu.memref_slice %arg10[%dma_wait3A_75, %dma_wait3A_76] : memref<65x128xf32, #tpu.memory_space<vmem>> -> memref<64x128xf32, #tpu.memory_space<vmem>>
      %dma_wait3A_78 = arith.constant 0 : i32
      %dma_wait3A_79 = arith.constant 0 : i32
      %dma_wait3A_80 = tpu.memref_slice %arg3[%dma_wait3A_78, %dma_wait3A_79] : memref<64x65536xf32, #tpu.memory_space<hbm>> -> memref<64x128xf32, #tpu.memory_space<hbm>>
      tpu.wait_dma2 semaphore(%arg18 : memref<!tpu.dma_semaphore, #tpu.memory_space<semaphore_mem>>) src(%dma_wait3A_80 : memref<64x128xf32, #tpu.memory_space<hbm>>) dst(%dma_wait3A_77 : memref<64x128xf32, #tpu.memory_space<vmem>>)
      %dma_wait3A_81 = arith.constant 64 : i32
      %dma_wait3A_82 = arith.constant 0 : i32
      %dma_wait3A_83 = tpu.memref_slice %arg10[%dma_wait3A_81, %dma_wait3A_82] : memref<65x128xf32, #tpu.memory_space<vmem>> -> memref<1x128xf32, #tpu.memory_space<vmem>>
      %dma_wait3A_84 = tpu.memref_squeeze %dma_wait3A_83 : memref<1x128xf32, #tpu.memory_space<vmem>> -> memref<128xf32, #tpu.memory_space<vmem>>
      %dma_wait3A_85 = arith.constant 0 : i32
      %dma_wait3A_86 = tpu.memref_slice %arg4[%dma_wait3A_85] : memref<65536xf32, #tpu.memory_space<hbm>> -> memref<128xf32, #tpu.memory_space<hbm>>
      %dma_wait3A_87 = arith.constant 0 : i32
      %dma_wait3A_88 = tpu.memref_slice %arg10[%dma_wait3A_81, %dma_wait3A_87] : memref<65x128xf32, #tpu.memory_space<vmem>> -> memref<1x128xf32, #tpu.memory_space<vmem>>
      %dma_wait3A_89 = tpu.memref_squeeze %dma_wait3A_88 : memref<1x128xf32, #tpu.memory_space<vmem>> -> memref<128xf32, #tpu.memory_space<vmem>>
      %dma_wait3A_90 = arith.constant 0 : i32
      %dma_wait3A_91 = tpu.memref_slice %arg4[%dma_wait3A_90] : memref<65536xf32, #tpu.memory_space<hbm>> -> memref<128xf32, #tpu.memory_space<hbm>>
      tpu.wait_dma2 semaphore(%arg18 : memref<!tpu.dma_semaphore, #tpu.memory_space<semaphore_mem>>) src(%dma_wait3A_91 : memref<128xf32, #tpu.memory_space<hbm>>) dst(%dma_wait3A_89 : memref<128xf32, #tpu.memory_space<vmem>>)
      %dma_wait3A_92 = arith.constant 0 : i32
      %dma_wait3A_93 = tpu.memref_slice %arg4[%dma_wait3A_92] : memref<65536xf32, #tpu.memory_space<hbm>> -> memref<128xf32, #tpu.memory_space<hbm>>
      %dma_wait3A_94 = arith.constant 0 : i32
      %dma_wait3A_95 = tpu.memref_slice %arg4[%dma_wait3A_94] : memref<65536xf32, #tpu.memory_space<hbm>> -> memref<128xf32, #tpu.memory_space<hbm>>
      tpu.wait_dma2 semaphore(%arg18 : memref<!tpu.dma_semaphore, #tpu.memory_space<semaphore_mem>>) src(%dma_wait3A_95 : memref<128xf32, #tpu.memory_space<hbm>>) dst(%arg12 : memref<128xf32, #tpu.memory_space<vmem>>)
      %dma_wait3A_96 = arith.constant 0 : i32
      %dma_wait3A_97 = tpu.memref_slice %arg4[%dma_wait3A_96] : memref<65536xf32, #tpu.memory_space<hbm>> -> memref<128xf32, #tpu.memory_space<hbm>>
      %dma_wait3A_98 = arith.constant 0 : i32
      %dma_wait3A_99 = tpu.memref_slice %arg4[%dma_wait3A_98] : memref<65536xf32, #tpu.memory_space<hbm>> -> memref<128xf32, #tpu.memory_space<hbm>>
      tpu.wait_dma2 semaphore(%arg18 : memref<!tpu.dma_semaphore, #tpu.memory_space<semaphore_mem>>) src(%dma_wait3A_99 : memref<128xf32, #tpu.memory_space<hbm>>) dst(%arg14 : memref<128xf32, #tpu.memory_space<vmem>>)
      %gt3A = arith.constant 0 : i32
      %gt3A_100 = arith.cmpi sgt, %scan3A_53, %gt3A : i32
      %convert_element_type3A_101 = arith.extui %gt3A_100 : i1 to i32
      %cond3A_102 = arith.constant 0 : i32
      %cond3A_103 = arith.cmpi ne, %convert_element_type3A_101, %cond3A_102 : i32
      scf.if %cond3A_103 {
        %dma_wait3A_186 = arith.constant 0 : i32
        %dma_wait3A_187 = arith.constant 0 : i32
        %dma_wait3A_188 = tpu.memref_slice %arg7[%dma_wait3A_186, %dma_wait3A_187] : memref<130x65536xf32, #tpu.memory_space<hbm>> -> memref<130x128xf32, #tpu.memory_space<hbm>>
        %dma_wait3A_189 = arith.constant 0 : i32
        %dma_wait3A_190 = arith.constant 0 : i32
        %dma_wait3A_191 = tpu.memref_slice %arg7[%dma_wait3A_189, %dma_wait3A_190] : memref<130x65536xf32, #tpu.memory_space<hbm>> -> memref<130x128xf32, #tpu.memory_space<hbm>>
        tpu.wait_dma2 semaphore(%arg20 : memref<!tpu.dma_semaphore, #tpu.memory_space<semaphore_mem>>) src(%dma_wait3A_191 : memref<130x128xf32, #tpu.memory_space<hbm>>) dst(%arg16 : memref<130x128xf32, #tpu.memory_space<vmem>>)
      } else {
      }
      %scan3A_104 = arith.constant 0 : i32
      %scan3A_105 = arith.constant 0 : i32
      %scan3A_106 = arith.constant 4 : i32
      %scan3A_107 = arith.addi %scan3A_105, %scan3A_106 : i32
      %scan3A_108 = arith.constant 1 : i32
      %scan3A_109 = scf.for %scan3A_186 = %scan3A_105 to %scan3A_107 step %scan3A_108 iter_args(%scan3A_187 = %scan3A_104) -> (i32)  : i32 {
        %mul3A_188 = arith.constant 2 : i32
        %mul3A_189 = arith.muli %scan3A_186, %mul3A_188 : i32
        %add3A_190 = arith.constant 0 : i32
        %add3A_191 = arith.addi %mul3A_189, %add3A_190 : i32
        %mul3A_192 = arith.constant 16 : i32
        %mul3A_193 = arith.muli %add3A_191, %mul3A_192 : i32
        %add3A_194 = vector.broadcast %mul3A_193 : i32 to vector<16xi32>
        %add3A_195 = arith.addi %add3A_194, %iota3A : vector<16xi32>
        %get3A = arith.index_cast %mul3A_193 : i32 to index
        %get3A_196 = tpu.vector_load %arg12[%get3A] {strides = array<i32>} : memref<128xf32, #tpu.memory_space<vmem>>, vector<16xf32>,
        %get3A_197 = arith.index_cast %mul3A_193 : i32 to index
        %get3A_198 = tpu.vector_load %arg14[%get3A_197] {strides = array<i32>} : memref<128xf32, #tpu.memory_space<vmem>>, vector<16xf32>,
        %sub3A = arith.subf %get3A_198, %get3A_196 : vector<16xf32>
        %mul3A_199 = arith.constant 2 : i32
        %mul3A_200 = arith.muli %scan3A_186, %mul3A_199 : i32
        %add3A_201 = arith.constant 1 : i32
        %add3A_202 = arith.addi %mul3A_200, %add3A_201 : i32
        %mul3A_203 = arith.constant 16 : i32
        %mul3A_204 = arith.muli %add3A_202, %mul3A_203 : i32
        %add3A_205 = vector.broadcast %mul3A_204 : i32 to vector<16xi32>
        %add3A_206 = arith.addi %add3A_205, %iota3A : vector<16xi32>
        %get3A_207 = arith.index_cast %mul3A_204 : i32 to index
        %get3A_208 = tpu.vector_load %arg12[%get3A_207] {strides = array<i32>} : memref<128xf32, #tpu.memory_space<vmem>>, vector<16xf32>,
        %get3A_209 = arith.index_cast %mul3A_204 : i32 to index
        %get3A_210 = tpu.vector_load %arg14[%get3A_209] {strides = array<i32>} : memref<128xf32, #tpu.memory_space<vmem>>, vector<16xf32>,
        %sub3A_211 = arith.subf %get3A_210, %get3A_208 : vector<16xf32>
        %parallel_loop3A = arith.constant 0 : i32
        %parallel_loop3A_212 = arith.constant 64 : i32
        %parallel_loop3A_213 = arith.constant 1 : i32
        %parallel_loop3A_214:2 = scf.for %parallel_loop3A_241 = %parallel_loop3A to %parallel_loop3A_212 step %parallel_loop3A_213 iter_args(%parallel_loop3A_242 = %broadcast_in_dim3A_7, %parallel_loop3A_243 = %broadcast_in_dim3A_7) -> (vector<16xf32>, vector<16xf32>)  : i32 {
          %parallel_loop3A_244 = arith.index_cast %parallel_loop3A_241 : i32 to index
          %parallel_loop3A_245 = arith.index_cast %mul3A_193 : i32 to index
          %parallel_loop3A_246 = tpu.vector_load %arg8[%parallel_loop3A_244, %parallel_loop3A_245] {strides = array<i32>} : memref<64x128xf32, #tpu.memory_space<vmem>>, vector<16xf32>,
          %parallel_loop3A_247 = arith.constant 0.00999999977 : f32
          %parallel_loop3A_248 = vector.broadcast %parallel_loop3A_247 : f32 to vector<16xf32>
          %parallel_loop3A_249 = arith.addf %parallel_loop3A_246, %parallel_loop3A_248 : vector<16xf32>
          %parallel_loop3A_250 = arith.addf %parallel_loop3A_242, %parallel_loop3A_249 : vector<16xf32>
          %parallel_loop3A_251 = arith.constant 1 : i32
          %parallel_loop3A_252 = arith.addi %parallel_loop3A_241, %parallel_loop3A_251 : i32
          %parallel_loop3A_253 = arith.constant 16 : i32
          %parallel_loop3A_254 = arith.muli %parallel_loop3A_252, %parallel_loop3A_253 : i32
          %parallel_loop3A_255 = arith.index_cast %parallel_loop3A_254 : i32 to index
          %parallel_loop3A_256 = tpu.vector_load %arg22[%parallel_loop3A_255] {strides = array<i32>} : memref<1040xf32, #tpu.memory_space<vmem>>, vector<16xf32>,
          tpu.vector_store %arg22[%parallel_loop3A_255], %parallel_loop3A_250 {strides = array<i32>} : memref<1040xf32, #tpu.memory_space<vmem>>, vector<16xf32>,
          %parallel_loop3A_257 = arith.constant 16 : i32
          %parallel_loop3A_258 = arith.muli %parallel_loop3A_241, %parallel_loop3A_257 : i32
          %parallel_loop3A_259 = arith.index_cast %parallel_loop3A_258 : i32 to index
          %parallel_loop3A_260 = tpu.vector_load %arg24[%parallel_loop3A_259] {strides = array<i32>} : memref<1056xi32, #tpu.memory_space<vmem>>, vector<16xi32>,
          tpu.vector_store %arg24[%parallel_loop3A_259], %broadcast_in_dim3A_5 {strides = array<i32>} : memref<1056xi32, #tpu.memory_space<vmem>>, vector<16xi32>,
          %parallel_loop3A_261 = arith.index_cast %parallel_loop3A_241 : i32 to index
          %parallel_loop3A_262 = arith.index_cast %mul3A_204 : i32 to index
          %parallel_loop3A_263 = tpu.vector_load %arg8[%parallel_loop3A_261, %parallel_loop3A_262] {strides = array<i32>} : memref<64x128xf32, #tpu.memory_space<vmem>>, vector<16xf32>,
          %parallel_loop3A_264 = arith.constant 0.00999999977 : f32
          %parallel_loop3A_265 = vector.broadcast %parallel_loop3A_264 : f32 to vector<16xf32>
          %parallel_loop3A_266 = arith.addf %parallel_loop3A_263, %parallel_loop3A_265 : vector<16xf32>
          %parallel_loop3A_267 = arith.addf %parallel_loop3A_243, %parallel_loop3A_266 : vector<16xf32>
          %parallel_loop3A_268 = arith.constant 1 : i32
          %parallel_loop3A_269 = arith.addi %parallel_loop3A_241, %parallel_loop3A_268 : i32
          %parallel_loop3A_270 = arith.constant 16 : i32
          %parallel_loop3A_271 = arith.muli %parallel_loop3A_269, %parallel_loop3A_270 : i32
          %parallel_loop3A_272 = arith.index_cast %parallel_loop3A_271 : i32 to index
          %parallel_loop3A_273 = tpu.vector_load %arg23[%parallel_loop3A_272] {strides = array<i32>} : memref<1040xf32, #tpu.memory_space<vmem>>, vector<16xf32>,
          tpu.vector_store %arg23[%parallel_loop3A_272], %parallel_loop3A_267 {strides = array<i32>} : memref<1040xf32, #tpu.memory_space<vmem>>, vector<16xf32>,
          %parallel_loop3A_274 = arith.constant 16 : i32
          %parallel_loop3A_275 = arith.muli %parallel_loop3A_241, %parallel_loop3A_274 : i32
          %parallel_loop3A_276 = arith.index_cast %parallel_loop3A_275 : i32 to index
          %parallel_loop3A_277 = tpu.vector_load %arg25[%parallel_loop3A_276] {strides = array<i32>} : memref<1056xi32, #tpu.memory_space<vmem>>, vector<16xi32>,
          tpu.vector_store %arg25[%parallel_loop3A_276], %broadcast_in_dim3A_5 {strides = array<i32>} : memref<1056xi32, #tpu.memory_space<vmem>>, vector<16xi32>,
          scf.yield %parallel_loop3A_250, %parallel_loop3A_267 : vector<16xf32>, vector<16xf32>
        } {sc.loop_unroll_factor = 4 : i64, sc.parallel_access}
        %swap3A = arith.constant 1024 : index
        %swap3A_215 = tpu.vector_load %arg24[%swap3A] {strides = array<i32>} : memref<1056xi32, #tpu.memory_space<vmem>>, vector<16xi32>,
        tpu.vector_store %arg24[%swap3A], %broadcast_in_dim3A_5 {strides = array<i32>} : memref<1056xi32, #tpu.memory_space<vmem>>, vector<16xi32>,
        %swap3A_216 = arith.constant 1040 : index
        %swap3A_217 = tpu.vector_load %arg24[%swap3A_216] {strides = array<i32>} : memref<1056xi32, #tpu.memory_space<vmem>>, vector<16xi32>,
        tpu.vector_store %arg24[%swap3A_216], %broadcast_in_dim3A_5 {strides = array<i32>} : memref<1056xi32, #tpu.memory_space<vmem>>, vector<16xi32>,
        %swap3A_218 = arith.constant 0 : index
        %swap3A_219 = tpu.vector_load %arg22[%swap3A_218] {strides = array<i32>} : memref<1040xf32, #tpu.memory_space<vmem>>, vector<16xf32>,
        tpu.vector_store %arg22[%swap3A_218], %broadcast_in_dim3A_7 {strides = array<i32>} : memref<1040xf32, #tpu.memory_space<vmem>>, vector<16xf32>,
        %div3A = arith.constant 1.000000e+00 : f32
        %div3A_220 = vector.broadcast %div3A : f32 to vector<16xf32>
        %div3A_221 = arith.divf %div3A_220, %parallel_loop3A_214#0 : vector<16xf32>
        %swap3A_222 = arith.constant 1024 : index
        %swap3A_223 = tpu.vector_load %arg25[%swap3A_222] {strides = array<i32>} : memref<1056xi32, #tpu.memory_space<vmem>>, vector<16xi32>,
        tpu.vector_store %arg25[%swap3A_222], %broadcast_in_dim3A_5 {strides = array<i32>} : memref<1056xi32, #tpu.memory_space<vmem>>, vector<16xi32>,
        %swap3A_224 = arith.constant 1040 : index
        %swap3A_225 = tpu.vector_load %arg25[%swap3A_224] {strides = array<i32>} : memref<1056xi32, #tpu.memory_space<vmem>>, vector<16xi32>,
        tpu.vector_store %arg25[%swap3A_224], %broadcast_in_dim3A_5 {strides = array<i32>} : memref<1056xi32, #tpu.memory_space<vmem>>, vector<16xi32>,
        %swap3A_226 = arith.constant 0 : index
        %swap3A_227 = tpu.vector_load %arg23[%swap3A_226] {strides = array<i32>} : memref<1040xf32, #tpu.memory_space<vmem>>, vector<16xf32>,
        tpu.vector_store %arg23[%swap3A_226], %broadcast_in_dim3A_7 {strides = array<i32>} : memref<1040xf32, #tpu.memory_space<vmem>>, vector<16xf32>,
        %div3A_228 = arith.constant 1.000000e+00 : f32
        %div3A_229 = vector.broadcast %div3A_228 : f32 to vector<16xf32>
        %div3A_230 = arith.divf %div3A_229, %parallel_loop3A_214#1 : vector<16xf32>
        %parallel_loop3A_231 = arith.constant 0 : i32
        %parallel_loop3A_232 = arith.constant 65 : i32
        %parallel_loop3A_233 = arith.constant 1 : i32
        %parallel_loop3A_234 = arith.constant 0 : i32
        %parallel_loop3A_235 = scf.for %parallel_loop3A_241 = %parallel_loop3A_231 to %parallel_loop3A_232 step %parallel_loop3A_233 iter_args(%parallel_loop3A_242 = %parallel_loop3A_234) -> (i32)  : i32 {
          %parallel_loop3A_243 = arith.constant 16 : i32
          %parallel_loop3A_244 = arith.muli %parallel_loop3A_241, %parallel_loop3A_243 : i32
          %parallel_loop3A_245 = arith.index_cast %parallel_loop3A_244 : i32 to index
          %parallel_loop3A_246 = tpu.vector_load %arg22[%parallel_loop3A_245] {strides = array<i32>} : memref<1040xf32, #tpu.memory_space<vmem>>, vector<16xf32>,
          %parallel_loop3A_247 = arith.mulf %parallel_loop3A_246, %div3A_221 : vector<16xf32>
          %parallel_loop3A_248 = arith.constant 16 : i32
          %parallel_loop3A_249 = arith.muli %parallel_loop3A_241, %parallel_loop3A_248 : i32
          %parallel_loop3A_250 = arith.index_cast %parallel_loop3A_249 : i32 to index
          %parallel_loop3A_251 = tpu.vector_load %arg22[%parallel_loop3A_250] {strides = array<i32>} : memref<1040xf32, #tpu.memory_space<vmem>>, vector<16xf32>,
          tpu.vector_store %arg22[%parallel_loop3A_250], %parallel_loop3A_247 {strides = array<i32>} : memref<1040xf32, #tpu.memory_space<vmem>>, vector<16xf32>,
          %parallel_loop3A_252 = arith.constant 6.500000e+01 : f32
          %parallel_loop3A_253 = vector.broadcast %parallel_loop3A_252 : f32 to vector<16xf32>
          %parallel_loop3A_254 = arith.mulf %parallel_loop3A_247, %parallel_loop3A_253 : vector<16xf32>
          %parallel_loop3A_255 = arith.constant 5.000000e-01 : f32
          %parallel_loop3A_256 = vector.broadcast %parallel_loop3A_255 : f32 to vector<16xf32>
          %parallel_loop3A_257 = arith.subf %parallel_loop3A_254, %parallel_loop3A_256 : vector<16xf32>
          %parallel_loop3A_258 = arith.fptosi %parallel_loop3A_257 : vector<16xf32> to vector<16xi32>
          %parallel_loop3A_259 = arith.sitofp %parallel_loop3A_258 : vector<16xi32> to vector<16xf32>
          %parallel_loop3A_260 = arith.cmpf ogt, %parallel_loop3A_257, %parallel_loop3A_259 : vector<16xf32>
          %parallel_loop3A_261 = arith.constant 1 : i32
          %parallel_loop3A_262 = vector.broadcast %parallel_loop3A_261 : i32 to vector<16xi32>
          %parallel_loop3A_263 = arith.addi %parallel_loop3A_258, %parallel_loop3A_262 : vector<16xi32>
          %parallel_loop3A_264 = arith.select %parallel_loop3A_260, %parallel_loop3A_263, %parallel_loop3A_258 : vector<16xi1>, vector<16xi32>
          %parallel_loop3A_265 = arith.constant 16 : i32
          %parallel_loop3A_266 = vector.broadcast %parallel_loop3A_265 : i32 to vector<16xi32>
          %parallel_loop3A_267 = arith.muli %parallel_loop3A_264, %parallel_loop3A_266 : vector<16xi32>
          %parallel_loop3A_268 = arith.addi %parallel_loop3A_267, %iota3A : vector<16xi32>
          tpu.vector_store_idx %arg24[%parallel_loop3A_268], %broadcast_in_dim3A_3 {add = true} : memref<1056xi32, #tpu.memory_space<vmem>>[vector<16xi32>], vector<16xi32>,
          %parallel_loop3A_269 = arith.index_cast %parallel_loop3A_241 : i32 to index
          %parallel_loop3A_270 = arith.index_cast %mul3A_193 : i32 to index
          %parallel_loop3A_271 = tpu.vector_load %arg10[%parallel_loop3A_269, %parallel_loop3A_270] {strides = array<i32>} : memref<65x128xf32, #tpu.memory_space<vmem>>, vector<16xf32>,
          %parallel_loop3A_272 = arith.mulf %parallel_loop3A_271, %sub3A : vector<16xf32>
          %parallel_loop3A_273 = arith.addf %get3A_196, %parallel_loop3A_272 : vector<16xf32>
          %parallel_loop3A_274 = vector.broadcast %parallel_loop3A_241 : i32 to vector<16xi32>
          %parallel_loop3A_275 = arith.addi %parallel_loop3A_264, %parallel_loop3A_274 : vector<16xi32>
          tpu.vector_store_idx %arg16[%parallel_loop3A_275, %add3A_195], %parallel_loop3A_273 : memref<130x128xf32, #tpu.memory_space<vmem>>[vector<16xi32>, vector<16xi32>], vector<16xf32>,
          %parallel_loop3A_276 = arith.constant 16 : i32
          %parallel_loop3A_277 = arith.muli %parallel_loop3A_241, %parallel_loop3A_276 : i32
          %parallel_loop3A_278 = arith.index_cast %parallel_loop3A_277 : i32 to index
          %parallel_loop3A_279 = tpu.vector_load %arg23[%parallel_loop3A_278] {strides = array<i32>} : memref<1040xf32, #tpu.memory_space<vmem>>, vector<16xf32>,
          %parallel_loop3A_280 = arith.mulf %parallel_loop3A_279, %div3A_230 : vector<16xf32>
          %parallel_loop3A_281 = arith.constant 16 : i32
          %parallel_loop3A_282 = arith.muli %parallel_loop3A_241, %parallel_loop3A_281 : i32
          %parallel_loop3A_283 = arith.index_cast %parallel_loop3A_282 : i32 to index
          %parallel_loop3A_284 = tpu.vector_load %arg23[%parallel_loop3A_283] {strides = array<i32>} : memref<1040xf32, #tpu.memory_space<vmem>>, vector<16xf32>,
          tpu.vector_store %arg23[%parallel_loop3A_283], %parallel_loop3A_280 {strides = array<i32>} : memref<1040xf32, #tpu.memory_space<vmem>>, vector<16xf32>,
          %parallel_loop3A_285 = arith.constant 6.500000e+01 : f32
          %parallel_loop3A_286 = vector.broadcast %parallel_loop3A_285 : f32 to vector<16xf32>
          %parallel_loop3A_287 = arith.mulf %parallel_loop3A_280, %parallel_loop3A_286 : vector<16xf32>
          %parallel_loop3A_288 = arith.constant 5.000000e-01 : f32
          %parallel_loop3A_289 = vector.broadcast %parallel_loop3A_288 : f32 to vector<16xf32>
          %parallel_loop3A_290 = arith.subf %parallel_loop3A_287, %parallel_loop3A_289 : vector<16xf32>
          %parallel_loop3A_291 = arith.fptosi %parallel_loop3A_290 : vector<16xf32> to vector<16xi32>
          %parallel_loop3A_292 = arith.sitofp %parallel_loop3A_291 : vector<16xi32> to vector<16xf32>
          %parallel_loop3A_293 = arith.cmpf ogt, %parallel_loop3A_290, %parallel_loop3A_292 : vector<16xf32>
          %parallel_loop3A_294 = arith.constant 1 : i32
          %parallel_loop3A_295 = vector.broadcast %parallel_loop3A_294 : i32 to vector<16xi32>
          %parallel_loop3A_296 = arith.addi %parallel_loop3A_291, %parallel_loop3A_295 : vector<16xi32>
          %parallel_loop3A_297 = arith.select %parallel_loop3A_293, %parallel_loop3A_296, %parallel_loop3A_291 : vector<16xi1>, vector<16xi32>
          %parallel_loop3A_298 = arith.constant 16 : i32
          %parallel_loop3A_299 = vector.broadcast %parallel_loop3A_298 : i32 to vector<16xi32>
          %parallel_loop3A_300 = arith.muli %parallel_loop3A_297, %parallel_loop3A_299 : vector<16xi32>
          %parallel_loop3A_301 = arith.addi %parallel_loop3A_300, %iota3A : vector<16xi32>
          tpu.vector_store_idx %arg25[%parallel_loop3A_301], %broadcast_in_dim3A_3 {add = true} : memref<1056xi32, #tpu.memory_space<vmem>>[vector<16xi32>], vector<16xi32>,
          %parallel_loop3A_302 = arith.index_cast %parallel_loop3A_241 : i32 to index
          %parallel_loop3A_303 = arith.index_cast %mul3A_204 : i32 to index
          %parallel_loop3A_304 = tpu.vector_load %arg10[%parallel_loop3A_302, %parallel_loop3A_303] {strides = array<i32>} : memref<65x128xf32, #tpu.memory_space<vmem>>, vector<16xf32>,
          %parallel_loop3A_305 = arith.mulf %parallel_loop3A_304, %sub3A_211 : vector<16xf32>
          %parallel_loop3A_306 = arith.addf %get3A_208, %parallel_loop3A_305 : vector<16xf32>
          %parallel_loop3A_307 = vector.broadcast %parallel_loop3A_241 : i32 to vector<16xi32>
          %parallel_loop3A_308 = arith.addi %parallel_loop3A_297, %parallel_loop3A_307 : vector<16xi32>
          tpu.vector_store_idx %arg16[%parallel_loop3A_308, %add3A_206], %parallel_loop3A_306 : memref<130x128xf32, #tpu.memory_space<vmem>>[vector<16xi32>, vector<16xi32>], vector<16xf32>,
          scf.yield %parallel_loop3A_242 : i32
        } {sc.loop_unroll_factor = 4 : i64, sc.parallel_access}
        %parallel_loop3A_236 = arith.constant 0 : i32
        %parallel_loop3A_237 = arith.constant 65 : i32
        %parallel_loop3A_238 = arith.constant 1 : i32
        %parallel_loop3A_239:2 = scf.for %parallel_loop3A_241 = %parallel_loop3A_236 to %parallel_loop3A_237 step %parallel_loop3A_238 iter_args(%parallel_loop3A_242 = %broadcast_in_dim3A_5, %parallel_loop3A_243 = %broadcast_in_dim3A_5) -> (vector<16xi32>, vector<16xi32>)  : i32 {
          %parallel_loop3A_244 = arith.sitofp %parallel_loop3A_241 : i32 to f32
          %parallel_loop3A_245 = arith.constant 2.000000e+00 : f32
          %parallel_loop3A_246 = arith.mulf %parallel_loop3A_244, %parallel_loop3A_245 : f32
          %parallel_loop3A_247 = arith.constant 1.000000e+00 : f32
          %parallel_loop3A_248 = arith.addf %parallel_loop3A_246, %parallel_loop3A_247 : f32
          %parallel_loop3A_249 = arith.constant 0.0076923077 : f32
          %parallel_loop3A_250 = arith.mulf %parallel_loop3A_248, %parallel_loop3A_249 : f32
          %parallel_loop3A_251 = arith.constant 16 : i32
          %parallel_loop3A_252 = arith.muli %parallel_loop3A_241, %parallel_loop3A_251 : i32
          %parallel_loop3A_253 = arith.index_cast %parallel_loop3A_252 : i32 to index
          %parallel_loop3A_254 = tpu.vector_load %arg24[%parallel_loop3A_253] {strides = array<i32>} : memref<1056xi32, #tpu.memory_space<vmem>>, vector<16xi32>,
          %parallel_loop3A_255 = arith.addi %parallel_loop3A_242, %parallel_loop3A_254 : vector<16xi32>
          %parallel_loop3A_256 = arith.constant 16 : i32
          %parallel_loop3A_257 = vector.broadcast %parallel_loop3A_256 : i32 to vector<16xi32>
          %parallel_loop3A_258 = arith.muli %parallel_loop3A_255, %parallel_loop3A_257 : vector<16xi32>
          %parallel_loop3A_259 = arith.addi %parallel_loop3A_258, %iota3A : vector<16xi32>
          %parallel_loop3A_260 = arith.constant 16 : i32
          %parallel_loop3A_261 = vector.broadcast %parallel_loop3A_260 : i32 to vector<16xi32>
          %parallel_loop3A_262 = arith.subi %parallel_loop3A_259, %parallel_loop3A_261 : vector<16xi32>
          %parallel_loop3A_263 = tpu.vector_load_idx %arg22[%parallel_loop3A_262] : memref<1040xf32, #tpu.memory_space<vmem>>[vector<16xi32>], vector<16xf32>,
          %parallel_loop3A_264 = tpu.vector_load_idx %arg22[%parallel_loop3A_259] : memref<1040xf32, #tpu.memory_space<vmem>>[vector<16xi32>], vector<16xf32>,
          %parallel_loop3A_265 = arith.constant 1 : i32
          %parallel_loop3A_266 = vector.broadcast %parallel_loop3A_265 : i32 to vector<16xi32>
          %parallel_loop3A_267 = arith.subi %parallel_loop3A_255, %parallel_loop3A_266 : vector<16xi32>
          %parallel_loop3A_268 = tpu.vector_load_idx %arg10[%parallel_loop3A_267, %add3A_195] : memref<65x128xf32, #tpu.memory_space<vmem>>[vector<16xi32>, vector<16xi32>], vector<16xf32>,
          %parallel_loop3A_269 = tpu.vector_load_idx %arg10[%parallel_loop3A_255, %add3A_195] : memref<65x128xf32, #tpu.memory_space<vmem>>[vector<16xi32>, vector<16xi32>], vector<16xf32>,
          %parallel_loop3A_270 = vector.broadcast %parallel_loop3A_250 : f32 to vector<16xf32>
          %parallel_loop3A_271 = arith.subf %parallel_loop3A_270, %parallel_loop3A_263 : vector<16xf32>
          %parallel_loop3A_272 = arith.subf %parallel_loop3A_264, %parallel_loop3A_263 : vector<16xf32>
          %parallel_loop3A_273 = arith.constant 0.000000e+00 : f32
          %parallel_loop3A_274 = vector.broadcast %parallel_loop3A_273 : f32 to vector<16xf32>
          %parallel_loop3A_275 = arith.cmpf ole, %parallel_loop3A_271, %parallel_loop3A_274 : vector<16xf32>
          %parallel_loop3A_276 = arith.cmpf oge, %parallel_loop3A_271, %parallel_loop3A_272 : vector<16xf32>
          %parallel_loop3A_277 = arith.divf %parallel_loop3A_271, %parallel_loop3A_272 : vector<16xf32>
          %parallel_loop3A_278 = arith.constant 1.000000e+00 : f32
          %parallel_loop3A_279 = vector.broadcast %parallel_loop3A_278 : f32 to vector<16xf32>
          %parallel_loop3A_280 = arith.select %parallel_loop3A_276, %parallel_loop3A_279, %parallel_loop3A_277 : vector<16xi1>, vector<16xf32>
          %parallel_loop3A_281 = arith.constant 0.000000e+00 : f32
          %parallel_loop3A_282 = vector.broadcast %parallel_loop3A_281 : f32 to vector<16xf32>
          %parallel_loop3A_283 = arith.select %parallel_loop3A_275, %parallel_loop3A_282, %parallel_loop3A_280 : vector<16xi1>, vector<16xf32>
          %parallel_loop3A_284 = arith.subf %parallel_loop3A_269, %parallel_loop3A_268 : vector<16xf32>
          %parallel_loop3A_285 = arith.mulf %parallel_loop3A_283, %parallel_loop3A_284 : vector<16xf32>
          %parallel_loop3A_286 = arith.addf %parallel_loop3A_268, %parallel_loop3A_285 : vector<16xf32>
          %parallel_loop3A_287 = arith.mulf %parallel_loop3A_286, %sub3A : vector<16xf32>
          %parallel_loop3A_288 = arith.addf %get3A_196, %parallel_loop3A_287 : vector<16xf32>
          %parallel_loop3A_289 = vector.broadcast %parallel_loop3A_241 : i32 to vector<16xi32>
          %parallel_loop3A_290 = arith.addi %parallel_loop3A_255, %parallel_loop3A_289 : vector<16xi32>
          tpu.vector_store_idx %arg16[%parallel_loop3A_290, %add3A_195], %parallel_loop3A_288 : memref<130x128xf32, #tpu.memory_space<vmem>>[vector<16xi32>, vector<16xi32>], vector<16xf32>,
          %parallel_loop3A_291 = arith.constant 16 : i32
          %parallel_loop3A_292 = arith.muli %parallel_loop3A_241, %parallel_loop3A_291 : i32
          %parallel_loop3A_293 = arith.index_cast %parallel_loop3A_292 : i32 to index
          %parallel_loop3A_294 = tpu.vector_load %arg25[%parallel_loop3A_293] {strides = array<i32>} : memref<1056xi32, #tpu.memory_space<vmem>>, vector<16xi32>,
          %parallel_loop3A_295 = arith.addi %parallel_loop3A_243, %parallel_loop3A_294 : vector<16xi32>
          %parallel_loop3A_296 = arith.constant 16 : i32
          %parallel_loop3A_297 = vector.broadcast %parallel_loop3A_296 : i32 to vector<16xi32>
          %parallel_loop3A_298 = arith.muli %parallel_loop3A_295, %parallel_loop3A_297 : vector<16xi32>
          %parallel_loop3A_299 = arith.addi %parallel_loop3A_298, %iota3A : vector<16xi32>
          %parallel_loop3A_300 = arith.constant 16 : i32
          %parallel_loop3A_301 = vector.broadcast %parallel_loop3A_300 : i32 to vector<16xi32>
          %parallel_loop3A_302 = arith.subi %parallel_loop3A_299, %parallel_loop3A_301 : vector<16xi32>
          %parallel_loop3A_303 = tpu.vector_load_idx %arg23[%parallel_loop3A_302] : memref<1040xf32, #tpu.memory_space<vmem>>[vector<16xi32>], vector<16xf32>,
          %parallel_loop3A_304 = tpu.vector_load_idx %arg23[%parallel_loop3A_299] : memref<1040xf32, #tpu.memory_space<vmem>>[vector<16xi32>], vector<16xf32>,
          %parallel_loop3A_305 = arith.constant 1 : i32
          %parallel_loop3A_306 = vector.broadcast %parallel_loop3A_305 : i32 to vector<16xi32>
          %parallel_loop3A_307 = arith.subi %parallel_loop3A_295, %parallel_loop3A_306 : vector<16xi32>
          %parallel_loop3A_308 = tpu.vector_load_idx %arg10[%parallel_loop3A_307, %add3A_206] : memref<65x128xf32, #tpu.memory_space<vmem>>[vector<16xi32>, vector<16xi32>], vector<16xf32>,
          %parallel_loop3A_309 = tpu.vector_load_idx %arg10[%parallel_loop3A_295, %add3A_206] : memref<65x128xf32, #tpu.memory_space<vmem>>[vector<16xi32>, vector<16xi32>], vector<16xf32>,
          %parallel_loop3A_310 = vector.broadcast %parallel_loop3A_250 : f32 to vector<16xf32>
          %parallel_loop3A_311 = arith.subf %parallel_loop3A_310, %parallel_loop3A_303 : vector<16xf32>
          %parallel_loop3A_312 = arith.subf %parallel_loop3A_304, %parallel_loop3A_303 : vector<16xf32>
          %parallel_loop3A_313 = arith.constant 0.000000e+00 : f32
          %parallel_loop3A_314 = vector.broadcast %parallel_loop3A_313 : f32 to vector<16xf32>
          %parallel_loop3A_315 = arith.cmpf ole, %parallel_loop3A_311, %parallel_loop3A_314 : vector<16xf32>
          %parallel_loop3A_316 = arith.cmpf oge, %parallel_loop3A_311, %parallel_loop3A_312 : vector<16xf32>
          %parallel_loop3A_317 = arith.divf %parallel_loop3A_311, %parallel_loop3A_312 : vector<16xf32>
          %parallel_loop3A_318 = arith.constant 1.000000e+00 : f32
          %parallel_loop3A_319 = vector.broadcast %parallel_loop3A_318 : f32 to vector<16xf32>
          %parallel_loop3A_320 = arith.select %parallel_loop3A_316, %parallel_loop3A_319, %parallel_loop3A_317 : vector<16xi1>, vector<16xf32>
          %parallel_loop3A_321 = arith.constant 0.000000e+00 : f32
          %parallel_loop3A_322 = vector.broadcast %parallel_loop3A_321 : f32 to vector<16xf32>
          %parallel_loop3A_323 = arith.select %parallel_loop3A_315, %parallel_loop3A_322, %parallel_loop3A_320 : vector<16xi1>, vector<16xf32>
          %parallel_loop3A_324 = arith.subf %parallel_loop3A_309, %parallel_loop3A_308 : vector<16xf32>
          %parallel_loop3A_325 = arith.mulf %parallel_loop3A_323, %parallel_loop3A_324 : vector<16xf32>
          %parallel_loop3A_326 = arith.addf %parallel_loop3A_308, %parallel_loop3A_325 : vector<16xf32>
          %parallel_loop3A_327 = arith.mulf %parallel_loop3A_326, %sub3A_211 : vector<16xf32>
          %parallel_loop3A_328 = arith.addf %get3A_208, %parallel_loop3A_327 : vector<16xf32>
          %parallel_loop3A_329 = vector.broadcast %parallel_loop3A_241 : i32 to vector<16xi32>
          %parallel_loop3A_330 = arith.addi %parallel_loop3A_295, %parallel_loop3A_329 : vector<16xi32>
          tpu.vector_store_idx %arg16[%parallel_loop3A_330, %add3A_206], %parallel_loop3A_328 : memref<130x128xf32, #tpu.memory_space<vmem>>[vector<16xi32>, vector<16xi32>], vector<16xf32>,
          scf.yield %parallel_loop3A_255, %parallel_loop3A_295 : vector<16xi32>, vector<16xi32>
        } {sc.loop_unroll_factor = 4 : i64, sc.parallel_access}
        %scan3A_240 = arith.constant 0 : i32
        scf.yield %scan3A_240 : i32
      }
      %scan3A_110 = arith.constant 4 : i32
      %mul3A_111 = arith.constant 128 : i32
      %mul3A_112 = arith.muli %add3A_58, %mul3A_111 : i32
      %add3A_113 = arith.addi %mul3A_2, %mul3A_112 : i32
      %dma_start3A_114 = arith.constant 0 : i32
      %dma_start3A_115 = tpu.memref_slice %arg7[%dma_start3A_114, %add3A_113] : memref<130x65536xf32, #tpu.memory_space<hbm>> -> memref<130x128xf32, #tpu.memory_space<hbm>>
      %dma_start3A_116 = arith.constant 0 : i32
      %dma_start3A_117 = tpu.memref_slice %arg7[%dma_start3A_116, %add3A_113] : memref<130x65536xf32, #tpu.memory_space<hbm>> -> memref<130x128xf32, #tpu.memory_space<hbm>>
      tpu.enqueue_dma source(%arg16 : memref<130x128xf32, #tpu.memory_space<vmem>>) target(%dma_start3A_117 : memref<130x128xf32, #tpu.memory_space<hbm>>) target_semaphore(%arg20 : memref<!tpu.dma_semaphore, #tpu.memory_space<semaphore_mem>>)
      %mul3A_118 = arith.constant 2 : i32
      %mul3A_119 = arith.muli %scan3A_53, %mul3A_118 : i32
      %add3A_120 = arith.constant 1 : i32
      %add3A_121 = arith.addi %mul3A_119, %add3A_120 : i32
      %add3A_122 = arith.constant 1 : i32
      %add3A_123 = arith.addi %add3A_121, %add3A_122 : i32
      %lt3A_124 = arith.constant 16 : i32
      %lt3A_125 = arith.cmpi slt, %add3A_123, %lt3A_124 : i32
      %convert_element_type3A_126 = arith.extui %lt3A_125 : i1 to i32
      %cond3A_127 = arith.constant 0 : i32
      %cond3A_128 = arith.cmpi ne, %convert_element_type3A_126, %cond3A_127 : i32
      scf.if %cond3A_128 {
        %mul3A_186 = arith.constant 128 : i32
        %mul3A_187 = arith.muli %add3A_123, %mul3A_186 : i32
        %add3A_188 = arith.addi %mul3A_2, %mul3A_187 : i32
        %dma_start3A_189 = arith.constant 0 : i32
        %dma_start3A_190 = tpu.memref_slice %arg2[%dma_start3A_189, %add3A_188] : memref<64x65536xf32, #tpu.memory_space<hbm>> -> memref<64x128xf32, #tpu.memory_space<hbm>>
        %dma_start3A_191 = arith.constant 0 : i32
        %dma_start3A_192 = tpu.memref_slice %arg2[%dma_start3A_191, %add3A_188] : memref<64x65536xf32, #tpu.memory_space<hbm>> -> memref<64x128xf32, #tpu.memory_space<hbm>>
        tpu.enqueue_dma source(%dma_start3A_192 : memref<64x128xf32, #tpu.memory_space<hbm>>) target(%arg8 : memref<64x128xf32, #tpu.memory_space<vmem>>) target_semaphore(%arg18 : memref<!tpu.dma_semaphore, #tpu.memory_space<semaphore_mem>>)
        %dma_start3A_193 = arith.constant 0 : i32
        %dma_start3A_194 = arith.constant 0 : i32
        %dma_start3A_195 = tpu.memref_slice %arg10[%dma_start3A_193, %dma_start3A_194] : memref<65x128xf32, #tpu.memory_space<vmem>> -> memref<64x128xf32, #tpu.memory_space<vmem>>
        %dma_start3A_196 = arith.constant 0 : i32
        %dma_start3A_197 = tpu.memref_slice %arg3[%dma_start3A_196, %add3A_188] : memref<64x65536xf32, #tpu.memory_space<hbm>> -> memref<64x128xf32, #tpu.memory_space<hbm>>
        %dma_start3A_198 = arith.constant 0 : i32
        %dma_start3A_199 = arith.constant 0 : i32
        %dma_start3A_200 = tpu.memref_slice %arg10[%dma_start3A_198, %dma_start3A_199] : memref<65x128xf32, #tpu.memory_space<vmem>> -> memref<64x128xf32, #tpu.memory_space<vmem>>
        %dma_start3A_201 = arith.constant 0 : i32
        %dma_start3A_202 = tpu.memref_slice %arg3[%dma_start3A_201, %add3A_188] : memref<64x65536xf32, #tpu.memory_space<hbm>> -> memref<64x128xf32, #tpu.memory_space<hbm>>
        tpu.enqueue_dma source(%dma_start3A_202 : memref<64x128xf32, #tpu.memory_space<hbm>>) target(%dma_start3A_200 : memref<64x128xf32, #tpu.memory_space<vmem>>) target_semaphore(%arg18 : memref<!tpu.dma_semaphore, #tpu.memory_space<semaphore_mem>>)
        %dma_start3A_203 = arith.constant 64 : i32
        %dma_start3A_204 = arith.constant 0 : i32
        %dma_start3A_205 = tpu.memref_slice %arg10[%dma_start3A_203, %dma_start3A_204] : memref<65x128xf32, #tpu.memory_space<vmem>> -> memref<1x128xf32, #tpu.memory_space<vmem>>
        %dma_start3A_206 = tpu.memref_squeeze %dma_start3A_205 : memref<1x128xf32, #tpu.memory_space<vmem>> -> memref<128xf32, #tpu.memory_space<vmem>>
        %dma_start3A_207 = tpu.memref_slice %arg4[%add3A_188] : memref<65536xf32, #tpu.memory_space<hbm>> -> memref<128xf32, #tpu.memory_space<hbm>>
        %dma_start3A_208 = arith.constant 0 : i32
        %dma_start3A_209 = tpu.memref_slice %arg10[%dma_start3A_203, %dma_start3A_208] : memref<65x128xf32, #tpu.memory_space<vmem>> -> memref<1x128xf32, #tpu.memory_space<vmem>>
        %dma_start3A_210 = tpu.memref_squeeze %dma_start3A_209 : memref<1x128xf32, #tpu.memory_space<vmem>> -> memref<128xf32, #tpu.memory_space<vmem>>
        %dma_start3A_211 = tpu.memref_slice %arg4[%add3A_188] : memref<65536xf32, #tpu.memory_space<hbm>> -> memref<128xf32, #tpu.memory_space<hbm>>
        tpu.enqueue_dma source(%dma_start3A_211 : memref<128xf32, #tpu.memory_space<hbm>>) target(%dma_start3A_210 : memref<128xf32, #tpu.memory_space<vmem>>) target_semaphore(%arg18 : memref<!tpu.dma_semaphore, #tpu.memory_space<semaphore_mem>>)
        %dma_start3A_212 = tpu.memref_slice %arg5[%add3A_188] : memref<65536xf32, #tpu.memory_space<hbm>> -> memref<128xf32, #tpu.memory_space<hbm>>
        %dma_start3A_213 = tpu.memref_slice %arg5[%add3A_188] : memref<65536xf32, #tpu.memory_space<hbm>> -> memref<128xf32, #tpu.memory_space<hbm>>
        tpu.enqueue_dma source(%dma_start3A_213 : memref<128xf32, #tpu.memory_space<hbm>>) target(%arg12 : memref<128xf32, #tpu.memory_space<vmem>>) target_semaphore(%arg18 : memref<!tpu.dma_semaphore, #tpu.memory_space<semaphore_mem>>)
        %dma_start3A_214 = tpu.memref_slice %arg6[%add3A_188] : memref<65536xf32, #tpu.memory_space<hbm>> -> memref<128xf32, #tpu.memory_space<hbm>>
        %dma_start3A_215 = tpu.memref_slice %arg6[%add3A_188] : memref<65536xf32, #tpu.memory_space<hbm>> -> memref<128xf32, #tpu.memory_space<hbm>>
        tpu.enqueue_dma source(%dma_start3A_215 : memref<128xf32, #tpu.memory_space<hbm>>) target(%arg14 : memref<128xf32, #tpu.memory_space<vmem>>) target_semaphore(%arg18 : memref<!tpu.dma_semaphore, #tpu.memory_space<semaphore_mem>>)
      } else {
      }
      %dma_wait3A_129 = arith.constant 0 : i32
      %dma_wait3A_130 = arith.constant 0 : i32
      %dma_wait3A_131 = tpu.memref_slice %arg2[%dma_wait3A_129, %dma_wait3A_130] : memref<64x65536xf32, #tpu.memory_space<hbm>> -> memref<64x128xf32, #tpu.memory_space<hbm>>
      %dma_wait3A_132 = arith.constant 0 : i32
      %dma_wait3A_133 = arith.constant 0 : i32
      %dma_wait3A_134 = tpu.memref_slice %arg2[%dma_wait3A_132, %dma_wait3A_133] : memref<64x65536xf32, #tpu.memory_space<hbm>> -> memref<64x128xf32, #tpu.memory_space<hbm>>
      tpu.wait_dma2 semaphore(%arg19 : memref<!tpu.dma_semaphore, #tpu.memory_space<semaphore_mem>>) src(%dma_wait3A_134 : memref<64x128xf32, #tpu.memory_space<hbm>>) dst(%arg9 : memref<64x128xf32, #tpu.memory_space<vmem>>)
      %dma_wait3A_135 = arith.constant 0 : i32
      %dma_wait3A_136 = arith.constant 0 : i32
      %dma_wait3A_137 = tpu.memref_slice %arg11[%dma_wait3A_135, %dma_wait3A_136] : memref<65x128xf32, #tpu.memory_space<vmem>> -> memref<64x128xf32, #tpu.memory_space<vmem>>
      %dma_wait3A_138 = arith.constant 0 : i32
      %dma_wait3A_139 = arith.constant 0 : i32
      %dma_wait3A_140 = tpu.memref_slice %arg3[%dma_wait3A_138, %dma_wait3A_139] : memref<64x65536xf32, #tpu.memory_space<hbm>> -> memref<64x128xf32, #tpu.memory_space<hbm>>
      %dma_wait3A_141 = arith.constant 0 : i32
      %dma_wait3A_142 = arith.constant 0 : i32
      %dma_wait3A_143 = tpu.memref_slice %arg11[%dma_wait3A_141, %dma_wait3A_142] : memref<65x128xf32, #tpu.memory_space<vmem>> -> memref<64x128xf32, #tpu.memory_space<vmem>>
      %dma_wait3A_144 = arith.constant 0 : i32
      %dma_wait3A_145 = arith.constant 0 : i32
      %dma_wait3A_146 = tpu.memref_slice %arg3[%dma_wait3A_144, %dma_wait3A_145] : memref<64x65536xf32, #tpu.memory_space<hbm>> -> memref<64x128xf32, #tpu.memory_space<hbm>>
      tpu.wait_dma2 semaphore(%arg19 : memref<!tpu.dma_semaphore, #tpu.memory_space<semaphore_mem>>) src(%dma_wait3A_146 : memref<64x128xf32, #tpu.memory_space<hbm>>) dst(%dma_wait3A_143 : memref<64x128xf32, #tpu.memory_space<vmem>>)
      %dma_wait3A_147 = arith.constant 64 : i32
      %dma_wait3A_148 = arith.constant 0 : i32
      %dma_wait3A_149 = tpu.memref_slice %arg11[%dma_wait3A_147, %dma_wait3A_148] : memref<65x128xf32, #tpu.memory_space<vmem>> -> memref<1x128xf32, #tpu.memory_space<vmem>>
      %dma_wait3A_150 = tpu.memref_squeeze %dma_wait3A_149 : memref<1x128xf32, #tpu.memory_space<vmem>> -> memref<128xf32, #tpu.memory_space<vmem>>
      %dma_wait3A_151 = arith.constant 0 : i32
      %dma_wait3A_152 = tpu.memref_slice %arg4[%dma_wait3A_151] : memref<65536xf32, #tpu.memory_space<hbm>> -> memref<128xf32, #tpu.memory_space<hbm>>
      %dma_wait3A_153 = arith.constant 0 : i32
      %dma_wait3A_154 = tpu.memref_slice %arg11[%dma_wait3A_147, %dma_wait3A_153] : memref<65x128xf32, #tpu.memory_space<vmem>> -> memref<1x128xf32, #tpu.memory_space<vmem>>
      %dma_wait3A_155 = tpu.memref_squeeze %dma_wait3A_154 : memref<1x128xf32, #tpu.memory_space<vmem>> -> memref<128xf32, #tpu.memory_space<vmem>>
      %dma_wait3A_156 = arith.constant 0 : i32
      %dma_wait3A_157 = tpu.memref_slice %arg4[%dma_wait3A_156] : memref<65536xf32, #tpu.memory_space<hbm>> -> memref<128xf32, #tpu.memory_space<hbm>>
      tpu.wait_dma2 semaphore(%arg19 : memref<!tpu.dma_semaphore, #tpu.memory_space<semaphore_mem>>) src(%dma_wait3A_157 : memref<128xf32, #tpu.memory_space<hbm>>) dst(%dma_wait3A_155 : memref<128xf32, #tpu.memory_space<vmem>>)
      %dma_wait3A_158 = arith.constant 0 : i32
      %dma_wait3A_159 = tpu.memref_slice %arg4[%dma_wait3A_158] : memref<65536xf32, #tpu.memory_space<hbm>> -> memref<128xf32, #tpu.memory_space<hbm>>
      %dma_wait3A_160 = arith.constant 0 : i32
      %dma_wait3A_161 = tpu.memref_slice %arg4[%dma_wait3A_160] : memref<65536xf32, #tpu.memory_space<hbm>> -> memref<128xf32, #tpu.memory_space<hbm>>
      tpu.wait_dma2 semaphore(%arg19 : memref<!tpu.dma_semaphore, #tpu.memory_space<semaphore_mem>>) src(%dma_wait3A_161 : memref<128xf32, #tpu.memory_space<hbm>>) dst(%arg13 : memref<128xf32, #tpu.memory_space<vmem>>)
      %dma_wait3A_162 = arith.constant 0 : i32
      %dma_wait3A_163 = tpu.memref_slice %arg4[%dma_wait3A_162] : memref<65536xf32, #tpu.memory_space<hbm>> -> memref<128xf32, #tpu.memory_space<hbm>>
      %dma_wait3A_164 = arith.constant 0 : i32
      %dma_wait3A_165 = tpu.memref_slice %arg4[%dma_wait3A_164] : memref<65536xf32, #tpu.memory_space<hbm>> -> memref<128xf32, #tpu.memory_space<hbm>>
      tpu.wait_dma2 semaphore(%arg19 : memref<!tpu.dma_semaphore, #tpu.memory_space<semaphore_mem>>) src(%dma_wait3A_165 : memref<128xf32, #tpu.memory_space<hbm>>) dst(%arg15 : memref<128xf32, #tpu.memory_space<vmem>>)
      %gt3A_166 = arith.constant 0 : i32
      %gt3A_167 = arith.cmpi sgt, %scan3A_53, %gt3A_166 : i32
      %convert_element_type3A_168 = arith.extui %gt3A_167 : i1 to i32
      %cond3A_169 = arith.constant 0 : i32
      %cond3A_170 = arith.cmpi ne, %convert_element_type3A_168, %cond3A_169 : i32
      scf.if %cond3A_170 {
        %dma_wait3A_186 = arith.constant 0 : i32
        %dma_wait3A_187 = arith.constant 0 : i32
        %dma_wait3A_188 = tpu.memref_slice %arg7[%dma_wait3A_186, %dma_wait3A_187] : memref<130x65536xf32, #tpu.memory_space<hbm>> -> memref<130x128xf32, #tpu.memory_space<hbm>>
        %dma_wait3A_189 = arith.constant 0 : i32
        %dma_wait3A_190 = arith.constant 0 : i32
        %dma_wait3A_191 = tpu.memref_slice %arg7[%dma_wait3A_189, %dma_wait3A_190] : memref<130x65536xf32, #tpu.memory_space<hbm>> -> memref<130x128xf32, #tpu.memory_space<hbm>>
        tpu.wait_dma2 semaphore(%arg21 : memref<!tpu.dma_semaphore, #tpu.memory_space<semaphore_mem>>) src(%dma_wait3A_191 : memref<130x128xf32, #tpu.memory_space<hbm>>) dst(%arg17 : memref<130x128xf32, #tpu.memory_space<vmem>>)
      } else {
      }
      %scan3A_171 = arith.constant 0 : i32
      %scan3A_172 = arith.constant 0 : i32
      %scan3A_173 = arith.constant 4 : i32
      %scan3A_174 = arith.addi %scan3A_172, %scan3A_173 : i32
      %scan3A_175 = arith.constant 1 : i32
      %scan3A_176 = scf.for %scan3A_186 = %scan3A_172 to %scan3A_174 step %scan3A_175 iter_args(%scan3A_187 = %scan3A_171) -> (i32)  : i32 {
        %mul3A_188 = arith.constant 2 : i32
        %mul3A_189 = arith.muli %scan3A_186, %mul3A_188 : i32
        %add3A_190 = arith.constant 0 : i32
        %add3A_191 = arith.addi %mul3A_189, %add3A_190 : i32
        %mul3A_192 = arith.constant 16 : i32
        %mul3A_193 = arith.muli %add3A_191, %mul3A_192 : i32
        %add3A_194 = vector.broadcast %mul3A_193 : i32 to vector<16xi32>
        %add3A_195 = arith.addi %add3A_194, %iota3A : vector<16xi32>
        %get3A = arith.index_cast %mul3A_193 : i32 to index
        %get3A_196 = tpu.vector_load %arg13[%get3A] {strides = array<i32>} : memref<128xf32, #tpu.memory_space<vmem>>, vector<16xf32>,
        %get3A_197 = arith.index_cast %mul3A_193 : i32 to index
        %get3A_198 = tpu.vector_load %arg15[%get3A_197] {strides = array<i32>} : memref<128xf32, #tpu.memory_space<vmem>>, vector<16xf32>,
        %sub3A = arith.subf %get3A_198, %get3A_196 : vector<16xf32>
        %mul3A_199 = arith.constant 2 : i32
        %mul3A_200 = arith.muli %scan3A_186, %mul3A_199 : i32
        %add3A_201 = arith.constant 1 : i32
        %add3A_202 = arith.addi %mul3A_200, %add3A_201 : i32
        %mul3A_203 = arith.constant 16 : i32
        %mul3A_204 = arith.muli %add3A_202, %mul3A_203 : i32
        %add3A_205 = vector.broadcast %mul3A_204 : i32 to vector<16xi32>
        %add3A_206 = arith.addi %add3A_205, %iota3A : vector<16xi32>
        %get3A_207 = arith.index_cast %mul3A_204 : i32 to index
        %get3A_208 = tpu.vector_load %arg13[%get3A_207] {strides = array<i32>} : memref<128xf32, #tpu.memory_space<vmem>>, vector<16xf32>,
        %get3A_209 = arith.index_cast %mul3A_204 : i32 to index
        %get3A_210 = tpu.vector_load %arg15[%get3A_209] {strides = array<i32>} : memref<128xf32, #tpu.memory_space<vmem>>, vector<16xf32>,
        %sub3A_211 = arith.subf %get3A_210, %get3A_208 : vector<16xf32>
        %parallel_loop3A = arith.constant 0 : i32
        %parallel_loop3A_212 = arith.constant 64 : i32
        %parallel_loop3A_213 = arith.constant 1 : i32
        %parallel_loop3A_214:2 = scf.for %parallel_loop3A_241 = %parallel_loop3A to %parallel_loop3A_212 step %parallel_loop3A_213 iter_args(%parallel_loop3A_242 = %broadcast_in_dim3A_7, %parallel_loop3A_243 = %broadcast_in_dim3A_7) -> (vector<16xf32>, vector<16xf32>)  : i32 {
          %parallel_loop3A_244 = arith.index_cast %parallel_loop3A_241 : i32 to index
          %parallel_loop3A_245 = arith.index_cast %mul3A_193 : i32 to index
          %parallel_loop3A_246 = tpu.vector_load %arg9[%parallel_loop3A_244, %parallel_loop3A_245] {strides = array<i32>} : memref<64x128xf32, #tpu.memory_space<vmem>>, vector<16xf32>,
          %parallel_loop3A_247 = arith.constant 0.00999999977 : f32
          %parallel_loop3A_248 = vector.broadcast %parallel_loop3A_247 : f32 to vector<16xf32>
          %parallel_loop3A_249 = arith.addf %parallel_loop3A_246, %parallel_loop3A_248 : vector<16xf32>
          %parallel_loop3A_250 = arith.addf %parallel_loop3A_242, %parallel_loop3A_249 : vector<16xf32>
          %parallel_loop3A_251 = arith.constant 1 : i32
          %parallel_loop3A_252 = arith.addi %parallel_loop3A_241, %parallel_loop3A_251 : i32
          %parallel_loop3A_253 = arith.constant 16 : i32
          %parallel_loop3A_254 = arith.muli %parallel_loop3A_252, %parallel_loop3A_253 : i32
          %parallel_loop3A_255 = arith.index_cast %parallel_loop3A_254 : i32 to index
          %parallel_loop3A_256 = tpu.vector_load %arg22[%parallel_loop3A_255] {strides = array<i32>} : memref<1040xf32, #tpu.memory_space<vmem>>, vector<16xf32>,
          tpu.vector_store %arg22[%parallel_loop3A_255], %parallel_loop3A_250 {strides = array<i32>} : memref<1040xf32, #tpu.memory_space<vmem>>, vector<16xf32>,
          %parallel_loop3A_257 = arith.constant 16 : i32
          %parallel_loop3A_258 = arith.muli %parallel_loop3A_241, %parallel_loop3A_257 : i32
          %parallel_loop3A_259 = arith.index_cast %parallel_loop3A_258 : i32 to index
          %parallel_loop3A_260 = tpu.vector_load %arg24[%parallel_loop3A_259] {strides = array<i32>} : memref<1056xi32, #tpu.memory_space<vmem>>, vector<16xi32>,
          tpu.vector_store %arg24[%parallel_loop3A_259], %broadcast_in_dim3A_5 {strides = array<i32>} : memref<1056xi32, #tpu.memory_space<vmem>>, vector<16xi32>,
          %parallel_loop3A_261 = arith.index_cast %parallel_loop3A_241 : i32 to index
          %parallel_loop3A_262 = arith.index_cast %mul3A_204 : i32 to index
          %parallel_loop3A_263 = tpu.vector_load %arg9[%parallel_loop3A_261, %parallel_loop3A_262] {strides = array<i32>} : memref<64x128xf32, #tpu.memory_space<vmem>>, vector<16xf32>,
          %parallel_loop3A_264 = arith.constant 0.00999999977 : f32
          %parallel_loop3A_265 = vector.broadcast %parallel_loop3A_264 : f32 to vector<16xf32>
          %parallel_loop3A_266 = arith.addf %parallel_loop3A_263, %parallel_loop3A_265 : vector<16xf32>
          %parallel_loop3A_267 = arith.addf %parallel_loop3A_243, %parallel_loop3A_266 : vector<16xf32>
          %parallel_loop3A_268 = arith.constant 1 : i32
          %parallel_loop3A_269 = arith.addi %parallel_loop3A_241, %parallel_loop3A_268 : i32
          %parallel_loop3A_270 = arith.constant 16 : i32
          %parallel_loop3A_271 = arith.muli %parallel_loop3A_269, %parallel_loop3A_270 : i32
          %parallel_loop3A_272 = arith.index_cast %parallel_loop3A_271 : i32 to index
          %parallel_loop3A_273 = tpu.vector_load %arg23[%parallel_loop3A_272] {strides = array<i32>} : memref<1040xf32, #tpu.memory_space<vmem>>, vector<16xf32>,
          tpu.vector_store %arg23[%parallel_loop3A_272], %parallel_loop3A_267 {strides = array<i32>} : memref<1040xf32, #tpu.memory_space<vmem>>, vector<16xf32>,
          %parallel_loop3A_274 = arith.constant 16 : i32
          %parallel_loop3A_275 = arith.muli %parallel_loop3A_241, %parallel_loop3A_274 : i32
          %parallel_loop3A_276 = arith.index_cast %parallel_loop3A_275 : i32 to index
          %parallel_loop3A_277 = tpu.vector_load %arg25[%parallel_loop3A_276] {strides = array<i32>} : memref<1056xi32, #tpu.memory_space<vmem>>, vector<16xi32>,
          tpu.vector_store %arg25[%parallel_loop3A_276], %broadcast_in_dim3A_5 {strides = array<i32>} : memref<1056xi32, #tpu.memory_space<vmem>>, vector<16xi32>,
          scf.yield %parallel_loop3A_250, %parallel_loop3A_267 : vector<16xf32>, vector<16xf32>
        } {sc.loop_unroll_factor = 4 : i64, sc.parallel_access}
        %swap3A = arith.constant 1024 : index
        %swap3A_215 = tpu.vector_load %arg24[%swap3A] {strides = array<i32>} : memref<1056xi32, #tpu.memory_space<vmem>>, vector<16xi32>,
        tpu.vector_store %arg24[%swap3A], %broadcast_in_dim3A_5 {strides = array<i32>} : memref<1056xi32, #tpu.memory_space<vmem>>, vector<16xi32>,
        %swap3A_216 = arith.constant 1040 : index
        %swap3A_217 = tpu.vector_load %arg24[%swap3A_216] {strides = array<i32>} : memref<1056xi32, #tpu.memory_space<vmem>>, vector<16xi32>,
        tpu.vector_store %arg24[%swap3A_216], %broadcast_in_dim3A_5 {strides = array<i32>} : memref<1056xi32, #tpu.memory_space<vmem>>, vector<16xi32>,
        %swap3A_218 = arith.constant 0 : index
        %swap3A_219 = tpu.vector_load %arg22[%swap3A_218] {strides = array<i32>} : memref<1040xf32, #tpu.memory_space<vmem>>, vector<16xf32>,
        tpu.vector_store %arg22[%swap3A_218], %broadcast_in_dim3A_7 {strides = array<i32>} : memref<1040xf32, #tpu.memory_space<vmem>>, vector<16xf32>,
        %div3A = arith.constant 1.000000e+00 : f32
        %div3A_220 = vector.broadcast %div3A : f32 to vector<16xf32>
        %div3A_221 = arith.divf %div3A_220, %parallel_loop3A_214#0 : vector<16xf32>
        %swap3A_222 = arith.constant 1024 : index
        %swap3A_223 = tpu.vector_load %arg25[%swap3A_222] {strides = array<i32>} : memref<1056xi32, #tpu.memory_space<vmem>>, vector<16xi32>,
        tpu.vector_store %arg25[%swap3A_222], %broadcast_in_dim3A_5 {strides = array<i32>} : memref<1056xi32, #tpu.memory_space<vmem>>, vector<16xi32>,
        %swap3A_224 = arith.constant 1040 : index
        %swap3A_225 = tpu.vector_load %arg25[%swap3A_224] {strides = array<i32>} : memref<1056xi32, #tpu.memory_space<vmem>>, vector<16xi32>,
        tpu.vector_store %arg25[%swap3A_224], %broadcast_in_dim3A_5 {strides = array<i32>} : memref<1056xi32, #tpu.memory_space<vmem>>, vector<16xi32>,
        %swap3A_226 = arith.constant 0 : index
        %swap3A_227 = tpu.vector_load %arg23[%swap3A_226] {strides = array<i32>} : memref<1040xf32, #tpu.memory_space<vmem>>, vector<16xf32>,
        tpu.vector_store %arg23[%swap3A_226], %broadcast_in_dim3A_7 {strides = array<i32>} : memref<1040xf32, #tpu.memory_space<vmem>>, vector<16xf32>,
        %div3A_228 = arith.constant 1.000000e+00 : f32
        %div3A_229 = vector.broadcast %div3A_228 : f32 to vector<16xf32>
        %div3A_230 = arith.divf %div3A_229, %parallel_loop3A_214#1 : vector<16xf32>
        %parallel_loop3A_231 = arith.constant 0 : i32
        %parallel_loop3A_232 = arith.constant 65 : i32
        %parallel_loop3A_233 = arith.constant 1 : i32
        %parallel_loop3A_234 = arith.constant 0 : i32
        %parallel_loop3A_235 = scf.for %parallel_loop3A_241 = %parallel_loop3A_231 to %parallel_loop3A_232 step %parallel_loop3A_233 iter_args(%parallel_loop3A_242 = %parallel_loop3A_234) -> (i32)  : i32 {
          %parallel_loop3A_243 = arith.constant 16 : i32
          %parallel_loop3A_244 = arith.muli %parallel_loop3A_241, %parallel_loop3A_243 : i32
          %parallel_loop3A_245 = arith.index_cast %parallel_loop3A_244 : i32 to index
          %parallel_loop3A_246 = tpu.vector_load %arg22[%parallel_loop3A_245] {strides = array<i32>} : memref<1040xf32, #tpu.memory_space<vmem>>, vector<16xf32>,
          %parallel_loop3A_247 = arith.mulf %parallel_loop3A_246, %div3A_221 : vector<16xf32>
          %parallel_loop3A_248 = arith.constant 16 : i32
          %parallel_loop3A_249 = arith.muli %parallel_loop3A_241, %parallel_loop3A_248 : i32
          %parallel_loop3A_250 = arith.index_cast %parallel_loop3A_249 : i32 to index
          %parallel_loop3A_251 = tpu.vector_load %arg22[%parallel_loop3A_250] {strides = array<i32>} : memref<1040xf32, #tpu.memory_space<vmem>>, vector<16xf32>,
          tpu.vector_store %arg22[%parallel_loop3A_250], %parallel_loop3A_247 {strides = array<i32>} : memref<1040xf32, #tpu.memory_space<vmem>>, vector<16xf32>,
          %parallel_loop3A_252 = arith.constant 6.500000e+01 : f32
          %parallel_loop3A_253 = vector.broadcast %parallel_loop3A_252 : f32 to vector<16xf32>
          %parallel_loop3A_254 = arith.mulf %parallel_loop3A_247, %parallel_loop3A_253 : vector<16xf32>
          %parallel_loop3A_255 = arith.constant 5.000000e-01 : f32
          %parallel_loop3A_256 = vector.broadcast %parallel_loop3A_255 : f32 to vector<16xf32>
          %parallel_loop3A_257 = arith.subf %parallel_loop3A_254, %parallel_loop3A_256 : vector<16xf32>
          %parallel_loop3A_258 = arith.fptosi %parallel_loop3A_257 : vector<16xf32> to vector<16xi32>
          %parallel_loop3A_259 = arith.sitofp %parallel_loop3A_258 : vector<16xi32> to vector<16xf32>
          %parallel_loop3A_260 = arith.cmpf ogt, %parallel_loop3A_257, %parallel_loop3A_259 : vector<16xf32>
          %parallel_loop3A_261 = arith.constant 1 : i32
          %parallel_loop3A_262 = vector.broadcast %parallel_loop3A_261 : i32 to vector<16xi32>
          %parallel_loop3A_263 = arith.addi %parallel_loop3A_258, %parallel_loop3A_262 : vector<16xi32>
          %parallel_loop3A_264 = arith.select %parallel_loop3A_260, %parallel_loop3A_263, %parallel_loop3A_258 : vector<16xi1>, vector<16xi32>
          %parallel_loop3A_265 = arith.constant 16 : i32
          %parallel_loop3A_266 = vector.broadcast %parallel_loop3A_265 : i32 to vector<16xi32>
          %parallel_loop3A_267 = arith.muli %parallel_loop3A_264, %parallel_loop3A_266 : vector<16xi32>
          %parallel_loop3A_268 = arith.addi %parallel_loop3A_267, %iota3A : vector<16xi32>
          tpu.vector_store_idx %arg24[%parallel_loop3A_268], %broadcast_in_dim3A_3 {add = true} : memref<1056xi32, #tpu.memory_space<vmem>>[vector<16xi32>], vector<16xi32>,
          %parallel_loop3A_269 = arith.index_cast %parallel_loop3A_241 : i32 to index
          %parallel_loop3A_270 = arith.index_cast %mul3A_193 : i32 to index
          %parallel_loop3A_271 = tpu.vector_load %arg11[%parallel_loop3A_269, %parallel_loop3A_270] {strides = array<i32>} : memref<65x128xf32, #tpu.memory_space<vmem>>, vector<16xf32>,
          %parallel_loop3A_272 = arith.mulf %parallel_loop3A_271, %sub3A : vector<16xf32>
          %parallel_loop3A_273 = arith.addf %get3A_196, %parallel_loop3A_272 : vector<16xf32>
          %parallel_loop3A_274 = vector.broadcast %parallel_loop3A_241 : i32 to vector<16xi32>
          %parallel_loop3A_275 = arith.addi %parallel_loop3A_264, %parallel_loop3A_274 : vector<16xi32>
          tpu.vector_store_idx %arg17[%parallel_loop3A_275, %add3A_195], %parallel_loop3A_273 : memref<130x128xf32, #tpu.memory_space<vmem>>[vector<16xi32>, vector<16xi32>], vector<16xf32>,
          %parallel_loop3A_276 = arith.constant 16 : i32
          %parallel_loop3A_277 = arith.muli %parallel_loop3A_241, %parallel_loop3A_276 : i32
          %parallel_loop3A_278 = arith.index_cast %parallel_loop3A_277 : i32 to index
          %parallel_loop3A_279 = tpu.vector_load %arg23[%parallel_loop3A_278] {strides = array<i32>} : memref<1040xf32, #tpu.memory_space<vmem>>, vector<16xf32>,
          %parallel_loop3A_280 = arith.mulf %parallel_loop3A_279, %div3A_230 : vector<16xf32>
          %parallel_loop3A_281 = arith.constant 16 : i32
          %parallel_loop3A_282 = arith.muli %parallel_loop3A_241, %parallel_loop3A_281 : i32
          %parallel_loop3A_283 = arith.index_cast %parallel_loop3A_282 : i32 to index
          %parallel_loop3A_284 = tpu.vector_load %arg23[%parallel_loop3A_283] {strides = array<i32>} : memref<1040xf32, #tpu.memory_space<vmem>>, vector<16xf32>,
          tpu.vector_store %arg23[%parallel_loop3A_283], %parallel_loop3A_280 {strides = array<i32>} : memref<1040xf32, #tpu.memory_space<vmem>>, vector<16xf32>,
          %parallel_loop3A_285 = arith.constant 6.500000e+01 : f32
          %parallel_loop3A_286 = vector.broadcast %parallel_loop3A_285 : f32 to vector<16xf32>
          %parallel_loop3A_287 = arith.mulf %parallel_loop3A_280, %parallel_loop3A_286 : vector<16xf32>
          %parallel_loop3A_288 = arith.constant 5.000000e-01 : f32
          %parallel_loop3A_289 = vector.broadcast %parallel_loop3A_288 : f32 to vector<16xf32>
          %parallel_loop3A_290 = arith.subf %parallel_loop3A_287, %parallel_loop3A_289 : vector<16xf32>
          %parallel_loop3A_291 = arith.fptosi %parallel_loop3A_290 : vector<16xf32> to vector<16xi32>
          %parallel_loop3A_292 = arith.sitofp %parallel_loop3A_291 : vector<16xi32> to vector<16xf32>
          %parallel_loop3A_293 = arith.cmpf ogt, %parallel_loop3A_290, %parallel_loop3A_292 : vector<16xf32>
          %parallel_loop3A_294 = arith.constant 1 : i32
          %parallel_loop3A_295 = vector.broadcast %parallel_loop3A_294 : i32 to vector<16xi32>
          %parallel_loop3A_296 = arith.addi %parallel_loop3A_291, %parallel_loop3A_295 : vector<16xi32>
          %parallel_loop3A_297 = arith.select %parallel_loop3A_293, %parallel_loop3A_296, %parallel_loop3A_291 : vector<16xi1>, vector<16xi32>
          %parallel_loop3A_298 = arith.constant 16 : i32
          %parallel_loop3A_299 = vector.broadcast %parallel_loop3A_298 : i32 to vector<16xi32>
          %parallel_loop3A_300 = arith.muli %parallel_loop3A_297, %parallel_loop3A_299 : vector<16xi32>
          %parallel_loop3A_301 = arith.addi %parallel_loop3A_300, %iota3A : vector<16xi32>
          tpu.vector_store_idx %arg25[%parallel_loop3A_301], %broadcast_in_dim3A_3 {add = true} : memref<1056xi32, #tpu.memory_space<vmem>>[vector<16xi32>], vector<16xi32>,
          %parallel_loop3A_302 = arith.index_cast %parallel_loop3A_241 : i32 to index
          %parallel_loop3A_303 = arith.index_cast %mul3A_204 : i32 to index
          %parallel_loop3A_304 = tpu.vector_load %arg11[%parallel_loop3A_302, %parallel_loop3A_303] {strides = array<i32>} : memref<65x128xf32, #tpu.memory_space<vmem>>, vector<16xf32>,
          %parallel_loop3A_305 = arith.mulf %parallel_loop3A_304, %sub3A_211 : vector<16xf32>
          %parallel_loop3A_306 = arith.addf %get3A_208, %parallel_loop3A_305 : vector<16xf32>
          %parallel_loop3A_307 = vector.broadcast %parallel_loop3A_241 : i32 to vector<16xi32>
          %parallel_loop3A_308 = arith.addi %parallel_loop3A_297, %parallel_loop3A_307 : vector<16xi32>
          tpu.vector_store_idx %arg17[%parallel_loop3A_308, %add3A_206], %parallel_loop3A_306 : memref<130x128xf32, #tpu.memory_space<vmem>>[vector<16xi32>, vector<16xi32>], vector<16xf32>,
          scf.yield %parallel_loop3A_242 : i32
        } {sc.loop_unroll_factor = 4 : i64, sc.parallel_access}
        %parallel_loop3A_236 = arith.constant 0 : i32
        %parallel_loop3A_237 = arith.constant 65 : i32
        %parallel_loop3A_238 = arith.constant 1 : i32
        %parallel_loop3A_239:2 = scf.for %parallel_loop3A_241 = %parallel_loop3A_236 to %parallel_loop3A_237 step %parallel_loop3A_238 iter_args(%parallel_loop3A_242 = %broadcast_in_dim3A_5, %parallel_loop3A_243 = %broadcast_in_dim3A_5) -> (vector<16xi32>, vector<16xi32>)  : i32 {
          %parallel_loop3A_244 = arith.sitofp %parallel_loop3A_241 : i32 to f32
          %parallel_loop3A_245 = arith.constant 2.000000e+00 : f32
          %parallel_loop3A_246 = arith.mulf %parallel_loop3A_244, %parallel_loop3A_245 : f32
          %parallel_loop3A_247 = arith.constant 1.000000e+00 : f32
          %parallel_loop3A_248 = arith.addf %parallel_loop3A_246, %parallel_loop3A_247 : f32
          %parallel_loop3A_249 = arith.constant 0.0076923077 : f32
          %parallel_loop3A_250 = arith.mulf %parallel_loop3A_248, %parallel_loop3A_249 : f32
          %parallel_loop3A_251 = arith.constant 16 : i32
          %parallel_loop3A_252 = arith.muli %parallel_loop3A_241, %parallel_loop3A_251 : i32
          %parallel_loop3A_253 = arith.index_cast %parallel_loop3A_252 : i32 to index
          %parallel_loop3A_254 = tpu.vector_load %arg24[%parallel_loop3A_253] {strides = array<i32>} : memref<1056xi32, #tpu.memory_space<vmem>>, vector<16xi32>,
          %parallel_loop3A_255 = arith.addi %parallel_loop3A_242, %parallel_loop3A_254 : vector<16xi32>
          %parallel_loop3A_256 = arith.constant 16 : i32
          %parallel_loop3A_257 = vector.broadcast %parallel_loop3A_256 : i32 to vector<16xi32>
          %parallel_loop3A_258 = arith.muli %parallel_loop3A_255, %parallel_loop3A_257 : vector<16xi32>
          %parallel_loop3A_259 = arith.addi %parallel_loop3A_258, %iota3A : vector<16xi32>
          %parallel_loop3A_260 = arith.constant 16 : i32
          %parallel_loop3A_261 = vector.broadcast %parallel_loop3A_260 : i32 to vector<16xi32>
          %parallel_loop3A_262 = arith.subi %parallel_loop3A_259, %parallel_loop3A_261 : vector<16xi32>
          %parallel_loop3A_263 = tpu.vector_load_idx %arg22[%parallel_loop3A_262] : memref<1040xf32, #tpu.memory_space<vmem>>[vector<16xi32>], vector<16xf32>,
          %parallel_loop3A_264 = tpu.vector_load_idx %arg22[%parallel_loop3A_259] : memref<1040xf32, #tpu.memory_space<vmem>>[vector<16xi32>], vector<16xf32>,
          %parallel_loop3A_265 = arith.constant 1 : i32
          %parallel_loop3A_266 = vector.broadcast %parallel_loop3A_265 : i32 to vector<16xi32>
          %parallel_loop3A_267 = arith.subi %parallel_loop3A_255, %parallel_loop3A_266 : vector<16xi32>
          %parallel_loop3A_268 = tpu.vector_load_idx %arg11[%parallel_loop3A_267, %add3A_195] : memref<65x128xf32, #tpu.memory_space<vmem>>[vector<16xi32>, vector<16xi32>], vector<16xf32>,
          %parallel_loop3A_269 = tpu.vector_load_idx %arg11[%parallel_loop3A_255, %add3A_195] : memref<65x128xf32, #tpu.memory_space<vmem>>[vector<16xi32>, vector<16xi32>], vector<16xf32>,
          %parallel_loop3A_270 = vector.broadcast %parallel_loop3A_250 : f32 to vector<16xf32>
          %parallel_loop3A_271 = arith.subf %parallel_loop3A_270, %parallel_loop3A_263 : vector<16xf32>
          %parallel_loop3A_272 = arith.subf %parallel_loop3A_264, %parallel_loop3A_263 : vector<16xf32>
          %parallel_loop3A_273 = arith.constant 0.000000e+00 : f32
          %parallel_loop3A_274 = vector.broadcast %parallel_loop3A_273 : f32 to vector<16xf32>
          %parallel_loop3A_275 = arith.cmpf ole, %parallel_loop3A_271, %parallel_loop3A_274 : vector<16xf32>
          %parallel_loop3A_276 = arith.cmpf oge, %parallel_loop3A_271, %parallel_loop3A_272 : vector<16xf32>
          %parallel_loop3A_277 = arith.divf %parallel_loop3A_271, %parallel_loop3A_272 : vector<16xf32>
          %parallel_loop3A_278 = arith.constant 1.000000e+00 : f32
          %parallel_loop3A_279 = vector.broadcast %parallel_loop3A_278 : f32 to vector<16xf32>
          %parallel_loop3A_280 = arith.select %parallel_loop3A_276, %parallel_loop3A_279, %parallel_loop3A_277 : vector<16xi1>, vector<16xf32>
          %parallel_loop3A_281 = arith.constant 0.000000e+00 : f32
          %parallel_loop3A_282 = vector.broadcast %parallel_loop3A_281 : f32 to vector<16xf32>
          %parallel_loop3A_283 = arith.select %parallel_loop3A_275, %parallel_loop3A_282, %parallel_loop3A_280 : vector<16xi1>, vector<16xf32>
          %parallel_loop3A_284 = arith.subf %parallel_loop3A_269, %parallel_loop3A_268 : vector<16xf32>
          %parallel_loop3A_285 = arith.mulf %parallel_loop3A_283, %parallel_loop3A_284 : vector<16xf32>
          %parallel_loop3A_286 = arith.addf %parallel_loop3A_268, %parallel_loop3A_285 : vector<16xf32>
          %parallel_loop3A_287 = arith.mulf %parallel_loop3A_286, %sub3A : vector<16xf32>
          %parallel_loop3A_288 = arith.addf %get3A_196, %parallel_loop3A_287 : vector<16xf32>
          %parallel_loop3A_289 = vector.broadcast %parallel_loop3A_241 : i32 to vector<16xi32>
          %parallel_loop3A_290 = arith.addi %parallel_loop3A_255, %parallel_loop3A_289 : vector<16xi32>
          tpu.vector_store_idx %arg17[%parallel_loop3A_290, %add3A_195], %parallel_loop3A_288 : memref<130x128xf32, #tpu.memory_space<vmem>>[vector<16xi32>, vector<16xi32>], vector<16xf32>,
          %parallel_loop3A_291 = arith.constant 16 : i32
          %parallel_loop3A_292 = arith.muli %parallel_loop3A_241, %parallel_loop3A_291 : i32
          %parallel_loop3A_293 = arith.index_cast %parallel_loop3A_292 : i32 to index
          %parallel_loop3A_294 = tpu.vector_load %arg25[%parallel_loop3A_293] {strides = array<i32>} : memref<1056xi32, #tpu.memory_space<vmem>>, vector<16xi32>,
          %parallel_loop3A_295 = arith.addi %parallel_loop3A_243, %parallel_loop3A_294 : vector<16xi32>
          %parallel_loop3A_296 = arith.constant 16 : i32
          %parallel_loop3A_297 = vector.broadcast %parallel_loop3A_296 : i32 to vector<16xi32>
          %parallel_loop3A_298 = arith.muli %parallel_loop3A_295, %parallel_loop3A_297 : vector<16xi32>
          %parallel_loop3A_299 = arith.addi %parallel_loop3A_298, %iota3A : vector<16xi32>
          %parallel_loop3A_300 = arith.constant 16 : i32
          %parallel_loop3A_301 = vector.broadcast %parallel_loop3A_300 : i32 to vector<16xi32>
          %parallel_loop3A_302 = arith.subi %parallel_loop3A_299, %parallel_loop3A_301 : vector<16xi32>
          %parallel_loop3A_303 = tpu.vector_load_idx %arg23[%parallel_loop3A_302] : memref<1040xf32, #tpu.memory_space<vmem>>[vector<16xi32>], vector<16xf32>,
          %parallel_loop3A_304 = tpu.vector_load_idx %arg23[%parallel_loop3A_299] : memref<1040xf32, #tpu.memory_space<vmem>>[vector<16xi32>], vector<16xf32>,
          %parallel_loop3A_305 = arith.constant 1 : i32
          %parallel_loop3A_306 = vector.broadcast %parallel_loop3A_305 : i32 to vector<16xi32>
          %parallel_loop3A_307 = arith.subi %parallel_loop3A_295, %parallel_loop3A_306 : vector<16xi32>
          %parallel_loop3A_308 = tpu.vector_load_idx %arg11[%parallel_loop3A_307, %add3A_206] : memref<65x128xf32, #tpu.memory_space<vmem>>[vector<16xi32>, vector<16xi32>], vector<16xf32>,
          %parallel_loop3A_309 = tpu.vector_load_idx %arg11[%parallel_loop3A_295, %add3A_206] : memref<65x128xf32, #tpu.memory_space<vmem>>[vector<16xi32>, vector<16xi32>], vector<16xf32>,
          %parallel_loop3A_310 = vector.broadcast %parallel_loop3A_250 : f32 to vector<16xf32>
          %parallel_loop3A_311 = arith.subf %parallel_loop3A_310, %parallel_loop3A_303 : vector<16xf32>
          %parallel_loop3A_312 = arith.subf %parallel_loop3A_304, %parallel_loop3A_303 : vector<16xf32>
          %parallel_loop3A_313 = arith.constant 0.000000e+00 : f32
          %parallel_loop3A_314 = vector.broadcast %parallel_loop3A_313 : f32 to vector<16xf32>
          %parallel_loop3A_315 = arith.cmpf ole, %parallel_loop3A_311, %parallel_loop3A_314 : vector<16xf32>
          %parallel_loop3A_316 = arith.cmpf oge, %parallel_loop3A_311, %parallel_loop3A_312 : vector<16xf32>
          %parallel_loop3A_317 = arith.divf %parallel_loop3A_311, %parallel_loop3A_312 : vector<16xf32>
          %parallel_loop3A_318 = arith.constant 1.000000e+00 : f32
          %parallel_loop3A_319 = vector.broadcast %parallel_loop3A_318 : f32 to vector<16xf32>
          %parallel_loop3A_320 = arith.select %parallel_loop3A_316, %parallel_loop3A_319, %parallel_loop3A_317 : vector<16xi1>, vector<16xf32>
          %parallel_loop3A_321 = arith.constant 0.000000e+00 : f32
          %parallel_loop3A_322 = vector.broadcast %parallel_loop3A_321 : f32 to vector<16xf32>
          %parallel_loop3A_323 = arith.select %parallel_loop3A_315, %parallel_loop3A_322, %parallel_loop3A_320 : vector<16xi1>, vector<16xf32>
          %parallel_loop3A_324 = arith.subf %parallel_loop3A_309, %parallel_loop3A_308 : vector<16xf32>
          %parallel_loop3A_325 = arith.mulf %parallel_loop3A_323, %parallel_loop3A_324 : vector<16xf32>
          %parallel_loop3A_326 = arith.addf %parallel_loop3A_308, %parallel_loop3A_325 : vector<16xf32>
          %parallel_loop3A_327 = arith.mulf %parallel_loop3A_326, %sub3A_211 : vector<16xf32>
          %parallel_loop3A_328 = arith.addf %get3A_208, %parallel_loop3A_327 : vector<16xf32>
          %parallel_loop3A_329 = vector.broadcast %parallel_loop3A_241 : i32 to vector<16xi32>
          %parallel_loop3A_330 = arith.addi %parallel_loop3A_295, %parallel_loop3A_329 : vector<16xi32>
          tpu.vector_store_idx %arg17[%parallel_loop3A_330, %add3A_206], %parallel_loop3A_328 : memref<130x128xf32, #tpu.memory_space<vmem>>[vector<16xi32>, vector<16xi32>], vector<16xf32>,
          scf.yield %parallel_loop3A_255, %parallel_loop3A_295 : vector<16xi32>, vector<16xi32>
        } {sc.loop_unroll_factor = 4 : i64, sc.parallel_access}
        %scan3A_240 = arith.constant 0 : i32
        scf.yield %scan3A_240 : i32
      }
      %scan3A_177 = arith.constant 4 : i32
      %mul3A_178 = arith.constant 128 : i32
      %mul3A_179 = arith.muli %add3A_121, %mul3A_178 : i32
      %add3A_180 = arith.addi %mul3A_2, %mul3A_179 : i32
      %dma_start3A_181 = arith.constant 0 : i32
      %dma_start3A_182 = tpu.memref_slice %arg7[%dma_start3A_181, %add3A_180] : memref<130x65536xf32, #tpu.memory_space<hbm>> -> memref<130x128xf32, #tpu.memory_space<hbm>>
      %dma_start3A_183 = arith.constant 0 : i32
      %dma_start3A_184 = tpu.memref_slice %arg7[%dma_start3A_183, %add3A_180] : memref<130x65536xf32, #tpu.memory_space<hbm>> -> memref<130x128xf32, #tpu.memory_space<hbm>>
      tpu.enqueue_dma source(%arg17 : memref<130x128xf32, #tpu.memory_space<vmem>>) target(%dma_start3A_184 : memref<130x128xf32, #tpu.memory_space<hbm>>) target_semaphore(%arg21 : memref<!tpu.dma_semaphore, #tpu.memory_space<semaphore_mem>>)
      %scan3A_185 = arith.constant 0 : i32
      scf.yield %scan3A_185 : i32
    }
    %scan3A_41 = arith.constant 8 : i32
    %dma_wait3A = arith.constant 0 : i32
    %dma_wait3A_42 = arith.constant 0 : i32
    %dma_wait3A_43 = tpu.memref_slice %arg7[%dma_wait3A, %dma_wait3A_42] : memref<130x65536xf32, #tpu.memory_space<hbm>> -> memref<130x128xf32, #tpu.memory_space<hbm>>
    %dma_wait3A_44 = arith.constant 0 : i32
    %dma_wait3A_45 = arith.constant 0 : i32
    %dma_wait3A_46 = tpu.memref_slice %arg7[%dma_wait3A_44, %dma_wait3A_45] : memref<130x65536xf32, #tpu.memory_space<hbm>> -> memref<130x128xf32, #tpu.memory_space<hbm>>
    tpu.wait_dma2 semaphore(%arg20 : memref<!tpu.dma_semaphore, #tpu.memory_space<semaphore_mem>>) src(%dma_wait3A_46 : memref<130x128xf32, #tpu.memory_space<hbm>>) dst(%arg16 : memref<130x128xf32, #tpu.memory_space<vmem>>)
    %dma_wait3A_47 = arith.constant 0 : i32
    %dma_wait3A_48 = arith.constant 0 : i32
    %dma_wait3A_49 = tpu.memref_slice %arg7[%dma_wait3A_47, %dma_wait3A_48] : memref<130x65536xf32, #tpu.memory_space<hbm>> -> memref<130x128xf32, #tpu.memory_space<hbm>>
    %dma_wait3A_50 = arith.constant 0 : i32
    %dma_wait3A_51 = arith.constant 0 : i32
    %dma_wait3A_52 = tpu.memref_slice %arg7[%dma_wait3A_50, %dma_wait3A_51] : memref<130x65536xf32, #tpu.memory_space<hbm>> -> memref<130x128xf32, #tpu.memory_space<hbm>>
    tpu.wait_dma2 semaphore(%arg21 : memref<!tpu.dma_semaphore, #tpu.memory_space<semaphore_mem>>) src(%dma_wait3A_52 : memref<130x128xf32, #tpu.memory_space<hbm>>) dst(%arg17 : memref<130x128xf32, #tpu.memory_space<vmem>>)
    return
  }
}

</mosaic_0001>

<sc_bundles>
// kernel: _run.3.cloned.1.call-start
scs
__scs_entry_jumppad:
0x0: {  	(pc) =	sbr.rel $0x88, $3  }
0x1: {  	(tag) =	ssettag $0x0;
	lr =	simm.s32 $0x1  }
0x2: {  	[smem:$0x3F9C] =	sst lr;
	_ =	strace $0xD0000000  }
0x3: {  	_ = 	snop  }
0x4: {  	_ = 	snop  }
0x5: {  	_ = 	snop  }
0x6: {  	_ = 	snop  }
0x7: {  	_ = 	snop  }
__scs_overlays_trampoline_lowered:
0x8: {  	[smem:$0x3FAB] =	sst s0  }
0x9: {  	[smem:$0x3FAC] =	sst s1  }
0xa: {  	[smem:$0x3FAD] =	sst s2  }
0xb: {  	[smem:$0x3FAE] =	sst s3  }
0xc: {  	[smem:$0x3FAF] =	sst s4  }
0xd: {  	[smem:$0x3FB0] =	sst s5  }
0xe: {  	[smem:$0x3FB1] =	sst s6  }
0xf: {  	[smem:$0x3FB2] =	sst s7  }
0x10: {  	[smem:$0x3FB3] =	sst s8  }
0x11: {  	[smem:$0x3FB4] =	sst s9;
	s0 =	simm.s32 @!p0 $0x0  }
0x12: {  	s1 =	sld [smem:$0x3F9A];
	s0 =	simm.s32 @p0 $0x1  }
0x13: {  	[smem:$0x3FB5] =	sst s0;
	s0 =	simm.s32 @!p1 $0x0  }
0x14: {  	s2 =	sld [smem:$0x3F99];
	s0 =	simm.s32 @p1 $0x1  }
0x15: {  	[smem:$0x3FB6] =	sst s0;
	s0 =	simm.s32 @!p2 $0x0  }
0x16: {  	s3 =	sld [smem:$0x3FDB];
	s0 =	simm.s32 @p2 $0x1  }
0x17: {  	s4 =	simm.s32 $0x1BF5;
	[smem:$0x3FB8] =	sst s0  }
0x18: {  	s0 =	sld [smem:$0x3F9B];
	_ =	swait.ge [sflag:s4], $0x0  }
0x19: {  	s7 =	sld [smem:$0x3F9C]  }
0x1a: {  	s8 =	sadd.s32 $0xFFFFE003, lr  }
0x1b: {  	s9 =	sadd.s32 $0xFFFFFEF7, lr;
	s5 =	simm.s32 $0xFFFFFFFF;
	p2 =	slt.u32 s8, $0xFFFFF086  }
0x1c: {  	p1 =	slt.u32 s9, $0xF7A;
	s5 =	simm.s32 @!p2 $0x0  }
0x1d: {  	s5 =	simm.s32 @p1 $0x1;
	p0 =	seq.s32 s7, s2  }
0x1e: {  	s7 =	smul.u32 @!p0 $0xF7A, s2;
	p2 =	seq.s32 @!p0 s5, $0x0  }
0x1f: {  	s9 =	smul.u32 $0xF7A, s1;
	s8 =	simm.s32 @!p0 $0x1BF5;
	p2 =	por !p2, p0  }
0x20: {  	[sflag:s8] =	ssyncset.s32 @!p0 $0xFFFFF086;
	s6 =	sadd.s32 @!p0 s3, s7;
	s7 =	simm.s32 @!p0 $0x108  }
0x21: {  	s3 =	sadd.s32 s3, s9;
	s6 =	sadd.s32 @!p0 $0x88, s6;
	s7 =	simm.s32 @p2 $0x1082  }
0x22: {  	[simem:s7], [sflag:s8] =	dma.local @!p0 [hbm:s6], $0xF7A  }
0x23: {  	s9 =	sor.u32 $0xD0000000, s2;
	s6 =	simm.s32 $0x108;
	_ =	swait.ge @!p0 [sflag:s8], $0x0  }
0x24: {  	s3 =	sadd.s32 $0x88, s3;
	s6 =	simm.s32 @!p1 $0x1082;
	[sflag:s4] =	ssyncset.s32 $0xFFFFF086  }
0x25: {  	[simem:s6], [sflag:s4] =	dma.local [hbm:s3], $0xF7A  }
0x26: {  	[smem:$0x3F9C] =	sst s1;
	(tag) =	ssettag s2;
	_ =	strace s9  }
0x27: {  	s1 =	sld [smem:$0x3FAC]  }
0x28: {  	s2 =	sld [smem:$0x3FAD]  }
0x29: {  	s4 =	sld [smem:$0x3FAF]  }
0x2a: {  	p0 =	seq.s32 s5, $0x0;
	s5 =	sld [smem:$0x3FB0]  }
0x2b: {  	s6 =	sld [smem:$0x3FB1]  }
0x2c: {  	s7 =	sld [smem:$0x3FB2]  }
0x2d: {  	s3 =	simm.s32 $0x108;
	s8 =	sld [smem:$0x3FB3]  }
0x2e: {  	s3 =	simm.s32 @!p0 $0x1082;
	s9 =	sld [smem:$0x3FB4]  }
0x2f: {  	lr =	sadd.s32 s0, s3;
	s0 =	sld [smem:$0x3FAB]  }
0x30: {  	s3 =	sld [smem:$0x3FAE]  }
0x31: {  	[smem:$0x3FB7] =	sst s10  }
0x32: {  	s10 =	sld [smem:$0x3FB5];
	_ =	sdelay $0x3  }
0x33: {  	p0 =	seq.s32 s10, $0x1;
	s10 =	sld [smem:$0x3FB7];
	_ =	sdelay $0x3  }
0x34: {  	[smem:$0x3FB7] =	sst s10  }
0x35: {  	s10 =	sld [smem:$0x3FB6];
	_ =	sdelay $0x3  }
0x36: {  	p1 =	seq.s32 s10, $0x1;
	s10 =	sld [smem:$0x3FB7];
	_ =	sdelay $0x3  }
0x37: {  	[smem:$0x3FB7] =	sst s10  }
0x38: {  	s10 =	sld [smem:$0x3FB8]  }
0x39: {  	_ = 	snop;
	(pc) =	sbr.ind lr, $3  }
0x3a: {  	_ = 	snop  }
0x3b: {  	_ = 	snop  }
0x3c: {  	p2 =	seq.s32 s10, $0x1;
	s10 =	sld [smem:$0x3FB7]  }
0x3d: {  	_ =	shalt  }
0x3e: {  	_ =	shalt  }
0x3f: {  	_ =	shalt  }
0x40: {  	_ =	shalt  }
0x41: {  	_ =	shalt  }
0x42: {  	_ =	shalt  }
0x43: {  	_ =	shalt  }
0x44: {  	_ =	shalt  }
0x45: {  	_ =	shalt  }
0x46: {  	_ =	shalt  }
0x47: {  	_ =	shalt  }
0x48: {  	_ =	shalt  }
0x49: {  	_ =	shalt  }
0x4a: {  	_ =	shalt  }
0x4b: {  	_ =	shalt  }
0x4c: {  	_ =	shalt  }
0x4d: {  	_ =	shalt  }
0x4e: {  	_ =	shalt  }
0x4f: {  	_ =	shalt  }
0x50: {  	_ =	shalt  }
0x51: {  	_ =	shalt  }
0x52: {  	_ =	shalt  }
0x53: {  	_ =	shalt  }
0x54: {  	_ =	shalt  }
0x55: {  	_ =	shalt  }
0x56: {  	_ =	shalt  }
0x57: {  	_ =	shalt  }
0x58: {  	_ =	shalt  }
0x59: {  	_ =	shalt  }
0x5a: {  	_ =	shalt  }
0x5b: {  	_ =	shalt  }
0x5c: {  	_ =	shalt  }
0x5d: {  	_ =	shalt  }
0x5e: {  	_ =	shalt  }
0x5f: {  	_ =	shalt  }
0x60: {  	_ =	shalt  }
0x61: {  	_ =	shalt  }
0x62: {  	_ =	shalt  }
0x63: {  	_ =	shalt  }
0x64: {  	_ =	shalt  }
0x65: {  	_ =	shalt  }
0x66: {  	_ =	shalt  }
0x67: {  	_ =	shalt  }
0x68: {  	_ =	shalt  }
0x69: {  	_ =	shalt  }
0x6a: {  	_ =	shalt  }
0x6b: {  	_ =	shalt  }
0x6c: {  	_ =	shalt  }
0x6d: {  	_ =	shalt  }
0x6e: {  	_ =	shalt  }
0x6f: {  	_ =	shalt  }
0x70: {  	_ =	shalt  }
0x71: {  	_ =	shalt  }
0x72: {  	_ =	shalt  }
0x73: {  	_ =	shalt  }
0x74: {  	_ =	shalt  }
0x75: {  	_ =	shalt  }
0x76: {  	_ =	shalt  }
0x77: {  	_ =	shalt  }
0x78: {  	_ =	shalt  }
0x79: {  	_ =	shalt  }
0x7a: {  	_ =	shalt  }
0x7b: {  	_ =	shalt  }
0x7c: {  	_ =	shalt  }
0x7d: {  	_ =	shalt  }
0x7e: {  	_ =	shalt  }
0x7f: {  	_ =	shalt  }
0x80: {  	_ =	shalt  }
0x81: {  	_ =	shalt  }
0x82: {  	_ =	shalt  }
0x83: {  	_ =	shalt  }
0x84: {  	_ =	shalt  }
0x85: {  	_ =	shalt  }
0x86: {  	_ =	shalt  }
0x87: {  	_ =	shalt  }
.Lfunc_end0:
.L_simem_size_0:
called_computation_lowered:
.L_overlay_start_0:
0x88: {  	s2 =	sld [smem:$0x3FD9]  }
0x89: {  	s3 =	sld [smem:$0x3FFE];
	_ =	sdelay $0x1  }
0x8a: {  	s1 =	srdreg.scid  }
0x8b: {  	s0 =	sand.u32 $0x1, s1  }
0x8c: {  	s18 =	sshll.u32 s0, $0xA;
	s2 =	sadd.s32 s3, s2  }
0x8d: {  	s2 =	sadd.s32 s2, s18  }
0x8e: {  	[smem:$0x3FC3] =	sst s2  }
0x8f: {  	_ = 	snop  }
0x90: {  	s2 =	sld [smem:$0x3FC9]  }
0x91: {  	s19 =	sld [smem:$0x3FC8]  }
0x92: {  	s4 =	sld [smem:$0x3FC7]  }
0x93: {  	s5 =	sld [smem:$0x3FC6]  }
0x94: {  	s6 =	sld [smem:$0x3FC5]  }
0x95: {  	s7 =	sld [smem:$0x3FD0];
	(tm) =	ssettm $0x1  }
0x96: {  	s8 =	sld [smem:$0x3FFB];
	_ =	sdelay $0x3  }
0x97: {  	_ =	strace s8  }
0x98: {  	s8 =	sld [smem:$0x3FFC];
	_ =	sdelay $0x3  }
0x99: {  	_ =	strace s8  }
0x9a: {  	s8 =	sld [smem:$0x3FFD];
	_ =	sdelay $0x3  }
0x9b: {  	_ =	strace s8  }
0x9c: {  	_ =	strace $0x8FFFFFFF  }
0x9d: {  	s20 =	sld [smem:$0x3FDB];
	_ =	sdelay $0x1  }
0x9e: {  	s9 =	simm.s32 $_scs_section_size  }
0x9f: {  	s10 =	simm.s32 $_size__tile_overlayer_lowered;
	s11 =	simm.s32 $_tile_overlayer_lowered  }
0xa0: {  	s23 =	simm.s32 $0x1BFF;
	s22 =	sshll.u32 s11, $0x1;
	s8 =	sadd.s32 s9, s20  }
0xa1: {  	s12 =	simm.s32 $0x0;
	s21 =	sshll.u32 s10, $0x1;
	s10 =	sadd.s32 s22, s8  }
0xa2: {  	[timem:s12], [sflag:s23] =	dma.local [hbm:s10], s21  }
0xa3: {  	_ =	swait.ge [sflag:s23], s21  }
0xa4: {  	s9 =	ssub.s32 $0x0, s21;
	[sflag:s23] =	ssyncset.done $0x0  }
0xa5: {  	[sflag:s23] =	ssyncadd.s32 s9;
	_ =	sdelay $0x1  }
0xa6: {  	s24 =	simm.s32 $0x1B8B  }
0xa7: {  	_ =	swait.ge [sflag:s24], $0x1  }
0xa8: {  	[sflag:s24] =	ssyncset.done $0x0  }
0xa9: {  	s25 =	simm.s32 $0x1B8E;
	[sflag:s24] =	ssyncadd.s32 $0xFFFFFFFF  }
0xaa: {  	s26 =	simm.s32 $execute0_lowered;
	[smem:$0x3FD2] =	sst s25  }
0xab: {  	s9 =	sshll.u32 s26, $0x1;
	_ =	strace $0x80000046;
	[dreg:$0x1] =	wrdreg $0xFFFFFFFF  }
0xac: {  	s28 =	simm.s32 $_size_execute0_lowered;
	s8 =	sadd.s32 s8, s9;
	[dreg:$0x0] =	wrdreg $0x0  }
0xad: {  	s9 =	sshll.u32 s28, $0x1;
	[dreg:$0x2] =	wrdreg s8  }
0xae: {  	[dreg:$0x3] =	wrdreg s9  }
0xaf: {  	[dreg:$0x4] =	wrdreg $0xC0  }
0xb0: {  	_ =	task [dreg:s12], $0x5FFFF  }
0xb1: {  	[dreg:$0x1] =	wrdreg $0xFFFFFFFF  }
0xb2: {  	[dreg:$0x0] =	wrdreg $0x60  }
0xb3: {  	[dreg:$0x2] =	wrdreg s2  }
0xb4: {  	[dreg:$0x3] =	wrdreg s19  }
0xb5: {  	[dreg:$0x4] =	wrdreg s4  }
0xb6: {  	[dreg:$0x5] =	wrdreg s5  }
0xb7: {  	[dreg:$0x6] =	wrdreg s6  }
0xb8: {  	[dreg:$0x7] =	wrdreg s7  }
0xb9: {  	[dreg:$0x8] =	wrdreg $0x9  }
0xba: {  	_ =	task.clear_ibuf [dreg:s12], $0x9FFFF;
	_ =	strace $0x90000046  }
0xbb: {  	s29 =	simm.s32 $0x9;
	_ =	strace $0x80000048  }
0xbc: {  	_ =	swait.ge [sflag:s29], $0x1  }
0xbd: {  	[sflag:s29] =	ssyncadd.s32 $0xFFFFFFFF  }
0xbe: {  	_ =	strace $0x90000048  }
0xbf: {  	_ =	sfence  }
0xc0: {  	s30 =	sld [smem:$0x0];
	_ =	sdelay $0x2  }
0xc1: {  	s31 =	sshll.u32 s1, $0xD;
	s1 =	sshrl.u32 s1, $0x2  }
0xc2: {  	s3 =	sand.u32 $0x4000, s31;
	s1 =	sadd.s32 s1, s30  }
0xc3: {  	s0 =	sor.u32 s3, s0;
	s1 =	sshll.u32 s1, $0x11  }
0xc4: {  	s0 =	sor.u32 s1, s0  }
0xc5: {  	s0 =	sadd.s32 $0x8F2B, s0  }
0xc6: {  	[sflag:s0] =	ssyncadd.remote.s32 $0x1  }
0xc7: {  	_ =	sfence.sel $0xFFFF  }
0xc8: {  	[dreg:$0x0] =	wrdreg $0xFFFFFFFF;
	(pc) =	sbr.abs _section_cstart, $3  }
0xc9: {  	[dreg:$0x1] =	wrdreg $0xFFFFFFFF  }
0xca: {  	_ =	task.clear_ibuf [dreg:s12], $0x2FFFF;
	_ =	strace $0x9FFFFFFF  }
0xcb: {  	(tm) =	ssettm $0x7FFFFFFF  }
tec
execute0_lowered:
.L_overlay_start_1:
0x0: {  	(tag) =	ssettag $0x1  }
0x1: {  	s5 =	rddreg [dreg:$0x0]  }
0x2: {  	s6 =	rddreg [dreg:$0x1]  }
0x3: {  	s7 =	rddreg [dreg:$0x2]  }
0x4: {  	s8 =	rddreg [dreg:$0x3]  }
0x5: {  	s9 =	rddreg [dreg:$0x4]  }
0x6: {  	s0 =	rddreg [dreg:$0x5]  }
0x7: {  	s1 =	srdreg.scid;
	s10 =	simm.s32 $0x0;
	s3 =	stileid.u32  }
0x8: {  	s19 =	simm.s32 $0x4000;
	s30 =	simm.s32 $0x11B00;
	s1 =	sand.u32 $0x1, s1  }
0x9: {  	s3 =	sshll.u32 s3, $0xC;
	s2 =	ssub.s32 $0x2, s1;
	s1 =	sshll.u32 s1, $0xB  }
0xa: {  	s31 =	simm.s32 $0x8A00;
	[smem:$0x7FF] =	sst s10;
	s1 =	sor.u32 s1, s3  }
0xb: {  	s20 =	simm.s32 $0x11680;
	_ =	strace $0x80000047;
	s22 =	sadd.s32 s5, s1  }
0xc: {  	s4 =	sshrl.u32 s2, $0x1;
	s23 =	sadd.s32 s6, s1;
	[dreg:$0x7] =	wrdreg s22  }
0xd: {  	s2 =	ssub.s32 s2, s4;
	s0 =	sadd.s32 s0, s1;
	[dreg:$0x8] =	wrdreg s23  }
0xe: {  	s3 =	sshrl.u32 s1, $0x3;
	s26 =	sshrl.u32 s1, $0x7;
	[dreg:$0xd] =	wrdreg s0  }
0xf: {  	s4 =	simm.s32 $0x400;
	s24 =	sadd.s32 s7, s3;
	[dreg:$0xc] =	wrdreg s26  }
0x10: {  	s5 =	simm.s32 $0x80000;
	s25 =	sadd.s32 s8, s3;
	[dreg:$0x9] =	wrdreg s24  }
0x11: {  	v42 =	vlaneseq.u32;
	s6 =	simm.s32 $0x11200;
	s3 =	sadd.s32 s9, s3;
	[dreg:$0xa] =	wrdreg s25  }
0x12: {  	v0 =	vor.u32 $0xFFFFFF80, v42;
	s28 =	sor.u32 $0x2, s26;
	s29 =	smax.u32 s2, $0x1;
	[dreg:$0xb] =	wrdreg s3  }
0x13: {  	v39 =	vor.u32 $0xFFFFFFF0, v42;
	[tilespmem:$0x1FFE0] =	vst v0;
	s0 =	simm.s32 $0x11F80;
	s8 =	simm.s32 $0xCE00;
	[dreg:$0xe] =	wrdreg s28  }
0x14: {  	v7 =	vimm.s32 $0x0;
	v45 =	vimm.s32 $0x1;
	[tilespmem:$0x1FFF0] =	vst v39;
	[dreg:$0xf] =	wrdreg s29;
	s24 =	simm.s32 $0x6400;
	s3 =	simm.s32 $0x0  }
.LBB2_1:
0x15: {  	[dreg:$0x10] =	wrdreg s3  }
0x16: {  	s1 =	rddreg [dreg:$0x7]  }
0x17: {  	[tilespmem:s10], [sflag:$0x1] =	stream.strided.gather [hbm4b:s1+s4], $0x2000, s5, s4, $0x38;
	[tilespmem:$0x12400] =	vst v63  }
0x18: {  	s22 =	rddreg [dreg:$0x8]  }
0x19: {  	[tilespmem:s19], [sflag:$0x1] =	stream.strided.gather [hbm4b:s22+s4], $0x2000, s5, s4, $0x38;
	[tilespmem:$0x12400] =	vst v63  }
0x1a: {  	s23 =	rddreg [dreg:$0x9];
	s2 =	simm.s32 $0x6000  }
0x1b: {  	[tilespmem:s2], [sflag:$0x1] =	stream.linear.gather [hbm4b:s23+s10], $0x80, $0x38;
	[tilespmem:$0x12400] =	vst v63  }
0x1c: {  	s25 =	rddreg [dreg:$0xa];
	s26 =	simm.s32 $0x8800  }
0x1d: {  	[tilespmem:s26], [sflag:$0x1] =	stream.linear.gather [hbm4b:s25+s10], $0x80, $0x38;
	[tilespmem:$0x12400] =	vst v63  }
0x1e: {  	s28 =	rddreg [dreg:$0xb];
	s29 =	simm.s32 $0x8900;
	s9 =	simm.s32 $0x0  }
0x1f: {  	[tilespmem:s29], [sflag:$0x1] =	stream.linear.gather [hbm4b:s28+s10], $0x80, $0x38;
	[tilespmem:$0x12400] =	vst v63  }
.LBB2_2:
0x20: {  	s2 =	sshllo.u32 s9, $0x1;
	s1 =	rddreg [dreg:$0xc]  }
0x21: {  	s3 =	rddreg [dreg:$0x0];
	s1 =	sor.u32 s1, s2  }
0x22: {  	[dreg:$0x12] =	wrdreg s2;
	s2 =	sshll.u32 s1, $0x7  }
0x23: {  	s7 =	simm.s32 $0x2000;
	s17 =	rddreg [dreg:$0x1];
	s3 =	sadd.s32 s3, s2  }
0x24: {  	[tilespmem:s7], [sflag:$0x2] =	stream.strided.gather [hbm4b:s3+s4], $0x2000, s5, s4, $0x38;
	[tilespmem:$0x12400] =	vst v63  }
0x25: {  	s18 =	rddreg [dreg:$0x2];
	s1 =	sshll.u32 s1, $0x4;
	s2 =	sadd.s32 s17, s2  }
0x26: {  	[tilespmem:s24], [sflag:$0x2] =	stream.strided.gather [hbm4b:s2+s4], $0x2000, s5, s4, $0x38;
	[tilespmem:$0x12400] =	vst v63  }
0x27: {  	s21 =	simm.s32 $0x8400;
	s22 =	rddreg [dreg:$0x3];
	s2 =	sadd.s32 s18, s1  }
0x28: {  	[tilespmem:s21], [sflag:$0x2] =	stream.linear.gather [hbm4b:s2+s10], $0x80, $0x38;
	[tilespmem:$0x12400] =	vst v63  }
0x29: {  	s23 =	simm.s32 $0x8880;
	s25 =	rddreg [dreg:$0x4];
	s2 =	sadd.s32 s22, s1  }
0x2a: {  	[tilespmem:s23], [sflag:$0x2] =	stream.linear.gather [hbm4b:s2+s10], $0x80, $0x38;
	[tilespmem:$0x12400] =	vst v63  }
0x2b: {  	s26 =	simm.s32 $0x8980;
	s28 =	simm.s32 $0x1;
	s1 =	sadd.s32 s25, s1  }
0x2c: {  	[tilespmem:s26], [sflag:$0x2] =	stream.linear.gather [hbm4b:s1+s10], $0x80, $0x38;
	[tilespmem:$0x12400] =	vst v63  }
0x2d: {  	_ =	swait.ge [sflag:s28], $0x2000  }
0x2e: {  	[sflag:s28] =	ssyncset.done $0x0  }
0x2f: {  	[sflag:s28] =	ssyncadd.s32 $0xFFFFE000  }
0x30: {  	_ =	swait.ge [sflag:s28], $0x2000  }
0x31: {  	[sflag:s28] =	ssyncset.done $0x0  }
0x32: {  	[sflag:s28] =	ssyncadd.s32 $0xFFFFE000  }
0x33: {  	_ =	swait.ge [sflag:s28], $0x80  }
0x34: {  	[sflag:s28] =	ssyncset.done $0x0  }
0x35: {  	[sflag:s28] =	ssyncadd.s32 $0xFFFFFF80  }
0x36: {  	_ =	swait.ge [sflag:s28], $0x80  }
0x37: {  	[sflag:s28] =	ssyncset.done $0x0  }
0x38: {  	[sflag:s28] =	ssyncadd.s32 $0xFFFFFF80  }
0x39: {  	_ =	swait.ge [sflag:s28], $0x80  }
0x3a: {  	p0 =	seq.s32 s9, $0x0;
	[sflag:s28] =	ssyncset.done $0x0  }
0x3b: {  	s1 =	simm.s32 @!p0 $0x3;
	[sflag:s28] =	ssyncadd.s32 $0xFFFFFF80  }
0x3c: {  	s29 =	sshll.u32 s9, $0x1;
	s25 =	simm.s32 $0x4100;
	_ =	swait.ge @!p0 [sflag:s1], $0x4100  }
0x3d: {  	s23 =	simm.s32 $0x100;
	[dreg:$0x11] =	wrdreg s9;
	[sflag:s1] =	ssyncset.done @!p0 $0x0  }
0x3e: {  	[dreg:$0x13] =	wrdreg s29;
	[sflag:s1] =	ssyncadd.s32 @!p0 $0xFFFFBF00;
	s1 =	simm.s32 $0x0  }
.LBB2_3:
0x3f: {  	v6 =	vld [tilespmem:s23+$0xFFFFFF00];
	_ =	sdelay $0x1  }
0x40: {  	v9 =	vld [tilespmem:s23+$0xFFFFFF80];
	_ =	sdelay $0x1  }
0x41: {  	s26 =	sshll.u32 s1, $0x5  }
0x42: {  	v60 =	vld [tilespmem:s26+$0x8800];
	v10 =	vadd.f32 $9.999999770e-03, v6  }
0x43: {  	v11 =	vimm.f32 $0.0e+00;
	v8 =	vld [tilespmem:s26+$0x8900]  }
0x44: {  	[dreg:$0x14] =	wrdreg s1;
	v3 =	vld [tilespmem:s26+$0x8810];
	v9 =	vadd.f32 $9.999999770e-03, v9;
	v12 =	vadd.f32 v10, v11  }
0x45: {  	s4 =	simm.s32 $0x11240;
	v13 =	vld [tilespmem:s23+$0x0]  }
0x46: {  	s5 =	simm.s32 $0x11B20;
	v10 =	vld [tilespmem:s26+$0x8910];
	[tilespmem:s4+$0xFFFFFFD0] =	vst v12;
	v9 =	vadd.f32 v9, v12  }
0x47: {  	[tilespmem:s5+$0xFFFFFFE0] =	vst v7  }
0x48: {  	v12 =	vld [tilespmem:s23+$0xFFFFFF10];
	[tilespmem:s4+$0xFFFFFFE0] =	vst v9  }
0x49: {  	[tilespmem:s5+$0xFFFFFFF0] =	vst v7  }
0x4a: {  	v14 =	vld [tilespmem:s23+$0xFFFFFF90]  }
0x4b: {  	v15 =	vld [tilespmem:s23+$0x80];
	v13 =	vadd.f32 $9.999999770e-03, v13  }
0x4c: {  	s1 =	sadd.s32 $0x200, s23  }
0x4d: {  	v9 =	vadd.f32 v13, v9;
	v13 =	vld [tilespmem:s1+$0xFFFFFF00];
	v12 =	vadd.f32 $9.999999770e-03, v12;
	_ =	sdelay $0x1  }
0x4e: {  	v16 =	vld [tilespmem:s1+$0xFFFFFF80];
	[tilespmem:s4+$0xFFFFFFF0] =	vst v9;
	v11 =	vadd.f32 v12, v11;
	v12 =	vadd.f32 $9.999999770e-03, v14  }
0x4f: {  	s3 =	simm.s32 $0x116C0;
	[tilespmem:s5+$0x0] =	vst v7;
	v14 =	vadd.f32 $9.999999770e-03, v15  }
0x50: {  	s2 =	simm.s32 $0x11FA0;
	v15 =	vld [tilespmem:s1+$0x0];
	[tilespmem:s3+$0xFFFFFFD0] =	vst v11;
	v17 =	vadd.f32 v12, v11  }
0x51: {  	v11 =	vadd.f32 $9.999999770e-03, v13;
	v9 =	vadd.f32 v14, v9;
	[tilespmem:s2+$0xFFFFFFE0] =	vst v7  }
0x52: {  	v13 =	vld [tilespmem:s23+$0x10];
	[tilespmem:s3+$0xFFFFFFE0] =	vst v17  }
0x53: {  	v12 =	vadd.f32 $9.999999770e-03, v16;
	v11 =	vadd.f32 v11, v9;
	[tilespmem:s4+$0x0] =	vst v9  }
0x54: {  	s4 =	simm.s32 $0x11280;
	[tilespmem:s5+$0x10] =	vst v7  }
0x55: {  	v9 =	vadd.f32 $9.999999770e-03, v15;
	s5 =	simm.s32 $0x11B60;
	[tilespmem:s4+$0xFFFFFFD0] =	vst v11;
	v11 =	vadd.f32 v12, v11;
	v15 =	vld [tilespmem:s23+$0x90]  }
0x56: {  	[tilespmem:s5+$0xFFFFFFE0] =	vst v7  }
0x57: {  	v13 =	vadd.f32 $9.999999770e-03, v13;
	[tilespmem:s4+$0xFFFFFFE0] =	vst v11;
	v9 =	vadd.f32 v9, v11;
	v12 =	vld [tilespmem:s1+$0xFFFFFF10]  }
0x58: {  	[tilespmem:s5+$0xFFFFFFF0] =	vst v7  }
0x59: {  	s10 =	simm.s32 $0x4;
	s7 =	simm.s32 $0x116C0;
	v13 =	vadd.f32 v13, v17;
	v11 =	vld [tilespmem:s1+$0xFFFFFF90];
	[tilespmem:s4+$0xFFFFFFF0] =	vst v9  }
0x5a: {  	v1 =	vmov v39;
	s9 =	simm.s32 $0x11FA0;
	s28 =	sor.u32 $0x10, s26;
	s11 =	sadd.s32 $0x200, s1;
	v14 =	vld [tilespmem:s1+$0x80];
	[tilespmem:s5+$0x0] =	vst v7;
	v15 =	vadd.f32 $9.999999770e-03, v15  }
.LBB2_4:
0x5b: {  	s10 =	sadd.s32 $0x4, s10;
	[tilespmem:s3+$0xFFFFFFF0] =	vst v13;
	s7 =	sadd.s32 $0x40, s7;
	s2 =	sadd.s32 $0x40, s2  }
0x5c: {  	v16 =	vld [tilespmem:s11+$0xFFFFFF00];
	p1 =	slt.u32 s10, $0x3C;
	v12 =	vadd.f32 $9.999999770e-03, v12;
	[tilespmem:s9+$0x0] =	vst v7;
	v13 =	vadd.f32 v15, v13  }
0x5d: {  	v15 =	vld [tilespmem:s11+$0xFFFFFF80];
	[tilespmem:s9+$0xFFFFFFF0] =	vst v7  }
0x5e: {  	v12 =	vadd.f32 v12, v13;
	v11 =	vadd.f32 $9.999999770e-03, v11;
	[tilespmem:s3+$0x0] =	vst v13;
	s3 =	smov.u32 s7  }
0x5f: {  	v13 =	vld [tilespmem:s11+$0x0];
	v14 =	vadd.f32 $9.999999770e-03, v14;
	[tilespmem:s9+$0x10] =	vst v7;
	s9 =	smov.u32 s2  }
0x60: {  	[tilespmem:s7+$0xFFFFFFD0] =	vst v12;
	v17 =	vadd.f32 v11, v12  }
0x61: {  	v11 =	vadd.f32 $9.999999770e-03, v16;
	[tilespmem:s2+$0xFFFFFFE0] =	vst v7;
	v9 =	vadd.f32 v14, v9  }
0x62: {  	v12 =	vadd.f32 $9.999999770e-03, v15;
	[tilespmem:s7+$0xFFFFFFE0] =	vst v17;
	v14 =	vld [tilespmem:s1+$0x10]  }
0x63: {  	v11 =	vadd.f32 v11, v9;
	[tilespmem:s4+$0x0] =	vst v9;
	s4 =	sadd.s32 $0x40, s4  }
0x64: {  	v9 =	vadd.f32 $9.999999770e-03, v13;
	[tilespmem:s5+$0x10] =	vst v7;
	s5 =	sadd.s32 $0x40, s5  }
0x65: {  	[tilespmem:s4+$0xFFFFFFD0] =	vst v11;
	v11 =	vadd.f32 v12, v11;
	v15 =	vld [tilespmem:s1+$0x90];
	s1 =	smov.u32 s11  }
.Ltmp0:
0x66: {  	[tilespmem:s5+$0xFFFFFFE0] =	vst v7;
	(pc) =	sbr.rel @p1 .LBB2_4-.Ltmp0, $4  }
0x67: {  	v12 =	vld [tilespmem:s11+$0xFFFFFF10];
	[tilespmem:s4+$0xFFFFFFE0] =	vst v11;
	v9 =	vadd.f32 v9, v11;
	v13 =	vadd.f32 $9.999999770e-03, v14  }
0x68: {  	[tilespmem:s5+$0xFFFFFFF0] =	vst v7  }
0x69: {  	v11 =	vld [tilespmem:s11+$0xFFFFFF90];
	[tilespmem:s4+$0xFFFFFFF0] =	vst v9;
	v13 =	vadd.f32 v13, v17  }
0x6a: {  	s11 =	sadd.s32 $0x200, s11;
	[tilespmem:s5+$0x0] =	vst v7;
	v14 =	vld [tilespmem:s1+$0x80];
	v15 =	vadd.f32 $9.999999770e-03, v15  }
0x6b: {  	_ =	sdelay $0x3  }
0x6c: {  	v14 =	vadd.f32 $9.999999770e-03, v14;
	_ =	sdelay $0x1  }
0x6d: {  	[tilespmem:s3+$0xFFFFFFF0] =	vst v13;
	v9 =	vadd.f32 v14, v9  }
0x6e: {  	[tilespmem:s9+$0xFFFFFFF0] =	vst v7  }
0x6f: {  	v14 =	vld [tilespmem:s1+$0x10];
	[tilespmem:s4+$0x0] =	vst v9  }
0x70: {  	v12 =	vadd.f32 $9.999999770e-03, v12;
	v13 =	vadd.f32 v15, v13;
	[tilespmem:s5+$0x10] =	vst v7  }
0x71: {  	[tilespmem:s9+$0x0] =	vst v7;
	v15 =	vld [tilespmem:s1+$0x90]  }
0x72: {  	v12 =	vadd.f32 v12, v13;
	v11 =	vadd.f32 $9.999999770e-03, v11;
	[tilespmem:s3+$0x0] =	vst v13  }
0x73: {  	s12 =	sadd.s32 $0x40, s7;
	[tilespmem:s9+$0x10] =	vst v7  }
0x74: {  	s2 =	sadd.s32 $0x40, s2;
	v11 =	vadd.f32 v11, v12;
	[tilespmem:s12+$0xFFFFFFD0] =	vst v12;
	v13 =	vadd.f32 $9.999999770e-03, v14  }
0x75: {  	[tilespmem:s2+$0xFFFFFFE0] =	vst v7  }
0x76: {  	[tilespmem:s12+$0xFFFFFFE0] =	vst v11;
	v12 =	vadd.f32 v13, v11;
	v11 =	vadd.f32 $9.999999770e-03, v15  }
0x77: {  	[tilespmem:s2+$0xFFFFFFF0] =	vst v7  }
0x78: {  	[tilespmem:s12+$0xFFFFFFF0] =	vst v12;
	v11 =	vadd.f32 v11, v12  }
0x79: {  	[tilespmem:s2+$0x0] =	vst v7  }
0x7a: {  	[tilespmem:s12+$0x0] =	vst v11  }
0x7b: {  	[tilespmem:s2+$0x10] =	vst v7  }
0x7c: {  	[tilespmem:$0x11F00] =	vst v7  }
0x7d: {  	v0 =	vimm.f32 $0.0e+00;
	(erf) = vrcp.f32 v9;
	[tilespmem:$0x11F10] =	vst v7  }
0x7e: {  	[tilespmem:$0x11200] =	vst v0  }
0x7f: {  	[tilespmem:$0x12380] =	vst v7  }
0x80: {  	[tilespmem:$0x12390] =	vst v7  }
0x81: {  	s13 =	simm.s32 $0x11220;
	[tilespmem:$0x11680] =	vst v0  }
0x82: {  	v9 =	vld [tilespmem:s13+$0x10];
	_ =	sdelay $0x3  }
0x83: {  	v14 =	vpop (erf)  }
0x84: {  	v9 =	vmul.f32 v9, v14;
	_ =	sdelay $0x1  }
0x85: {  	v12 =	vmul.f32 $6.500000000e+01, v9;
	_ =	sdelay $0x1  }
0x86: {  	v12 =	vadd.f32 $-5.000000000e-01, v12;
	_ =	sdelay $0x1  }
0x87: {  	v15 =	vld [tilespmem:s13+$0x0];
	v16 =	vtrunc.f32 v12  }
0x88: {  	v13 =	vld [tilespmem:s13+$0xFFFFFFF0];
	v18 =	vcvt.f32.s32 v16;
	vm0 =	vgt.f32 v12, v16  }
0x89: {  	v17 =	vld [tilespmem:s13+$0xFFFFFFE0];
	v12 =	vsel vm0, $0x1, v7  }
0x8a: {  	v12 =	vadd.s32 v18, v12  }
0x8b: {  	v16 =	vshll.u32 v12, $0x4  }
0x8c: {  	v18 =	vmul.f32 v15, v14;
	v15 =	vor.u32 v42, v16  }
0x8d: {  	v13 =	vmul.f32 v13, v14  }
0x8e: {  	v16 =	vmul.f32 v17, v14  }
0x8f: {  	v17 =	vmul.f32 $6.500000000e+01, v13;
	v19 =	vmul.f32 $6.500000000e+01, v18  }
0x90: {  	v61 =	vsub.f32 v8, v60;
	[tilespmem:s13+$0x10] =	vst v9;
	v20 =	vmul.f32 $6.500000000e+01, v16  }
0x91: {  	s14 =	simm.s32 $0x3;
	(erf) = vrcp.f32 v11;
	v17 =	vadd.f32 $-5.000000000e-01, v17;
	v19 =	vadd.f32 $-5.000000000e-01, v19;
	[tilespmem:v15+s30+$0x0] =	vst.idx.add.s32.msk $0xffff, v45  }
0x92: {  	v9 =	vor.u32 s26, v42;
	v12 =	vadd.s32 s14, v12;
	v11 =	vadd.f32 $-5.000000000e-01, v20;
	v21 =	vld [tilespmem:s25+$0x80]  }
0x93: {  	v12 =	vshll.u32 v12, $0x7;
	v20 =	vtrunc.f32 v19;
	v15 =	vtrunc.f32 v17  }
0x94: {  	v22 =	vtrunc.f32 v11;
	v23 =	vcvt.f32.s32 v15;
	vm11 =	vgt.f32 v17, v15  }
0x95: {  	v24 =	vcvt.f32.s32 v22;
	vm1 =	vgt.f32 v11, v22;
	v11 =	vsel vm11, $0x1, v7  }
0x96: {  	v15 =	vsel vm1, $0x1, v7;
	v17 =	vadd.s32 v23, v11;
	v11 =	vadd.s32 v9, v12  }
0x97: {  	v12 =	vadd.s32 v24, v15;
	v15 =	vshll.u32 v17, $0x4;
	v21 =	vmul.f32 v21, v61  }
0x98: {  	vm12 =	vgt.f32 v19, v20;
	v23 =	vshll.u32 v12, $0x4;
	v15 =	vor.u32 v42, v15  }
0x99: {  	v22 =	vcvt.f32.s32 v20;
	v19 =	vor.u32 v42, v23;
	v20 =	vadd.f32 v21, v60  }
0x9a: {  	[tilespmem:s13+$0xFFFFFFF0] =	vst v13;
	v13 =	vsel vm12, $0x1, v7  }
0x9b: {  	s15 =	simm.s32 $0x116A0;
	v21 =	vadd.s32 v22, v13;
	[tilespmem:v11+s31+$0x0] =	vst.idx.msk $0xffff, v20  }
0x9c: {  	[tilespmem:s13+$0xFFFFFFE0] =	vst v16;
	v11 =	vshll.u32 v21, $0x4;
	v16 =	vld [tilespmem:s15+$0x10]  }
0x9d: {  	[tilespmem:v15+s30+$0x0] =	vst.idx.add.s32.msk $0xffff, v45;
	v20 =	vor.u32 v42, v11  }
0x9e: {  	[tilespmem:v19+s30+$0x0] =	vst.idx.add.s32.msk $0xffff, v45  }
0x9f: {  	v19 =	vld [tilespmem:s25+$0xFFFFFF00]  }
0xa0: {  	s16 =	simm.s32 $0x0;
	s17 =	simm.s32 $0x11260;
	v15 =	vpop (erf);
	v22 =	vld [tilespmem:s25+$0xFFFFFF80]  }
0xa1: {  	v2 =	vmov s26;
	s18 =	simm.s32 $0x1;
	[tilespmem:s13+$0x0] =	vst v18;
	v18 =	vadd.s32 s16, v12;
	v23 =	vmul.f32 v16, v15;
	v16 =	vld [tilespmem:s17+$0x10]  }
0xa2: {  	v4 =	vor.u32 s28, v42;
	v17 =	vadd.s32 s18, v17;
	v18 =	vshll.u32 v18, $0x7;
	[tilespmem:v20+s30+$0x0] =	vst.idx.add.s32.msk $0xffff, v45  }
0xa3: {  	v17 =	vshll.u32 v17, $0x7;
	v18 =	vadd.s32 v9, v18;
	v20 =	vld [tilespmem:s25+$0x0];
	v24 =	vmul.f32 $6.500000000e+01, v23  }
0xa4: {  	v62 =	vsub.f32 v10, v3;
	v25 =	vld [tilespmem:s17+$0xFFFFFFF0];
	v17 =	vadd.s32 v9, v17;
	v19 =	vmul.f32 v19, v61  }
0xa5: {  	v26 =	vld [tilespmem:s17+$0x0];
	s13 =	simm.s32 $0x2;
	v12 =	vmov s28;
	v22 =	vmul.f32 v22, v61;
	v24 =	vadd.f32 $-5.000000000e-01, v24  }
0xa6: {  	v27 =	vld [tilespmem:s17+$0xFFFFFFE0];
	v21 =	vadd.s32 s13, v21;
	v19 =	vadd.f32 v19, v60;
	v28 =	vmul.f32 v16, v14  }
0xa7: {  	v16 =	vshll.u32 v21, $0x7;
	v21 =	vadd.f32 v22, v60;
	v22 =	vtrunc.f32 v24  }
0xa8: {  	[tilespmem:v18+s31+$0x0] =	vst.idx.msk $0xffff, v19;
	v20 =	vmul.f32 v20, v61;
	v18 =	vcvt.f32.s32 v22;
	vm13 =	vgt.f32 v24, v22  }
0xa9: {  	v19 =	vmul.f32 $6.500000000e+01, v28;
	v22 =	vadd.s32 v9, v16;
	[tilespmem:v17+s31+$0x0] =	vst.idx.msk $0xffff, v21;
	v24 =	vsel vm13, $0x1, v7  }
0xaa: {  	v16 =	vld [tilespmem:s15+$0xFFFFFFE0];
	v21 =	vmul.f32 v25, v14;
	v20 =	vadd.f32 v20, v60;
	v18 =	vadd.s32 v18, v24  }
0xab: {  	v17 =	vadd.f32 $-5.000000000e-01, v19;
	v24 =	vmul.f32 v26, v14;
	v26 =	vmul.f32 v27, v14  }
0xac: {  	v19 =	vld [tilespmem:s15+$0xFFFFFFF0];
	v27 =	vmul.f32 $6.500000000e+01, v21;
	v25 =	vshll.u32 v18, $0x4;
	v18 =	vadd.s32 s14, v18  }
0xad: {  	v25 =	vor.u32 v42, v25;
	v29 =	vtrunc.f32 v17;
	v30 =	vmul.f32 $6.500000000e+01, v24  }
0xae: {  	[tilespmem:s15+$0x10] =	vst v23;
	v27 =	vadd.f32 $-5.000000000e-01, v27;
	v31 =	vcvt.f32.s32 v29;
	vm14 =	vgt.f32 v17, v29  }
0xaf: {  	[tilespmem:s17+$0x10] =	vst v28;
	v16 =	vmul.f32 v16, v15;
	v29 =	vmul.f32 $6.500000000e+01, v26;
	v17 =	vsel vm14, $0x1, v7  }
0xb0: {  	[tilespmem:s17+$0xFFFFFFF0] =	vst v21;
	v30 =	vadd.f32 $-5.000000000e-01, v30;
	v32 =	vtrunc.f32 v27;
	v31 =	vadd.s32 v31, v17  }
0xb1: {  	[tilespmem:s17+$0x0] =	vst v24;
	v17 =	vmul.f32 v19, v15;
	v19 =	vadd.f32 $-5.000000000e-01, v29;
	v29 =	vshll.u32 v31, $0x4  }
0xb2: {  	[tilespmem:s17+$0xFFFFFFE0] =	vst v26;
	s17 =	simm.s32 $0x112A0;
	v34 =	vcvt.f32.s32 v32;
	vm4 =	vgt.f32 v27, v32;
	v29 =	vor.u32 v42, v29  }
0xb3: {  	[tilespmem:v22+s31+$0x0] =	vst.idx.msk $0xffff, v20;
	v36 =	vld [tilespmem:s17+$0xFFFFFFF0];
	v33 =	vtrunc.f32 v30;
	v22 =	vsel vm4, $0x1, v7;
	v23 =	vtrunc.f32 v19  }
0xb4: {  	[tilespmem:v25+s0+$0x0] =	vst.idx.add.s32.msk $0xffff, v45;
	v20 =	vcvt.f32.s32 v33;
	v25 =	vcvt.f32.s32 v23;
	vm15 =	vgt.f32 v19, v23  }
0xb5: {  	vm5 =	vgt.f32 v30, v33;
	v22 =	vadd.s32 v34, v22;
	v19 =	vld [tilespmem:s25+$0x90];
	v27 =	vsel vm15, $0x1, v7  }
0xb6: {  	v23 =	vld [tilespmem:s15+$0x0];
	v28 =	vshll.u32 v22, $0x4;
	v25 =	vadd.s32 v25, v27;
	v27 =	vsel vm5, $0x1, v7  }
0xb7: {  	s21 =	sadd.s32 $0x200, s25;
	s5 =	simm.s32 $0x5;
	v18 =	vshll.u32 v18, $0x7;
	v20 =	vadd.s32 v20, v27;
	v27 =	vor.u32 v42, v28;
	[tilespmem:v29+s30+$0x0] =	vst.idx.add.s32.msk $0xffff, v45  }
0xb8: {  	v18 =	vadd.s32 v4, v18;
	v22 =	vadd.s32 s5, v22;
	v29 =	vshll.u32 v25, $0x4;
	v28 =	vld [tilespmem:s21+$0x80]  }
0xb9: {  	s10 =	simm.s32 $0x7;
	v54 =	vmul.f32 v36, v14;
	v30 =	vshll.u32 v20, $0x4;
	v29 =	vor.u32 v42, v29  }
0xba: {  	v22 =	vshll.u32 v22, $0x7;
	v21 =	vor.u32 v42, v30;
	v30 =	vadd.s32 s10, v31  }
0xbb: {  	s22 =	simm.s32 $0x4;
	v22 =	vadd.s32 v9, v22;
	v24 =	vmul.f32 v23, v15;
	v23 =	vshll.u32 v30, $0x7  }
0xbc: {  	s9 =	simm.s32 $0x6;
	v38 =	vmul.f32 $6.500000000e+01, v54;
	v25 =	vadd.s32 s22, v25;
	v23 =	vadd.s32 v9, v23;
	[tilespmem:v27+s30+$0x0] =	vst.idx.add.s32.msk $0xffff, v45  }
0xbd: {  	v20 =	vadd.s32 s9, v20;
	v19 =	vmul.f32 v19, v62;
	v30 =	vld [tilespmem:s21+$0xFFFFFF80];
	v26 =	vmul.f32 v28, v61  }
0xbe: {  	v38 =	vadd.f32 $-5.000000000e-01, v38;
	v27 =	vmul.f32 $6.500000000e+01, v16;
	[tilespmem:v29+s30+$0x0] =	vst.idx.add.s32.msk $0xffff, v45;
	v28 =	vmul.f32 $6.500000000e+01, v17  }
0xbf: {  	v25 =	vshll.u32 v25, $0x7;
	v29 =	vmul.f32 $6.500000000e+01, v24;
	[tilespmem:v21+s30+$0x0] =	vst.idx.add.s32.msk $0xffff, v45;
	v21 =	vadd.f32 v26, v60  }
0xc0: {  	v20 =	vshll.u32 v20, $0x7;
	v26 =	vadd.f32 $-5.000000000e-01, v27;
	v28 =	vadd.f32 $-5.000000000e-01, v28  }
0xc1: {  	s29 =	simm.s32 $0x116E0;
	v25 =	vadd.s32 v9, v25;
	v20 =	vadd.s32 v9, v20;
	v27 =	vld [tilespmem:s21+$0xFFFFFF00];
	v29 =	vadd.f32 $-5.000000000e-01, v29;
	[tilespmem:v23+s31+$0x0] =	vst.idx.msk $0xffff, v21  }
0xc2: {  	v19 =	vadd.f32 v19, v3;
	v21 =	vtrunc.f32 v26;
	v31 =	vtrunc.f32 v28;
	v23 =	vld [tilespmem:s29+$0x10]  }
0xc3: {  	v30 =	vmul.f32 v30, v61;
	vm6 =	vgt.f32 v26, v21;
	v26 =	vtrunc.f32 v29  }
0xc4: {  	v21 =	vcvt.f32.s32 v21;
	v50 =	vcvt.f32.s32 v31;
	vm7 =	vgt.f32 v28, v31  }
0xc5: {  	v49 =	vld [tilespmem:s21+$0x0];
	v28 =	vsel vm6, $0x1, v7;
	v31 =	vcvt.f32.s32 v26;
	vm8 =	vgt.f32 v29, v26  }
0xc6: {  	v30 =	vadd.f32 v30, v60;
	v26 =	vmul.f32 v27, v61;
	v27 =	vsel vm7, $0x1, v7  }
0xc7: {  	v21 =	vadd.s32 v21, v28;
	v27 =	vadd.s32 v50, v27;
	v28 =	vmul.f32 v23, v15  }
0xc8: {  	v29 =	vsel vm8, $0x1, v7;
	v33 =	vshll.u32 v27, $0x4;
	v27 =	vadd.s32 s18, v27  }
0xc9: {  	v35 =	vld [tilespmem:s17+$0x10];
	v23 =	vadd.f32 v26, v60;
	v26 =	vadd.s32 v31, v29;
	v51 =	vmul.f32 $6.500000000e+01, v28  }
0xca: {  	v29 =	vmul.f32 v49, v61;
	v31 =	vshll.u32 v21, $0x4;
	v21 =	vadd.s32 s16, v21  }
0xcb: {  	v37 =	vld [tilespmem:s17+$0x0];
	[tilespmem:v22+s31+$0x0] =	vst.idx.msk $0xffff, v30;
	v33 =	vor.u32 v42, v33;
	v52 =	vshll.u32 v26, $0x4;
	v32 =	vadd.f32 $-5.000000000e-01, v51  }
0xcc: {  	v31 =	vor.u32 v42, v31;
	v21 =	vshll.u32 v21, $0x7;
	v29 =	vadd.f32 v29, v60;
	[tilespmem:v25+s31+$0x0] =	vst.idx.msk $0xffff, v23;
	v25 =	vld [tilespmem:s17+$0xFFFFFFE0]  }
0xcd: {  	v23 =	vadd.s32 s13, v26;
	[tilespmem:s29+$0x10] =	vst v28;
	v28 =	vtrunc.f32 v38;
	v26 =	vtrunc.f32 v32  }
0xce: {  	v22 =	vld [tilespmem:s29+$0xFFFFFFE0];
	[tilespmem:v20+s31+$0x0] =	vst.idx.msk $0xffff, v29;
	v20 =	vmul.f32 v35, v14;
	v30 =	vcvt.f32.s32 v26;
	vm9 =	vgt.f32 v32, v26  }
0xcf: {  	v53 =	vshll.u32 v23, $0x7;
	v23 =	vadd.s32 v4, v21;
	v29 =	vsel vm9, $0x1, v7  }
0xd0: {  	v21 =	vmul.f32 v37, v14;
	v29 =	vadd.s32 v30, v29;
	v30 =	vmul.f32 $6.500000000e+01, v20  }
0xd1: {  	v34 =	vor.u32 v42, v52;
	vm11 =	vgt.f32 v38, v28;
	v25 =	vmul.f32 v25, v14  }
0xd2: {  	v28 =	vcvt.f32.s32 v28;
	v39 =	vmul.f32 $6.500000000e+01, v21;
	v30 =	vadd.f32 $-5.000000000e-01, v30  }
0xd3: {  	v43 =	vsel vm11, $0x1, v7;
	v40 =	vmul.f32 v22, v15;
	v22 =	vmul.f32 $6.500000000e+01, v25  }
0xd4: {  	v55 =	vld [tilespmem:s29+$0x0];
	v28 =	vadd.s32 v28, v43;
	v39 =	vadd.f32 $-5.000000000e-01, v39;
	v41 =	vtrunc.f32 v30  }
0xd5: {  	v22 =	vadd.f32 $-5.000000000e-01, v22;
	vm10 =	vgt.f32 v30, v41;
	v30 =	vcvt.f32.s32 v41  }
0xd6: {  	[tilespmem:s15+$0xFFFFFFF0] =	vst v17;
	v26 =	vshll.u32 v27, $0x7;
	v57 =	vtrunc.f32 v39;
	v58 =	vsel vm10, $0x1, v7  }
0xd7: {  	[tilespmem:v33+s0+$0x0] =	vst.idx.add.s32.msk $0xffff, v45;
	v56 =	vshll.u32 v29, $0x4;
	v59 =	vtrunc.f32 v22;
	v30 =	vadd.s32 v30, v58  }
0xd8: {  	[tilespmem:s15+$0xFFFFFFE0] =	vst v16;
	v27 =	vld [tilespmem:s29+$0xFFFFFFF0];
	v37 =	vor.u32 v42, v56;
	vm12 =	vgt.f32 v22, v59;
	v22 =	vshll.u32 v30, $0x4  }
0xd9: {  	[tilespmem:s17+$0x10] =	vst v20;
	v20 =	vshll.u32 v28, $0x4;
	v36 =	vmul.f32 v55, v15;
	v22 =	vor.u32 v42, v22  }
0xda: {  	s13 =	simm.s32 $0x9;
	[tilespmem:v31+s0+$0x0] =	vst.idx.add.s32.msk $0xffff, v45;
	v29 =	vadd.s32 s10, v29;
	vm2 =	vgt.f32 v39, v57;
	v16 =	vcvt.f32.s32 v57  }
0xdb: {  	[tilespmem:s17+$0x0] =	vst v21;
	v21 =	vld [tilespmem:s25+$0xFFFFFF90];
	v47 =	vor.u32 v42, v20;
	v20 =	vadd.s32 s13, v28;
	v17 =	vcvt.f32.s32 v59  }
0xdc: {  	[tilespmem:s15+$0x0] =	vst v24;
	v44 =	vld [tilespmem:s25+$0xFFFFFF10];
	v51 =	vmul.f32 $6.500000000e+01, v40;
	v29 =	vshll.u32 v29, $0x7;
	v24 =	vsel vm12, $0x1, v7  }
0xdd: {  	v27 =	vmul.f32 v27, v15;
	[tilespmem:v37+s0+$0x0] =	vst.idx.add.s32.msk $0xffff, v45;
	v17 =	vadd.s32 v17, v24;
	v24 =	vsel vm2, $0x1, v7  }
0xde: {  	s1 =	sadd.s32 $0x200, s21;
	v20 =	vshll.u32 v20, $0x7;
	v29 =	vadd.s32 v4, v29;
	v16 =	vadd.s32 v16, v24;
	[tilespmem:v22+s30+$0x0] =	vst.idx.add.s32.msk $0xffff, v45  }
0xdf: {  	s2 =	simm.s32 $0x8;
	s14 =	simm.s32 $0xB;
	v49 =	vadd.s32 v9, v20;
	v46 =	vshll.u32 v17, $0x4;
	v24 =	vshll.u32 v16, $0x4;
	v48 =	vld [tilespmem:s1+$0x80]  }
0xe0: {  	[tilespmem:s17+$0xFFFFFFF0] =	vst v54;
	s15 =	simm.s32 $0xA;
	v63 =	vld [tilespmem:s21+$0x90];
	v17 =	vadd.s32 s2, v17;
	v28 =	vadd.s32 s14, v30;
	v24 =	vor.u32 v42, v24  }
0xe1: {  	[tilespmem:v47+s30+$0x0] =	vst.idx.add.s32.msk $0xffff, v45;
	v16 =	vadd.s32 s15, v16;
	v17 =	vshll.u32 v17, $0x7;
	v22 =	vor.u32 v42, v46  }
0xe2: {  	v56 =	vld [tilespmem:s1+$0xFFFFFF80];
	v30 =	vadd.s32 v9, v17;
	v16 =	vshll.u32 v16, $0x7;
	v17 =	vshll.u32 v28, $0x7  }
0xe3: {  	[tilespmem:v34+s0+$0x0] =	vst.idx.add.s32.msk $0xffff, v45;
	v28 =	vadd.s32 v9, v17;
	v17 =	vadd.s32 v4, v26;
	v26 =	vmul.f32 $6.500000000e+01, v36  }
0xe4: {  	[tilespmem:s17+$0xFFFFFFE0] =	vst v25;
	v25 =	vld [tilespmem:s25+$0x10];
	v52 =	vadd.f32 $-5.000000000e-01, v51;
	v20 =	vadd.s32 v9, v16;
	v50 =	vmul.f32 v48, v61  }
0xe5: {  	v16 =	vadd.s32 v4, v53;
	v31 =	vmul.f32 v63, v62;
	v26 =	vadd.f32 $-5.000000000e-01, v26;
	[tilespmem:v24+s30+$0x0] =	vst.idx.add.s32.msk $0xffff, v45  }
0xe6: {  	v53 =	vmul.f32 v44, v62;
	[tilespmem:v22+s30+$0x0] =	vst.idx.add.s32.msk $0xffff, v45;
	v22 =	vmul.f32 $6.500000000e+01, v27;
	v24 =	vadd.f32 v50, v60  }
0xe7: {  	v59 =	vmul.f32 v56, v61;
	v31 =	vadd.f32 v31, v3;
	v58 =	vtrunc.f32 v26;
	v54 =	vld [tilespmem:s1+$0xFFFFFF00]  }
0xe8: {  	s4 =	simm.s32 $0x11720;
	vm15 =	vgt.f32 v26, v58;
	v26 =	vcvt.f32.s32 v58;
	v55 =	vadd.f32 $-5.000000000e-01, v22;
	[tilespmem:v28+s31+$0x0] =	vst.idx.msk $0xffff, v24  }
0xe9: {  	[tilespmem:v29+s31+$0x0] =	vst.idx.msk $0xffff, v31;
	v31 =	vsel vm15, $0x1, v7;
	v22 =	vmul.f32 v21, v62;
	v21 =	vmul.f32 v25, v62;
	v57 =	vld [tilespmem:s4+$0x10]  }
0xea: {  	[tilespmem:v18+s31+$0x0] =	vst.idx.msk $0xffff, v19;
	v18 =	vld [tilespmem:s1+$0x0];
	v26 =	vadd.s32 v26, v31;
	v25 =	vtrunc.f32 v55;
	v24 =	vtrunc.f32 v52  }
0xeb: {  	vm14 =	vgt.f32 v55, v25;
	vm13 =	vgt.f32 v52, v24;
	v19 =	vcvt.f32.s32 v24  }
0xec: {  	[tilespmem:s29+$0xFFFFFFF0] =	vst v27;
	v24 =	vcvt.f32.s32 v25;
	v27 =	vmul.f32 v54, v61;
	v25 =	vsel vm13, $0x1, v7  }
0xed: {  	[tilespmem:s29+$0xFFFFFFE0] =	vst v40;
	v28 =	vadd.f32 v53, v3;
	v29 =	vsel vm14, $0x1, v7;
	v63 =	vadd.s32 v19, v25  }
0xee: {  	[tilespmem:s29+$0x0] =	vst v36;
	v25 =	vadd.s32 v24, v29;
	v24 =	vadd.f32 v27, v60;
	v19 =	vmul.f32 v57, v15  }
0xef: {  	[tilespmem:v23+s31+$0x0] =	vst.idx.msk $0xffff, v28;
	v23 =	vadd.f32 v59, v60;
	v27 =	vmul.f32 v18, v61;
	v31 =	vshll.u32 v63, $0x4  }
0xf0: {  	s17 =	simm.s32 $0x112E0;
	v29 =	vshll.u32 v25, $0x4;
	[tilespmem:v30+s31+$0x0] =	vst.idx.msk $0xffff, v24;
	v30 =	vshll.u32 v26, $0x4;
	v28 =	vmul.f32 $6.500000000e+01, v19  }
0xf1: {  	s3 =	simm.s32 $0xC;
	s18 =	simm.s32 $0x10;
	v18 =	vld [tilespmem:s17+$0x10];
	[tilespmem:v49+s31+$0x0] =	vst.idx.msk $0xffff, v23;
	v27 =	vadd.f32 v27, v60;
	v23 =	vor.u32 v42, v31;
	v24 =	vadd.s32 s22, v63  }
.LBB2_6:
0xf2: {  	p1 =	slt.u32 s18, $0x3C;
	v31 =	vld [tilespmem:s17+$0xFFFFFFF0];
	v28 =	vadd.f32 $-5.000000000e-01, v28;
	v29 =	vor.u32 v42, v29;
	v30 =	vor.u32 v42, v30  }
0xf3: {  	v22 =	vadd.f32 v22, v3;
	v32 =	vld [tilespmem:s17+$0x0];
	[tilespmem:v20+s31+$0x0] =	vst.idx.msk $0xffff, v27;
	v20 =	vadd.s32 s5, v25;
	v25 =	vadd.s32 s9, v26;
	s5 =	smov.u32 s13;
	s9 =	smov.u32 s15  }
0xf4: {  	v24 =	vshll.u32 v24, $0x7;
	v21 =	vadd.f32 v21, v3;
	v26 =	vld [tilespmem:s17+$0xFFFFFFE0];
	v27 =	vtrunc.f32 v28  }
0xf5: {  	v33 =	vld [tilespmem:s4+$0xFFFFFFE0];
	v34 =	vcvt.f32.s32 v27;
	vm0 =	vgt.f32 v28, v27;
	v27 =	vshll.u32 v20, $0x7;
	[tilespmem:v17+s31+$0x0] =	vst.idx.msk $0xffff, v22  }
0xf6: {  	v22 =	vshll.u32 v25, $0x7;
	v17 =	vmul.f32 v18, v14;
	v20 =	vld [tilespmem:s4+$0xFFFFFFF0];
	v18 =	vsel vm0, $0x1, v7;
	[tilespmem:v16+s31+$0x0] =	vst.idx.msk $0xffff, v21  }
0xf7: {  	v16 =	vmul.f32 v31, v14;
	v21 =	vld [tilespmem:s4+$0x0];
	v25 =	vadd.s32 v34, v18;
	v18 =	vadd.s32 v4, v24  }
0xf8: {  	v24 =	vmul.f32 v32, v14;
	v28 =	vmul.f32 $6.500000000e+01, v17;
	v31 =	vshll.u32 v25, $0x4;
	[tilespmem:v23+s0+$0x0] =	vst.idx.add.s32.msk $0xffff, v45  }
0xf9: {  	v23 =	vmul.f32 v26, v14;
	[tilespmem:s17+$0xFFFFFFF0] =	vst v16;
	v16 =	vmul.f32 $6.500000000e+01, v16;
	v26 =	vor.u32 v42, v31;
	v31 =	vld [tilespmem:s21+$0xFFFFFF10]  }
0xfa: {  	[tilespmem:s17+$0x0] =	vst v24;
	v24 =	vmul.f32 $6.500000000e+01, v24;
	v28 =	vadd.f32 $-5.000000000e-01, v28;
	v32 =	vmul.f32 v33, v15  }
0xfb: {  	[tilespmem:s17+$0xFFFFFFE0] =	vst v23;
	v23 =	vmul.f32 $6.500000000e+01, v23;
	v16 =	vadd.f32 $-5.000000000e-01, v16;
	v33 =	vmul.f32 v20, v15  }
0xfc: {  	v20 =	vadd.f32 $-5.000000000e-01, v24;
	v24 =	vtrunc.f32 v28;
	v21 =	vmul.f32 v21, v15;
	[tilespmem:v29+s0+$0x0] =	vst.idx.add.s32.msk $0xffff, v45  }
0xfd: {  	v23 =	vadd.f32 $-5.000000000e-01, v23;
	v29 =	vcvt.f32.s32 v24;
	vm0 =	vgt.f32 v28, v24;
	[tilespmem:s4+$0x10] =	vst v19;
	v19 =	vld [tilespmem:s21+$0xFFFFFF90]  }
0xfe: {  	v24 =	vtrunc.f32 v16;
	v28 =	vtrunc.f32 v20;
	v34 =	vsel vm0, $0x1, v7;
	[tilespmem:v26+s0+$0x0] =	vst.idx.add.s32.msk $0xffff, v45  }
0xff: {  	v35 =	vcvt.f32.s32 v24;
	v26 =	vtrunc.f32 v23;
	v29 =	vadd.s32 v29, v34;
	[tilespmem:s4+$0xFFFFFFF0] =	vst v33;
	v34 =	vld [tilespmem:s1+$0x90]  }
0x100: {  	v36 =	vcvt.f32.s32 v26;
	vm0 =	vgt.f32 v23, v26;
	v23 =	vshll.u32 v29, $0x4;
	[tilespmem:v30+s0+$0x0] =	vst.idx.add.s32.msk $0xffff, v45  }
0x101: {  	vm1 =	vgt.f32 v16, v24;
	v16 =	vor.u32 v42, v23;
	[tilespmem:s4+$0xFFFFFFE0] =	vst v32;
	v23 =	vadd.s32 s14, v25;
	v24 =	vld [tilespmem:s21+$0x10];
	s21 =	smov.u32 s1  }
0x102: {  	vm2 =	vgt.f32 v20, v28;
	v25 =	vcvt.f32.s32 v28;
	[tilespmem:s4+$0x0] =	vst v21;
	v20 =	vshll.u32 v23, $0x7  }
0x103: {  	v26 =	vsel vm1, $0x1, v7;
	v23 =	vsel vm0, $0x1, v7;
	v20 =	vadd.s32 v4, v20  }
0x104: {  	v28 =	vsel vm2, $0x1, v7;
	v23 =	vadd.s32 v36, v23;
	v30 =	vmul.f32 v34, v62  }
0x105: {  	v26 =	vadd.s32 v35, v26;
	v25 =	vadd.s32 v25, v28;
	v34 =	vshll.u32 v23, $0x4;
	[tilespmem:s17+$0x10] =	vst v17  }
0x106: {  	s1 =	sadd.s32 $0x200, s1;
	v28 =	vshll.u32 v25, $0x4;
	v17 =	vshll.u32 v26, $0x4;
	[tilespmem:v16+s30+$0x0] =	vst.idx.add.s32.msk $0xffff, v45;
	v16 =	vadd.f32 v30, v3  }
0x107: {  	s13 =	sadd.s32 $0x1, s3;
	s15 =	sadd.s32 $0x2, s3;
	v28 =	vor.u32 v42, v28;
	v30 =	vor.u32 v42, v34;
	v17 =	vor.u32 v42, v17;
	v34 =	vld [tilespmem:s1+$0x80]  }
0x108: {  	s14 =	sadd.s32 $0x3, s3;
	v23 =	vadd.s32 s3, v23;
	v25 =	vadd.s32 s15, v25;
	v26 =	vadd.s32 s13, v26;
	[tilespmem:v20+s31+$0x0] =	vst.idx.msk $0xffff, v16  }
0x109: {  	v16 =	vshll.u32 v23, $0x7;
	v20 =	vshll.u32 v26, $0x7;
	v23 =	vadd.s32 s14, v29  }
0x10a: {  	v29 =	vadd.s32 v9, v16;
	v16 =	vshll.u32 v25, $0x7;
	v23 =	vshll.u32 v23, $0x7  }
0x10b: {  	v35 =	vadd.s32 v9, v20;
	v20 =	vadd.s32 v9, v16;
	v23 =	vadd.s32 v9, v23  }
0x10c: {  	v26 =	vmul.f32 $6.500000000e+01, v32;
	[tilespmem:v17+s30+$0x0] =	vst.idx.add.s32.msk $0xffff, v45;
	v25 =	vmul.f32 v34, v61;
	v17 =	vadd.s32 v4, v27  }
0x10d: {  	v21 =	vmul.f32 $6.500000000e+01, v21;
	v16 =	vadd.s32 v4, v22;
	v27 =	vmul.f32 $6.500000000e+01, v33;
	[tilespmem:v30+s30+$0x0] =	vst.idx.add.s32.msk $0xffff, v45  }
0x10e: {  	v26 =	vadd.f32 $-5.000000000e-01, v26;
	[tilespmem:v28+s30+$0x0] =	vst.idx.add.s32.msk $0xffff, v45;
	v25 =	vadd.f32 v25, v60;
	v28 =	vmul.f32 v31, v62  }
0x10f: {  	v22 =	vmul.f32 v19, v62;
	v27 =	vadd.f32 $-5.000000000e-01, v27;
	v31 =	vadd.f32 $-5.000000000e-01, v21;
	v30 =	vld [tilespmem:s1+$0xFFFFFF00]  }
0x110: {  	s4 =	sadd.s32 $0x40, s4;
	v21 =	vmul.f32 v24, v62;
	v19 =	vld [tilespmem:s1+$0xFFFFFF80];
	[tilespmem:v23+s31+$0x0] =	vst.idx.msk $0xffff, v25;
	v23 =	vtrunc.f32 v26;
	v25 =	vadd.f32 v28, v3  }
0x111: {  	v28 =	vtrunc.f32 v31;
	v24 =	vld [tilespmem:s4+$0x10];
	vm0 =	vgt.f32 v26, v23;
	v26 =	vtrunc.f32 v27  }
0x112: {  	v23 =	vcvt.f32.s32 v23;
	v32 =	vld [tilespmem:s1+$0x0];
	v33 =	vcvt.f32.s32 v26;
	vm1 =	vgt.f32 v27, v26;
	[tilespmem:v18+s31+$0x0] =	vst.idx.msk $0xffff, v25  }
0x113: {  	v18 =	vsel vm0, $0x1, v7;
	v26 =	vcvt.f32.s32 v28;
	vm0 =	vgt.f32 v31, v28  }
0x114: {  	v25 =	vsel vm1, $0x1, v7;
	v28 =	vsel vm0, $0x1, v7;
	v27 =	vmul.f32 v30, v61  }
.Ltmp1:
0x115: {  	v31 =	vadd.s32 v23, v18;
	v25 =	vadd.s32 v33, v25;
	v30 =	vmul.f32 v19, v61;
	(pc) =	sbr.rel @p1 .LBB2_6-.Ltmp1, $4  }
0x116: {  	v26 =	vadd.s32 v26, v28;
	v18 =	vadd.f32 v27, v60;
	v19 =	vmul.f32 v24, v15  }
0x117: {  	v23 =	vadd.f32 v30, v60;
	v24 =	vmul.f32 v32, v61;
	v32 =	vshll.u32 v31, $0x4  }
0x118: {  	s17 =	sadd.s32 $0x40, s17;
	v30 =	vshll.u32 v26, $0x4;
	[tilespmem:v29+s31+$0x0] =	vst.idx.msk $0xffff, v18;
	v28 =	vmul.f32 $6.500000000e+01, v19;
	v29 =	vshll.u32 v25, $0x4  }
0x119: {  	v18 =	vld [tilespmem:s17+$0x10];
	[tilespmem:v35+s31+$0x0] =	vst.idx.msk $0xffff, v23;
	v27 =	vadd.f32 v24, v60;
	v23 =	vor.u32 v42, v32;
	v24 =	vadd.s32 s2, v31;
	s2 =	smov.u32 s3;
	s3 =	smov.u32 s18;
	s18 =	sadd.s32 $0x4, s18  }
0x11a: {  	v31 =	vld [tilespmem:s17+$0xFFFFFFF0]  }
0x11b: {  	v32 =	vld [tilespmem:s17+$0x0]  }
0x11c: {  	v28 =	vadd.f32 $-5.000000000e-01, v28;
	v33 =	vld [tilespmem:s17+$0xFFFFFFE0];
	_ =	sdelay $0x1  }
0x11d: {  	v34 =	vmul.f32 v18, v14;
	v18 =	vor.u32 v42, v30;
	v30 =	vtrunc.f32 v28  }
0x11e: {  	v29 =	vor.u32 v42, v29;
	v36 =	vcvt.f32.s32 v30  }
0x11f: {  	vm0 =	vgt.f32 v28, v30;
	v28 =	vmul.f32 v31, v14;
	v31 =	vmul.f32 v32, v14  }
0x120: {  	v33 =	vmul.f32 v33, v14;
	v35 =	vmul.f32 $6.500000000e+01, v34;
	v30 =	vsel vm0, $0x1, v7  }
0x121: {  	v30 =	vadd.s32 v36, v30;
	v56 =	vmul.f32 $6.500000000e+01, v28;
	v37 =	vmul.f32 $6.500000000e+01, v31  }
0x122: {  	v39 =	vmul.f32 $6.500000000e+01, v33;
	v55 =	vadd.f32 $-5.000000000e-01, v35;
	v36 =	vshll.u32 v30, $0x4  }
0x123: {  	v5 =	vlaneseq.u32;
	v57 =	vor.u32 v42, v36;
	v35 =	vadd.f32 $-5.000000000e-01, v56  }
0x124: {  	v37 =	vadd.f32 $-5.000000000e-01, v37;
	v59 =	vadd.f32 $-5.000000000e-01, v39;
	v38 =	vtrunc.f32 v55  }
0x125: {  	[tilespmem:v23+s0+$0x0] =	vst.idx.add.s32.msk $0xffff, v45;
	v40 =	vcvt.f32.s32 v38;
	vm0 =	vgt.f32 v55, v38;
	v0 =	vtrunc.f32 v35  }
0x126: {  	v63 =	vld [tilespmem:s4+$0xFFFFFFE0];
	[tilespmem:v20+s31+$0x0] =	vst.idx.msk $0xffff, v27;
	v27 =	vtrunc.f32 v37;
	v6 =	vtrunc.f32 v59;
	v58 =	vsel vm0, $0x1, v7  }
0x127: {  	[tilespmem:s4+$0x10] =	vst v19;
	v20 =	vld [tilespmem:s4+$0xFFFFFFF0];
	v23 =	vcvt.f32.s32 v0;
	v43 =	vcvt.f32.s32 v6;
	v36 =	vadd.s32 v40, v58  }
0x128: {  	[tilespmem:v29+s0+$0x0] =	vst.idx.add.s32.msk $0xffff, v45;
	vm0 =	vgt.f32 v35, v0;
	vm1 =	vgt.f32 v59, v6;
	v41 =	vshll.u32 v36, $0x4  }
0x129: {  	[tilespmem:s17+$0x10] =	vst v34;
	v19 =	vcvt.f32.s32 v27;
	v46 =	vsel vm0, $0x1, v7;
	v41 =	vor.u32 v5, v41  }
0x12a: {  	[tilespmem:s17+$0xFFFFFFF0] =	vst v28;
	vm0 =	vgt.f32 v37, v27;
	v27 =	vsel vm1, $0x1, v7;
	v23 =	vadd.s32 v23, v46  }
0x12b: {  	v25 =	vadd.s32 s5, v25;
	[tilespmem:v57+s0+$0x0] =	vst.idx.add.s32.msk $0xffff, v45;
	v27 =	vadd.s32 v43, v27;
	v47 =	vshll.u32 v23, $0x4  }
0x12c: {  	[tilespmem:s17+$0x0] =	vst v31;
	v31 =	vmul.f32 v63, v15;
	v32 =	vld [tilespmem:s1+$0x90];
	v48 =	vshll.u32 v27, $0x4;
	v34 =	vor.u32 v5, v47  }
0x12d: {  	v26 =	vadd.s32 s9, v26;
	v44 =	vld [tilespmem:s4+$0x0];
	[tilespmem:s17+$0xFFFFFFE0] =	vst v33;
	v33 =	vmul.f32 v20, v15;
	v28 =	vor.u32 v5, v48  }
0x12e: {  	v22 =	vadd.f32 v22, v3;
	s12 =	sadd.s32 $0x200, s1;
	s18 =	sadd.s32 $0x3, s3;
	v54 =	vmul.f32 $6.500000000e+01, v31;
	v37 =	vsel vm0, $0x1, v7;
	[tilespmem:v41+s30+$0x0] =	vst.idx.add.s32.msk $0xffff, v45  }
0x12f: {  	v55 =	vmul.f32 $6.500000000e+01, v33;
	v29 =	vadd.s32 s18, v36;
	v37 =	vadd.s32 v19, v37;
	v49 =	vld [tilespmem:s12+$0x80]  }
0x130: {  	v50 =	vld [tilespmem:s21+$0xFFFFFF90];
	v19 =	vshll.u32 v24, $0x7;
	v20 =	vshll.u32 v29, $0x7;
	v24 =	vshll.u32 v37, $0x4  }
0x131: {  	v29 =	vadd.s32 s14, v30;
	v24 =	vor.u32 v5, v24;
	v30 =	vmul.f32 v32, v62;
	[tilespmem:v34+s30+$0x0] =	vst.idx.add.s32.msk $0xffff, v45  }
0x132: {  	v40 =	vadd.f32 v21, v3;
	v21 =	vshll.u32 v25, $0x7;
	v29 =	vshll.u32 v29, $0x7;
	[tilespmem:v28+s30+$0x0] =	vst.idx.add.s32.msk $0xffff, v45  }
0x133: {  	v20 =	vadd.s32 v9, v20;
	v28 =	vadd.s32 v4, v29;
	v29 =	vadd.f32 v30, v3;
	v30 =	vld [tilespmem:s12+$0xFFFFFF00]  }
0x134: {  	s7 =	sadd.s32 $0x1, s3;
	v58 =	vadd.f32 $-5.000000000e-01, v55;
	v21 =	vadd.s32 v4, v21;
	v53 =	vld [tilespmem:s12+$0xFFFFFF80];
	v51 =	vmul.f32 v49, v61  }
0x135: {  	v25 =	vld [tilespmem:s21+$0xFFFFFF10];
	v36 =	vmul.f32 v50, v62;
	v27 =	vadd.s32 s3, v27;
	v23 =	vadd.s32 s7, v23  }
0x136: {  	v23 =	vshll.u32 v23, $0x7;
	[tilespmem:v24+s30+$0x0] =	vst.idx.add.s32.msk $0xffff, v45;
	v24 =	vshll.u32 v27, $0x7;
	v27 =	vadd.f32 v51, v60  }
0x137: {  	v0 =	vtrunc.f32 v58;
	v23 =	vadd.s32 v9, v23;
	v24 =	vadd.s32 v9, v24  }
0x138: {  	s10 =	sadd.s32 $0x40, s4;
	v26 =	vshll.u32 v26, $0x7;
	s14 =	sadd.s32 $0x2, s3;
	v32 =	vmul.f32 v44, v15;
	v30 =	vmul.f32 v30, v61;
	[tilespmem:v20+s31+$0x0] =	vst.idx.msk $0xffff, v27;
	v27 =	vld [tilespmem:s12+$0x0]  }
0x139: {  	v19 =	vadd.s32 v4, v19;
	v52 =	vadd.s32 s14, v37;
	v35 =	vmul.f32 v53, v61;
	v56 =	vld [tilespmem:s10+$0x10]  }
0x13a: {  	v25 =	vmul.f32 v25, v62;
	v57 =	vmul.f32 $6.500000000e+01, v32;
	v30 =	vadd.f32 v30, v60  }
0x13b: {  	[tilespmem:v18+s0+$0x0] =	vst.idx.add.s32.msk $0xffff, v45;
	vm1 =	vgt.f32 v58, v0;
	v34 =	vshll.u32 v52, $0x7;
	v35 =	vadd.f32 v35, v60  }
0x13c: {  	v18 =	vadd.f32 v25, v3;
	v34 =	vadd.s32 v9, v34;
	v59 =	vadd.f32 $-5.000000000e-01, v57;
	[tilespmem:v24+s31+$0x0] =	vst.idx.msk $0xffff, v30  }
0x13d: {  	v20 =	vadd.s32 v4, v26;
	v26 =	vadd.f32 $-5.000000000e-01, v54;
	[tilespmem:v23+s31+$0x0] =	vst.idx.msk $0xffff, v35;
	v23 =	vld [tilespmem:s10+$0xFFFFFFE0];
	v27 =	vmul.f32 v27, v61  }
0x13e: {  	v6 =	vtrunc.f32 v59;
	v49 =	vsel vm1, $0x1, v7;
	v39 =	vmul.f32 v56, v15  }
0x13f: {  	v48 =	vcvt.f32.s32 v6;
	v63 =	vtrunc.f32 v26;
	v24 =	vadd.f32 v27, v60  }
0x140: {  	v44 =	vcvt.f32.s32 v63;
	vm0 =	vgt.f32 v26, v63;
	v27 =	vmul.f32 $6.500000000e+01, v39  }
0x141: {  	v26 =	vcvt.f32.s32 v0;
	v30 =	vsel vm0, $0x1, v7;
	vm0 =	vgt.f32 v59, v6;
	[tilespmem:v34+s31+$0x0] =	vst.idx.msk $0xffff, v24;
	v24 =	vld [tilespmem:s10+$0xFFFFFFF0]  }
0x142: {  	v30 =	vadd.s32 v44, v30;
	v23 =	vmul.f32 v23, v15;
	v27 =	vadd.f32 $-5.000000000e-01, v27;
	v50 =	vld [tilespmem:s10+$0x0]  }
0x143: {  	v38 =	vsel vm0, $0x1, v7;
	v26 =	vadd.s32 v26, v49;
	v51 =	vshll.u32 v30, $0x4  }
0x144: {  	v52 =	vshll.u32 v26, $0x4;
	v56 =	vmul.f32 $6.500000000e+01, v23;
	v53 =	vtrunc.f32 v27  }
0x145: {  	v54 =	vcvt.f32.s32 v53;
	vm0 =	vgt.f32 v27, v53;
	v27 =	vor.u32 v5, v51  }
0x146: {  	[tilespmem:v16+s31+$0x0] =	vst.idx.msk $0xffff, v40;
	v16 =	vadd.s32 v48, v38;
	v55 =	vsel vm0, $0x1, v7;
	v24 =	vmul.f32 v24, v15  }
0x147: {  	[tilespmem:v17+s31+$0x0] =	vst.idx.msk $0xffff, v22;
	v34 =	vadd.f32 $-5.000000000e-01, v56;
	v17 =	vadd.s32 v54, v55;
	v22 =	vmul.f32 v50, v15  }
0x148: {  	[tilespmem:s4+$0xFFFFFFF0] =	vst v33;
	v57 =	vor.u32 v5, v52;
	v58 =	vshll.u32 v17, $0x4;
	v59 =	vmul.f32 $6.500000000e+01, v24  }
0x149: {  	[tilespmem:s4+$0xFFFFFFE0] =	vst v31;
	v0 =	vtrunc.f32 v34;
	v63 =	vmul.f32 $6.500000000e+01, v22;
	v37 =	vor.u32 v5, v58  }
0x14a: {  	vm0 =	vgt.f32 v34, v0;
	v33 =	vadd.f32 $-5.000000000e-01, v59;
	[tilespmem:v27+s0+$0x0] =	vst.idx.add.s32.msk $0xffff, v45;
	v27 =	vcvt.f32.s32 v0  }
0x14b: {  	v31 =	vld [tilespmem:s21+$0x10];
	[tilespmem:v19+s31+$0x0] =	vst.idx.msk $0xffff, v18;
	v25 =	vshll.u32 v16, $0x4;
	v46 =	vsel vm0, $0x1, v7;
	v38 =	vadd.f32 $-5.000000000e-01, v63  }
0x14c: {  	v25 =	vor.u32 v5, v25;
	[tilespmem:s10+$0x10] =	vst v39;
	v6 =	vtrunc.f32 v33;
	v27 =	vadd.s32 v27, v46  }
0x14d: {  	[tilespmem:v57+s0+$0x0] =	vst.idx.add.s32.msk $0xffff, v45;
	v44 =	vtrunc.f32 v38;
	v47 =	vcvt.f32.s32 v6;
	vm0 =	vgt.f32 v33, v6  }
0x14e: {  	v49 =	vshll.u32 v27, $0x4;
	[tilespmem:v37+s0+$0x0] =	vst.idx.add.s32.msk $0xffff, v45;
	v48 =	vcvt.f32.s32 v44;
	v34 =	vsel vm0, $0x1, v7  }
0x14f: {  	[tilespmem:s4+$0x0] =	vst v32;
	v18 =	vld [tilespmem:s1+$0xFFFFFF90];
	vm0 =	vgt.f32 v38, v44;
	v51 =	vor.u32 v5, v49;
	v34 =	vadd.s32 v47, v34  }
0x150: {  	[tilespmem:v28+s31+$0x0] =	vst.idx.msk $0xffff, v29;
	v28 =	vmul.f32 v31, v62;
	v29 =	vld [tilespmem:s12+$0x90];
	v31 =	vsel vm0, $0x1, v7;
	v52 =	vshll.u32 v34, $0x4  }
0x151: {  	[tilespmem:v25+s0+$0x0] =	vst.idx.add.s32.msk $0xffff, v45;
	v19 =	vadd.s32 v48, v31;
	v31 =	vor.u32 v5, v52  }
0x152: {  	v28 =	vadd.f32 v28, v3;
	v30 =	vadd.s32 s2, v30;
	v50 =	vld [tilespmem:s1+$0xFFFFFF10];
	v25 =	vshll.u32 v19, $0x4  }
0x153: {  	v26 =	vadd.s32 s13, v26;
	v16 =	vadd.s32 s15, v16;
	[tilespmem:s10+$0xFFFFFFE0] =	vst v23;
	v23 =	vld [tilespmem:s1+$0x10];
	v25 =	vor.u32 v5, v25  }
0x154: {  	v30 =	vshll.u32 v30, $0x7;
	v26 =	vshll.u32 v26, $0x7;
	v17 =	vadd.s32 s18, v17;
	[tilespmem:v51+s0+$0x0] =	vst.idx.add.s32.msk $0xffff, v45  }
0x155: {  	v30 =	vadd.s32 v4, v30;
	[tilespmem:s10+$0xFFFFFFF0] =	vst v24;
	v17 =	vshll.u32 v17, $0x7;
	v24 =	vmul.f32 v29, v62;
	v29 =	vld [tilespmem:s12+$0xFFFFFF10]  }
0x156: {  	v16 =	vshll.u32 v16, $0x7;
	v53 =	vadd.f32 v36, v3;
	v17 =	vadd.s32 v4, v17;
	[tilespmem:v31+s0+$0x0] =	vst.idx.add.s32.msk $0xffff, v45  }
0x157: {  	[tilespmem:s10+$0x0] =	vst v22;
	v22 =	vadd.f32 v24, v3;
	v24 =	vadd.s32 v4, v26;
	v26 =	vmul.f32 v50, v62;
	v31 =	vld [tilespmem:s12+$0xFFFFFF90]  }
0x158: {  	v16 =	vadd.s32 v4, v16;
	v18 =	vmul.f32 v18, v62;
	[tilespmem:v25+s0+$0x0] =	vst.idx.add.s32.msk $0xffff, v45  }
0x159: {  	[tilespmem:v21+s31+$0x0] =	vst.idx.msk $0xffff, v53;
	v23 =	vmul.f32 v23, v62;
	v25 =	vadd.s32 s3, v27;
	v21 =	vadd.f32 v26, v3;
	v26 =	vld [tilespmem:s12+$0x10]  }
0x15a: {  	[tilespmem:v20+s31+$0x0] =	vst.idx.msk $0xffff, v28;
	v20 =	vadd.s32 s7, v34;
	v19 =	vadd.s32 s14, v19;
	v25 =	vshll.u32 v25, $0x7  }
0x15b: {  	[tilespmem:v17+s31+$0x0] =	vst.idx.msk $0xffff, v22;
	v17 =	vadd.f32 v18, v3;
	v18 =	vshll.u32 v20, $0x7;
	v20 =	vadd.s32 v4, v25  }
0x15c: {  	v19 =	vshll.u32 v19, $0x7;
	v18 =	vadd.s32 v4, v18;
	[tilespmem:v30+s31+$0x0] =	vst.idx.msk $0xffff, v21;
	v21 =	vmul.f32 v29, v62  }
0x15d: {  	v19 =	vadd.s32 v4, v19;
	v22 =	vadd.f32 v23, v3;
	v23 =	vmul.f32 v31, v62  }
0x15e: {  	[tilespmem:v24+s31+$0x0] =	vst.idx.msk $0xffff, v17;
	v17 =	vadd.f32 v21, v3;
	v21 =	vmul.f32 v26, v62  }
0x15f: {  	[tilespmem:v16+s31+$0x0] =	vst.idx.msk $0xffff, v22;
	v16 =	vadd.f32 v23, v3  }
0x160: {  	[tilespmem:v20+s31+$0x0] =	vst.idx.msk $0xffff, v17;
	v17 =	vadd.f32 v21, v3  }
0x161: {  	[tilespmem:v18+s31+$0x0] =	vst.idx.msk $0xffff, v16  }
0x162: {  	[tilespmem:v19+s31+$0x0] =	vst.idx.msk $0xffff, v17  }
0x163: {  	v16 =	vld [tilespmem:$0x11600];
	_ =	sdelay $0x4  }
0x164: {  	v14 =	vmul.f32 v16, v14;
	_ =	sdelay $0x1  }
0x165: {  	v16 =	vmul.f32 $6.500000000e+01, v14;
	_ =	sdelay $0x1  }
0x166: {  	v16 =	vadd.f32 $-5.000000000e-01, v16;
	_ =	sdelay $0x1  }
0x167: {  	v17 =	vtrunc.f32 v16  }
0x168: {  	v18 =	vcvt.f32.s32 v17;
	vm0 =	vgt.f32 v16, v17  }
0x169: {  	v16 =	vsel vm0, $0x1, v7  }
0x16a: {  	v16 =	vadd.s32 v18, v16  }
0x16b: {  	v17 =	vshll.u32 v16, $0x4  }
0x16c: {  	v17 =	vor.u32 v5, v17;
	_ =	sdelay $0x3  }
0x16d: {  	[tilespmem:$0x11600] =	vst v14  }
0x16e: {  	[tilespmem:v17+s30+$0x0] =	vst.idx.add.s32.msk $0xffff, v45  }
0x16f: {  	v14 =	vld [tilespmem:s26+$0x6000];
	_ =	sdelay $0x1  }
0x170: {  	v16 =	vshll.u32 v16, $0x7  }
0x171: {  	v16 =	vadd.s32 v9, v16  }
0x172: {  	v16 =	vadd.s32 $0x2000, v16  }
0x173: {  	v14 =	vmul.f32 v14, v61;
	_ =	sdelay $0x1  }
0x174: {  	v14 =	vadd.f32 v14, v60;
	_ =	sdelay $0x1  }
0x175: {  	[tilespmem:v16+s31+$0x0] =	vst.idx.msk $0xffff, v14  }
0x176: {  	v14 =	vld [tilespmem:$0x11A80];
	_ =	sdelay $0x4  }
0x177: {  	v14 =	vmul.f32 v14, v15;
	_ =	sdelay $0x1  }
0x178: {  	v15 =	vmul.f32 $6.500000000e+01, v14;
	_ =	sdelay $0x1  }
0x179: {  	v15 =	vadd.f32 $-5.000000000e-01, v15;
	_ =	sdelay $0x1  }
0x17a: {  	v16 =	vtrunc.f32 v15  }
0x17b: {  	v17 =	vcvt.f32.s32 v16;
	vm0 =	vgt.f32 v15, v16  }
0x17c: {  	v15 =	vsel vm0, $0x1, v7  }
0x17d: {  	v15 =	vadd.s32 v17, v15  }
0x17e: {  	v16 =	vshll.u32 v15, $0x4  }
0x17f: {  	v16 =	vor.u32 v5, v16;
	_ =	sdelay $0x3  }
0x180: {  	[tilespmem:$0x11A80] =	vst v14  }
0x181: {  	[tilespmem:v16+s0+$0x0] =	vst.idx.add.s32.msk $0xffff, v45  }
0x182: {  	v14 =	vld [tilespmem:s28+$0x6000];
	_ =	sdelay $0x1  }
0x183: {  	v15 =	vshll.u32 v15, $0x7  }
0x184: {  	v15 =	vadd.s32 v4, v15  }
0x185: {  	v15 =	vadd.s32 $0x2000, v15  }
0x186: {  	v14 =	vmul.f32 v14, v62;
	_ =	sdelay $0x1  }
0x187: {  	v14 =	vadd.f32 v14, v3;
	_ =	sdelay $0x1  }
0x188: {  	s15 =	simm.s32 $0x11B20;
	[tilespmem:v15+s31+$0x0] =	vst.idx.msk $0xffff, v14  }
0x189: {  	v15 =	vld [tilespmem:s15+$0xFFFFFFE0]  }
0x18a: {  	v16 =	vld [tilespmem:s15+$0xFFFFFFF0]  }
0x18b: {  	v17 =	vld [tilespmem:s15+$0x0];
	_ =	sdelay $0x1  }
0x18c: {  	v14 =	vimm.s32 $0x0  }
0x18d: {  	v18 =	vadd.s32 v14, v15  }
0x18e: {  	v16 =	vadd.s32 v18, v16  }
0x18f: {  	v15 =	vld [tilespmem:s15+$0x10];
	v19 =	vshll.u32 v18, $0x4;
	v17 =	vadd.s32 v16, v17  }
0x190: {  	v20 =	vadd.s32 v1, v19;
	v21 =	vshll.u32 v17, $0x4  }
0x191: {  	v22 =	vadd.s32 v1, v21  }
0x192: {  	v21 =	vor.u32 v5, v21  }
0x193: {  	v19 =	vor.u32 v5, v19  }
0x194: {  	v23 =	vshll.u32 v16, $0x4;
	v15 =	vadd.s32 v17, v15  }
0x195: {  	v25 =	vadd.s32 v1, v23;
	v24 =	vshll.u32 v15, $0x4;
	v20 =	vld.idx.msk [tilespmem:v20+s6+$0x0], $0xffff  }
0x196: {  	v26 =	vor.u32 v5, v24;
	v22 =	vld.idx.msk [tilespmem:v22+s6+$0x0], $0xffff  }
0x197: {  	v24 =	vadd.s32 v1, v24;
	v21 =	vld.idx.msk [tilespmem:v21+s6+$0x0], $0xffff  }
0x198: {  	v23 =	vor.u32 v5, v23;
	v19 =	vld.idx.msk [tilespmem:v19+s6+$0x0], $0xffff  }
0x199: {  	v0 =	vld [tilespmem:$0x1FFE0]  }
0x19a: {  	v25 =	vld.idx.msk [tilespmem:v25+s6+$0x0], $0xffff  }
0x19b: {  	v26 =	vld.idx.msk [tilespmem:v26+s6+$0x0], $0xffff  }
0x19c: {  	v24 =	vld.idx.msk [tilespmem:v24+s6+$0x0], $0xffff;
	v21 =	vsub.f32 v21, v22  }
0x19d: {  	v23 =	vld.idx.msk [tilespmem:v23+s6+$0x0], $0xffff;
	v19 =	vsub.f32 v19, v20  }
0x19e: {  	s21 =	simm.s32 $0x0;
	(erf) = vrcp.f32 v21  }
0x19f: {  	s16 =	scvt.s32.f32 s21;
	v6 =	vmovc v1;
	v27 =	vshll.u32 v18, $0x7;
	v1 =	vadd.s32 v0, v2;
	(erf) = vrcp.f32 v19  }
0x1a0: {  	v28 =	vadd.s32 v1, v27  }
0x1a1: {  	s1 =	sadd.f32 s16, s16;
	v27 =	vor.u32 v9, v27;
	v26 =	vsub.f32 v26, v24  }
0x1a2: {  	s17 =	simm.s32 $0x1;
	v23 =	vsub.f32 v23, v25  }
0x1a3: {  	s18 =	scvt.s32.f32 s17;
	s1 =	sadd.f32 $1.000000000e+00, s1;
	(erf) = vrcp.f32 v26  }
0x1a4: {  	v29 =	vshll.u32 v16, $0x7;
	(erf) = vrcp.f32 v23  }
0x1a5: {  	s2 =	sadd.f32 s18, s18;
	s14 =	smul.f32 $7.692307700e-03, s1;
	v30 =	vor.u32 v9, v29;
	v28 =	vld.idx.msk [tilespmem:v28+s19+$0x0], $0xffff  }
0x1a6: {  	v29 =	vadd.s32 v1, v29;
	v27 =	vld.idx.msk [tilespmem:v27+s19+$0x0], $0xffff  }
0x1a7: {  	s18 =	simm.s32 $0x2;
	s22 =	sadd.f32 $1.000000000e+00, s2;
	v31 =	vshll.u32 v17, $0x7;
	v20 =	vsub.f32 s14, v20;
	v55 =	vpop (erf)  }
0x1a8: {  	s29 =	simm.s32 $0x3;
	s26 =	scvt.s32.f32 s18;
	v54 =	vadd.s32 v1, v31;
	v56 =	vpop (erf)  }
0x1a9: {  	s11 =	scvt.s32.f32 s29;
	s28 =	smul.f32 $7.692307700e-03, s22;
	v18 =	vadd.s32 s21, v18;
	v31 =	vor.u32 v9, v31;
	v34 =	vmul.f32 v56, v20  }
0x1aa: {  	s2 =	sadd.f32 s26, s26;
	v57 =	vshll.u32 v15, $0x7;
	v30 =	vld.idx.msk [tilespmem:v30+s19+$0x0], $0xffff;
	vm0 =	vge.f32 v20, v19;
	vm1 =	vle.f32 v20, $0.0e+00  }
0x1ab: {  	s1 =	sadd.f32 s11, s11;
	v29 =	vld.idx.msk [tilespmem:v29+s19+$0x0], $0xffff;
	v19 =	vsub.f32 s28, v25;
	v25 =	vsub.f32 v27, v28;
	v20 =	vsel vm0, $0x3F800000, v34  }
0x1ac: {  	s2 =	sadd.f32 $1.000000000e+00, s2;
	v16 =	vadd.s32 s17, v16;
	v58 =	vor.u32 v9, v57;
	v27 =	vpop (erf);
	v20 =	vsel vm1, $0x0, v20  }
0x1ad: {  	v18 =	vshll.u32 v18, $0x7;
	v59 =	vadd.s32 v1, v57;
	v32 =	vld.idx.msk [tilespmem:v54+s19+$0x0], $0xffff;
	v63 =	vpop (erf);
	v20 =	vmul.f32 v20, v25  }
0x1ae: {  	s1 =	sadd.f32 $1.000000000e+00, s1;
	s26 =	smul.f32 $7.692307700e-03, s2;
	v18 =	vadd.s32 v9, v18;
	v16 =	vshll.u32 v16, $0x7;
	v31 =	vld.idx.msk [tilespmem:v31+s19+$0x0], $0xffff;
	v25 =	vmul.f32 v63, v19  }
0x1af: {  	vm0 =	vge.f32 v19, v23;
	vm1 =	vle.f32 v19, $0.0e+00;
	v19 =	vadd.f32 v20, v28  }
0x1b0: {  	s7 =	smul.f32 $7.692307700e-03, s1;
	v22 =	vsub.f32 s26, v22;
	v30 =	vsub.f32 v30, v29;
	v20 =	vsel vm0, $0x3F800000, v25  }
0x1b1: {  	v16 =	vadd.s32 v9, v16;
	v23 =	vld.idx.msk [tilespmem:v58+s19+$0x0], $0xffff;
	v20 =	vsel vm1, $0x0, v20;
	v19 =	vmul.f32 v19, v61  }
0x1b2: {  	v24 =	vsub.f32 s7, v24;
	v25 =	vld.idx.msk [tilespmem:v59+s19+$0x0], $0xffff;
	v20 =	vmul.f32 v20, v30;
	v30 =	vmul.f32 v55, v22  }
0x1b3: {  	v28 =	vsub.f32 v31, v32;
	vm0 =	vge.f32 v22, v21;
	vm1 =	vle.f32 v22, $0.0e+00  }
0x1b4: {  	v19 =	vadd.f32 v19, v60;
	v20 =	vadd.f32 v20, v29;
	v21 =	vsel vm0, $0x3F800000, v30  }
0x1b5: {  	v22 =	vmul.f32 v27, v24;
	vm0 =	vge.f32 v24, v26;
	v21 =	vsel vm1, $0x0, v21  }
0x1b6: {  	s13 =	simm.s32 $0x11B60;
	[tilespmem:v18+s31+$0x0] =	vst.idx.msk $0xffff, v19;
	v18 =	vmul.f32 v20, v61;
	v20 =	vmul.f32 v21, v28  }
0x1b7: {  	vm1 =	vle.f32 v24, $0.0e+00;
	v22 =	vsel vm0, $0x3F800000, v22;
	v19 =	vsub.f32 v23, v25;
	v23 =	vld [tilespmem:s13+$0xFFFFFFE0]  }
0x1b8: {  	s12 =	simm.s32 $0x11FA0;
	v24 =	vld [tilespmem:s13+$0xFFFFFFF0];
	v22 =	vsel vm1, $0x0, v22;
	v18 =	vadd.f32 v18, v60;
	v20 =	vadd.f32 v20, v32  }
0x1b9: {  	v17 =	vadd.s32 s18, v17;
	v21 =	vld [tilespmem:s12+$0xFFFFFFE0];
	v19 =	vmul.f32 v22, v19  }
0x1ba: {  	v22 =	vld [tilespmem:s13+$0x0];
	[tilespmem:v16+s31+$0x0] =	vst.idx.msk $0xffff, v18;
	v16 =	vshll.u32 v17, $0x7;
	v17 =	vadd.s32 s29, v15;
	v18 =	vmul.f32 v20, v61  }
0x1bb: {  	v19 =	vadd.f32 v19, v25;
	v20 =	vld [tilespmem:s12+$0xFFFFFFF0];
	v17 =	vshll.u32 v17, $0x7;
	v16 =	vadd.s32 v9, v16  }
0x1bc: {  	v23 =	vadd.s32 v15, v23;
	v17 =	vadd.s32 v9, v17  }
0x1bd: {  	v25 =	vadd.f32 v18, v60;
	v15 =	vmul.f32 v19, v61;
	v19 =	vshll.u32 v23, $0x4  }
0x1be: {  	v24 =	vadd.s32 v23, v24;
	v18 =	vadd.s32 v14, v21;
	v21 =	vadd.s32 v6, v19  }
0x1bf: {  	v0 =	vadd.s32 v0, v12;
	v22 =	vadd.s32 v24, v22;
	v19 =	vor.u32 v5, v19  }
0x1c0: {  	v15 =	vadd.f32 v15, v60;
	v26 =	vadd.s32 v18, v20;
	v20 =	vshll.u32 v22, $0x4;
	[tilespmem:v16+s31+$0x0] =	vst.idx.msk $0xffff, v25;
	v25 =	vld [tilespmem:s13+$0x10]  }
0x1c1: {  	v30 =	vshll.u32 v18, $0x4;
	v12 =	vshll.u32 v18, $0x7;
	v27 =	vadd.s32 v6, v20  }
0x1c2: {  	s1 =	simm.s32 $0x5;
	v2 =	vshll.u32 v24, $0x4;
	v16 =	vshll.u32 v26, $0x7;
	v28 =	vld [tilespmem:s12+$0x0];
	[tilespmem:v17+s31+$0x0] =	vst.idx.msk $0xffff, v15;
	v15 =	vor.u32 v5, v20  }
0x1c3: {  	v54 =	vshll.u32 v24, $0x7;
	v24 =	vadd.s32 s1, v24;
	v29 =	vor.u32 v4, v16;
	v33 =	vld.idx.msk [tilespmem:v21+s6+$0x0], $0xffff  }
0x1c4: {  	v14 =	vadd.s32 v0, v12;
	v13 =	vor.u32 v4, v12;
	v31 =	vadd.s32 v0, v16;
	v7 =	vld [tilespmem:s12+$0x10]  }
0x1c5: {  	v57 =	vshll.u32 v22, $0x7;
	v21 =	vadd.s32 v6, v2;
	v19 =	vld.idx.msk [tilespmem:v19+s6+$0x0], $0xffff;
	v17 =	vadd.s32 v22, v25  }
0x1c6: {  	v45 =	vshll.u32 v24, $0x7;
	v25 =	vor.u32 v5, v2;
	v32 =	vld.idx.msk [tilespmem:v27+s6+$0x0], $0xffff;
	v52 =	vshll.u32 v17, $0x7  }
0x1c7: {  	v37 =	vadd.s32 v1, v54;
	v53 =	vshll.u32 v17, $0x4;
	v56 =	vld.idx.msk [tilespmem:v15+s6+$0x0], $0xffff;
	v55 =	vor.u32 v9, v52  }
0x1c8: {  	s9 =	simm.s32 $0x4;
	v40 =	vor.u32 v9, v57;
	v20 =	vadd.s32 v6, v30;
	v29 =	vld.idx.msk [tilespmem:v29+s19+$0x0], $0xffff;
	v58 =	vor.u32 v5, v53  }
0x1c9: {  	s11 =	scvt.s32.f32 s9;
	s2 =	simm.s32 $0x6;
	v59 =	vshll.u32 v26, $0x4;
	v30 =	vor.u32 v5, v30;
	v63 =	vld.idx.msk [tilespmem:v31+s19+$0x0], $0xffff;
	v36 =	vadd.s32 v6, v53  }
0x1ca: {  	v46 =	vor.u32 v5, v59;
	v22 =	vadd.s32 s2, v22;
	v42 =	vld.idx.msk [tilespmem:v21+s6+$0x0], $0xffff;
	v21 =	vor.u32 v9, v54  }
0x1cb: {  	s5 =	simm.s32 $0x7;
	s11 =	sadd.f32 s11, s11;
	v27 =	vadd.s32 s9, v23;
	v28 =	vadd.s32 v26, v28;
	v23 =	vshll.u32 v23, $0x7;
	v44 =	vld.idx.msk [tilespmem:v25+s6+$0x0], $0xffff  }
0x1cc: {  	s15 =	scvt.s32.f32 s1;
	v24 =	vadd.s32 s5, v17;
	v47 =	vshll.u32 v22, $0x7;
	v35 =	vadd.s32 v1, v52;
	v38 =	vld.idx.msk [tilespmem:v55+s19+$0x0], $0xffff  }
0x1cd: {  	s11 =	sadd.f32 $1.000000000e+00, s11;
	s22 =	scvt.s32.f32 s2;
	v31 =	vadd.s32 v1, v57;
	v48 =	vshll.u32 v27, $0x7;
	v49 =	vshll.u32 v24, $0x7;
	v27 =	vld.idx.msk [tilespmem:v58+s6+$0x0], $0xffff;
	[tilespmem:$0x1FF90] =	vst v1  }
0x1ce: {  	s4 =	sadd.f32 s15, s15;
	v41 =	vadd.s32 v1, v23;
	v24 =	vadd.s32 v28, v7;
	v7 =	vsub.f32 v19, v33;
	v34 =	vld.idx.msk [tilespmem:v36+s6+$0x0], $0xffff  }
0x1cf: {  	s3 =	sadd.f32 s22, s22;
	v19 =	vshll.u32 v28, $0x4;
	v22 =	vshll.u32 v24, $0x4;
	v39 =	vsub.f32 v56, v32;
	v43 =	vld.idx.msk [tilespmem:v21+s19+$0x0], $0xffff  }
0x1d0: {  	s4 =	sadd.f32 $1.000000000e+00, s4;
	v23 =	vor.u32 v9, v23;
	v47 =	vadd.s32 v9, v47;
	v51 =	vor.u32 v5, v22;
	v52 =	vld.idx.msk [tilespmem:v37+s19+$0x0], $0xffff  }
0x1d1: {  	s15 =	smul.f32 $7.692307700e-03, s11;
	v2 =	vshll.u32 v24, $0x7;
	v50 =	vadd.s32 s29, v24;
	s29 =	sadd.f32 $1.000000000e+00, s3;
	v54 =	vld.idx.msk [tilespmem:v35+s19+$0x0], $0xffff;
	(erf) = vrcp.f32 v39  }
0x1d2: {  	s16 =	scvt.s32.f32 s5;
	s3 =	smul.f32 $7.692307700e-03, s4;
	v48 =	vadd.s32 v9, v48;
	v53 =	vadd.s32 v6, v22;
	v55 =	vld.idx.msk [tilespmem:v20+s20+$0x0], $0xffff;
	(erf) = vrcp.f32 v7  }
0x1d3: {  	v25 =	vadd.s32 v6, v59;
	s4 =	smul.f32 $7.692307700e-03, s29;
	v59 =	vsub.f32 v29, v63;
	v29 =	vsub.f32 s15, v33;
	v31 =	vld.idx.msk [tilespmem:v31+s19+$0x0], $0xffff;
	[tilespmem:$0x1FFA0] =	vst v0  }
0x1d4: {  	s10 =	sadd.f32 s16, s16;
	v57 =	vadd.s32 v0, v2;
	v1 =	vsub.f32 s3, v42;
	v40 =	vld.idx.msk [tilespmem:v40+s19+$0x0], $0xffff;
	[tilespmem:$0x1FFB0] =	vst v4;
	v20 =	vsub.f32 v27, v34  }
0x1d5: {  	v56 =	vor.u32 v5, v19;
	v32 =	vsub.f32 s4, v32;
	v44 =	vsub.f32 v44, v42;
	v51 =	vld.idx.msk [tilespmem:v51+s20+$0x0], $0xffff;
	[tilespmem:$0x1FFC0] =	vst v59  }
0x1d6: {  	s10 =	sadd.f32 $1.000000000e+00, s10;
	v35 =	vadd.s32 v6, v19;
	v19 =	vshll.u32 v28, $0x7;
	v58 =	vld.idx.msk [tilespmem:v41+s19+$0x0], $0xffff;
	(erf) = vrcp.f32 v20  }
0x1d7: {  	v36 =	vor.u32 v4, v2;
	v28 =	vadd.s32 s18, v28;
	v23 =	vld.idx.msk [tilespmem:v23+s19+$0x0], $0xffff;
	(erf) = vrcp.f32 v44  }
0x1d8: {  	s13 =	smul.f32 $7.692307700e-03, s10;
	v21 =	vadd.s32 v0, v19;
	v22 =	vor.u32 v4, v19;
	vm1 =	vge.f32 v29, v7;
	v2 =	vld.idx.msk [tilespmem:v53+s20+$0x0], $0xffff  }
0x1d9: {  	v33 =	vshll.u32 v28, $0x7;
	vm3 =	vge.f32 v32, v39;
	vm4 =	vle.f32 v32, $0.0e+00  }
0x1da: {  	v30 =	vld.idx.msk [tilespmem:v30+s20+$0x0], $0xffff;
	v41 =	vadd.s32 v9, v45;
	vm2 =	vge.f32 v1, v44;
	v59 =	vsub.f32 s13, v34;
	v28 =	vpop (erf)  }
0x1db: {  	v27 =	vshll.u32 v50, $0x7;
	v4 =	vsub.f32 v38, v54;
	v28 =	vmul.f32 v28, v32;
	v7 =	vpop (erf)  }
0x1dc: {  	v5 =	vsub.f32 v43, v52;
	v6 =	vsub.f32 v40, v31;
	v39 =	vmul.f32 v7, v29  }
0x1dd: {  	v23 =	vsub.f32 v23, v58;
	v42 =	vsub.f32 v51, v2;
	v28 =	vsel vm3, $0x3F800000, v28  }
0x1de: {  	vm3 =	vle.f32 v29, $0.0e+00;
	v29 =	vsel vm1, $0x3F800000, v39;
	v43 =	vsel vm4, $0x0, v28  }
0x1df: {  	v28 =	vsub.f32 v30, v55;
	v29 =	vsel vm3, $0x0, v29;
	v32 =	vmul.f32 v43, v6;
	v30 =	vpop (erf)  }
0x1e0: {  	v38 =	vadd.s32 v9, v49;
	(erf) = vrcp.f32 v42;
	v29 =	vmul.f32 v29, v23;
	v44 =	vpop (erf)  }
0x1e1: {  	vm0 =	vge.f32 v59, v20;
	v31 =	vadd.f32 v32, v31;
	v34 =	vmul.f32 v44, v1  }
0x1e2: {  	v20 =	vsub.f32 s14, v55;
	v55 =	vld.idx.msk [tilespmem:v56+s20+$0x0], $0xffff;
	v29 =	vadd.f32 v29, v58;
	v30 =	vmul.f32 v30, v59  }
0x1e3: {  	vm1 =	vle.f32 v1, $0.0e+00;
	v23 =	vld.idx.msk [tilespmem:v35+s20+$0x0], $0xffff;
	v31 =	vmul.f32 v31, v61;
	v51 =	vsel vm2, $0x3F800000, v34  }
0x1e4: {  	v29 =	vmul.f32 v29, v61;
	v30 =	vsel vm0, $0x3F800000, v30;
	v35 =	vsel vm1, $0x0, v51  }
0x1e5: {  	v37 =	vld.idx.msk [tilespmem:v36+s19+$0x0], $0xffff;
	vm2 =	vle.f32 v59, $0.0e+00;
	v31 =	vadd.f32 v31, v60;
	v56 =	vmul.f32 v35, v5  }
0x1e6: {  	vm0 =	vge.f32 v20, v28;
	v34 =	vld.idx.msk [tilespmem:v46+s20+$0x0], $0xffff;
	v29 =	vadd.f32 v29, v60;
	v30 =	vsel vm2, $0x0, v30  }
0x1e7: {  	s14 =	simm.s32 $0x11FE0;
	v35 =	vld.idx.msk [tilespmem:v57+s19+$0x0], $0xffff;
	[tilespmem:v47+s31+$0x0] =	vst.idx.msk $0xffff, v31;
	v31 =	vmul.f32 v30, v4;
	v58 =	vadd.f32 v56, v52  }
0x1e8: {  	v59 =	vadd.s32 s17, v26;
	v26 =	vsub.f32 v55, v23;
	v30 =	vsub.f32 s7, v2;
	[tilespmem:v48+s31+$0x0] =	vst.idx.msk $0xffff, v29;
	v36 =	vld [tilespmem:s14+$0x0]  }
0x1e9: {  	s18 =	simm.s32 $0x11BA0;
	v39 =	vpop (erf);
	s17 =	simm.s32 $0x8;
	v32 =	vld [tilespmem:s14+$0xFFFFFFE0];
	v43 =	vadd.f32 v31, v54;
	v31 =	vshll.u32 v59, $0x7;
	[tilespmem:$0x1FFD0] =	vst v3;
	v40 =	vmul.f32 v58, v61  }
.LBB2_8:
0x1ea: {  	v8 =	vld [tilespmem:$0x1FFB0];
	_ =	sdelay $0x1  }
0x1eb: {  	v18 =	vadd.s32 s21, v18;
	v45 =	vld [tilespmem:s18+$0xFFFFFFE0];
	v10 =	vlaneseq.u32;
	v43 =	vmul.f32 v43, v61  }
0x1ec: {  	v57 =	vld [tilespmem:s18+$0xFFFFFFF0];
	v29 =	vmul.f32 v39, v30;
	v40 =	vadd.f32 v40, v60;
	vm1 =	vge.f32 v30, v42  }
0x1ed: {  	v7 =	vld [tilespmem:$0x1FFF0];
	vm2 =	vle.f32 v30, $0.0e+00;
	v18 =	vshll.u32 v18, $0x7;
	v58 =	vadd.f32 v43, v60  }
0x1ee: {  	v16 =	vld [tilespmem:$0x1FFA0];
	v29 =	vsel vm1, $0x3F800000, v29;
	[tilespmem:v41+s31+$0x0] =	vst.idx.msk $0xffff, v40;
	v37 =	vsub.f32 v37, v35;
	v30 =	vadd.s32 v8, v18  }
0x1ef: {  	v59 =	vsel vm2, $0x0, v29;
	v0 =	vadd.s32 v8, v31;
	v18 =	vadd.s32 v24, v32;
	[tilespmem:v38+s31+$0x0] =	vst.idx.msk $0xffff, v58  }
0x1f0: {  	v46 =	vld [tilespmem:s14+$0xFFFFFFF0];
	v31 =	vadd.s32 v8, v33;
	v38 =	vadd.s32 v17, v45;
	v27 =	vadd.s32 v8, v27  }
0x1f1: {  	v44 =	vld [tilespmem:s18+$0x0];
	s21 =	smov.u32 s9;
	s9 =	smov.u32 s17;
	v37 =	vmul.f32 v59, v37;
	v43 =	vshll.u32 v18, $0x4;
	v24 =	vshll.u32 v18, $0x7  }
0x1f2: {  	v42 =	vld.idx.msk [tilespmem:v25+s20+$0x0], $0xffff;
	v12 =	vshll.u32 v38, $0x4;
	v47 =	vadd.s32 s9, v38;
	v33 =	vadd.s32 v7, v43  }
0x1f3: {  	v3 =	vadd.s32 v16, v24;
	v24 =	vor.u32 v8, v24;
	v25 =	vadd.f32 v37, v35  }
0x1f4: {  	v54 =	vld.idx.msk [tilespmem:v13+s19+$0x0], $0xffff;
	v4 =	vadd.s32 v7, v12;
	v13 =	vmovc v3;
	v3 =	vshll.u32 v38, $0x7;
	v37 =	vshll.u32 v47, $0x7  }
0x1f5: {  	v2 =	vld [tilespmem:s18+$0x10];
	v32 =	vadd.s32 v18, v46;
	v46 =	vor.u32 v10, v12;
	v45 =	vmul.f32 v25, v62  }
0x1f6: {  	v25 =	vadd.s32 v38, v57;
	v5 =	vshll.u32 v32, $0x7;
	v50 =	vadd.s32 v32, v36  }
0x1f7: {  	v11 =	vmovc v62;
	v19 =	vld [tilespmem:$0x1FFD0];
	v62 =	vsub.f32 v34, v42;
	v42 =	vsub.f32 s28, v42;
	v44 =	vadd.s32 v25, v44  }
0x1f8: {  	s7 =	sadd.s32 $0x1, s9;
	v39 =	vld.idx.msk [tilespmem:v21+s19+$0x0], $0xffff;
	v48 =	vadd.s32 v16, v5;
	v36 =	vshll.u32 v25, $0x4;
	v40 =	vor.u32 v8, v5  }
0x1f9: {  	s22 =	sadd.s32 $0x3, s9;
	s11 =	scvt.s32.f32 s7;
	[tilespmem:$0x1FF80] =	vst v0;
	v0 =	vld.idx.msk [tilespmem:v22+s19+$0x0], $0xffff;
	v57 =	vshll.u32 v25, $0x7;
	v25 =	vadd.s32 s7, v25;
	v6 =	vshll.u32 v44, $0x4  }
0x1fa: {  	s16 =	scvt.s32.f32 s22;
	v17 =	vadd.s32 v44, v2;
	v52 =	vor.u32 v10, v36;
	v55 =	vld.idx.msk [tilespmem:v4+s6+$0x0], $0xffff;
	v56 =	vadd.s32 v7, v36  }
0x1fb: {  	v15 =	vmovc v60;
	s10 =	sadd.s32 $0x2, s9;
	s11 =	sadd.f32 s11, s11;
	v12 =	vmovc v24;
	v24 =	vshll.u32 v44, $0x7;
	v36 =	vld.idx.msk [tilespmem:v14+s19+$0x0], $0xffff;
	v60 =	vor.u32 v9, v57;
	v41 =	vshll.u32 v25, $0x7  }
0x1fc: {  	s29 =	scvt.s32.f32 s10;
	s16 =	sadd.f32 s16, s16;
	v25 =	vadd.s32 s10, v44;
	v49 =	vadd.s32 v7, v6;
	v51 =	vor.u32 v10, v6;
	v6 =	vld [tilespmem:$0x1FF90]  }
0x1fd: {  	s12 =	sadd.f32 $1.000000000e+00, s11;
	v14 =	vmovc v61;
	v61 =	vld [tilespmem:s14+$0x10];
	(erf) = vrcp.f32 v62;
	v22 =	vadd.f32 v45, v19;
	vm1 =	vge.f32 v42, v62  }
0x1fe: {  	s29 =	sadd.f32 s29, s29;
	v38 =	vshll.u32 v25, $0x7;
	v25 =	vadd.s32 s22, v17;
	(erf) = vrcp.f32 v28;
	v28 =	vld.idx.msk [tilespmem:v46+s6+$0x0], $0xffff  }
0x1ff: {  	s11 =	sadd.f32 $1.000000000e+00, s16;
	s16 =	smul.f32 $7.692307700e-03, s12;
	v53 =	vshll.u32 v17, $0x4;
	v59 =	vor.u32 v9, v24;
	v35 =	vshll.u32 v25, $0x7;
	v4 =	vld.idx.msk [tilespmem:v40+s19+$0x0], $0xffff  }
0x200: {  	s12 =	sadd.f32 $1.000000000e+00, s29;
	s29 =	scvt.s32.f32 s9;
	v21 =	vor.u32 v10, v53;
	[tilespmem:v27+s31+$0x0] =	vst.idx.msk $0xffff, v22;
	v22 =	vshll.u32 v50, $0x7;
	v40 =	vld.idx.msk [tilespmem:v48+s19+$0x0], $0xffff;
	v48 =	vshll.u32 v50, $0x4  }
0x201: {  	v62 =	vmovc v11;
	v11 =	vld [tilespmem:$0x1FFC0];
	v46 =	vadd.s32 v7, v48;
	v47 =	vor.u32 v10, v48;
	v58 =	vadd.s32 v6, v24  }
0x202: {  	s29 =	sadd.f32 s29, s29;
	v52 =	vld.idx.msk [tilespmem:v52+s6+$0x0], $0xffff;
	v24 =	vshll.u32 v17, $0x7;
	v1 =	vadd.s32 v6, v3;
	v57 =	vadd.s32 v6, v57  }
0x203: {  	v29 =	vmovc v63;
	v60 =	vld.idx.msk [tilespmem:v60+s19+$0x0], $0xffff;
	v63 =	vadd.s32 v6, v24;
	v2 =	vor.u32 v9, v24;
	v24 =	vshll.u32 v32, $0x4  }
0x204: {  	s29 =	sadd.f32 $1.000000000e+00, s29;
	v49 =	vld.idx.msk [tilespmem:v49+s6+$0x0], $0xffff;
	v34 =	vor.u32 v10, v24;
	v25 =	vadd.s32 v7, v24;
	v24 =	vadd.s32 v50, v61  }
0x205: {  	v51 =	vld.idx.msk [tilespmem:v51+s6+$0x0], $0xffff;
	v3 =	vor.u32 v9, v3;
	v28 =	vsub.f32 v28, v55;
	v44 =	vshll.u32 v24, $0x4  }
0x206: {  	s29 =	smul.f32 $7.692307700e-03, s29;
	v61 =	vadd.s32 v7, v53;
	v53 =	vld.idx.msk [tilespmem:v56+s6+$0x0], $0xffff;
	v45 =	vshll.u32 v24, $0x7;
	v5 =	vadd.s32 v7, v44  }
0x207: {  	v6 =	vor.u32 v10, v44;
	v7 =	vld.idx.msk [tilespmem:v21+s6+$0x0], $0xffff;
	v21 =	vadd.s32 v16, v22;
	v22 =	vor.u32 v8, v22  }
0x208: {  	v48 =	vor.u32 v8, v45;
	v8 =	vor.u32 v10, v43;
	v10 =	vsub.f32 s29, v55;
	v55 =	vld.idx.msk [tilespmem:v33+s20+$0x0], $0xffff  }
0x209: {  	v44 =	vadd.s32 v16, v45;
	v45 =	vld.idx.msk [tilespmem:v57+s19+$0x0], $0xffff  }
0x20a: {  	v56 =	vadd.s32 s5, v24;
	v1 =	vld.idx.msk [tilespmem:v1+s19+$0x0], $0xffff  }
0x20b: {  	v3 =	vld.idx.msk [tilespmem:v3+s19+$0x0], $0xffff  }
0x20c: {  	v0 =	vsub.f32 v0, v39;
	vm3 =	vle.f32 v42, $0.0e+00;
	v41 =	vadd.s32 v9, v41;
	v2 =	vld.idx.msk [tilespmem:v2+s19+$0x0], $0xffff  }
0x20d: {  	v54 =	vsub.f32 v54, v36;
	v50 =	vadd.s32 s2, v50;
	v27 =	vshll.u32 v56, $0x7;
	v56 =	vpop (erf);
	v43 =	vld.idx.msk [tilespmem:v63+s19+$0x0], $0xffff  }
0x20e: {  	v4 =	vsub.f32 v4, v40;
	v51 =	vsub.f32 v51, v49;
	v61 =	vld.idx.msk [tilespmem:v61+s6+$0x0], $0xffff;
	v56 =	vmul.f32 v56, v42  }
0x20f: {  	(erf) = vrcp.f32 v26;
	vm2 =	vge.f32 v10, v28;
	vm15 =	vle.f32 v10, $0.0e+00;
	v8 =	vld.idx.msk [tilespmem:v8+s20+$0x0], $0xffff  }
0x210: {  	(erf) = vrcp.f32 v51;
	v42 =	vpop (erf);
	v52 =	vsub.f32 v52, v53;
	v33 =	vsel vm1, $0x3F800000, v56;
	v56 =	vld.idx.msk [tilespmem:v58+s19+$0x0], $0xffff  }
0x211: {  	s28 =	smov.u32 s3;
	s3 =	smov.u32 s16;
	(erf) = vrcp.f32 v28;
	v28 =	vmul.f32 v42, v20;
	v58 =	vld.idx.msk [tilespmem:v59+s19+$0x0], $0xffff;
	v33 =	vsel vm3, $0x0, v33  }
0x212: {  	v53 =	vsub.f32 s3, v53;
	v6 =	vld.idx.msk [tilespmem:v6+s20+$0x0], $0xffff;
	v3 =	vsub.f32 v3, v1;
	v59 =	vmul.f32 v33, v11  }
0x213: {  	s16 =	smul.f32 $7.692307700e-03, s11;
	v5 =	vld.idx.msk [tilespmem:v5+s20+$0x0], $0xffff;
	v11 =	vmovc v4;
	v4 =	vsel vm0, $0x3F800000, v28;
	v2 =	vsub.f32 v2, v43;
	v33 =	vshll.u32 v50, $0x7  }
0x214: {  	v50 =	vsub.f32 v60, v45;
	vm0 =	vle.f32 v20, $0.0e+00;
	v7 =	vsub.f32 v7, v61  }
0x215: {  	s12 =	smul.f32 $7.692307700e-03, s12;
	v20 =	vsub.f32 s15, v55;
	v57 =	vsub.f32 s16, v61;
	v4 =	vsel vm0, $0x0, v4  }
0x216: {  	vm0 =	vge.f32 v53, v52;
	v4 =	vmul.f32 v4, v54;
	(erf) = vrcp.f32 v7  }
0x217: {  	v61 =	vmovc v14;
	vm1 =	vge.f32 v57, v7;
	v7 =	vsub.f32 s26, v23;
	s26 =	smov.u32 s4;
	s4 =	smov.u32 s12;
	v28 =	vsub.f32 v8, v55  }
0x218: {  	v14 =	vmovc v13;
	v13 =	vmovc v12;
	v42 =	vsub.f32 v6, v5;
	(erf) = vrcp.f32 v52;
	v63 =	vsub.f32 s4, v49  }
0x219: {  	v23 =	vpop (erf);
	v4 =	vadd.f32 v4, v36;
	vm3 =	vge.f32 v7, v26;
	v26 =	vsub.f32 v58, v56  }
0x21a: {  	[tilespmem:$0x1FFC0] =	vst v11;
	v11 =	vmul.f32 v23, v7;
	v54 =	vpop (erf);
	vm4 =	vle.f32 v7, $0.0e+00;
	vm5 =	vge.f32 v63, v51  }
0x21b: {  	v12 =	vmul.f32 v54, v63;
	vm6 =	vle.f32 v63, $0.0e+00;
	v23 =	vpop (erf);
	v4 =	vmul.f32 v4, v62  }
0x21c: {  	v8 =	vsel vm3, $0x3F800000, v11;
	vm3 =	vle.f32 v53, $0.0e+00;
	v23 =	vmul.f32 v23, v10  }
0x21d: {  	v10 =	vadd.s32 v9, v38;
	v38 =	vadd.s32 v9, v35;
	v8 =	vsel vm4, $0x0, v8  }
0x21e: {  	v51 =	vsel vm5, $0x3F800000, v12;
	v0 =	vmul.f32 v8, v0;
	v8 =	vsel vm2, $0x3F800000, v23  }
0x21f: {  	v4 =	vadd.f32 v4, v19;
	v6 =	vsel vm6, $0x0, v51;
	v8 =	vsel vm15, $0x0, v8  }
0x220: {  	v34 =	vld.idx.msk [tilespmem:v34+s20+$0x0], $0xffff;
	vm2 =	vle.f32 v57, $0.0e+00;
	v6 =	vmul.f32 v6, v26;
	v3 =	vmul.f32 v8, v3;
	v58 =	vpop (erf)  }
0x221: {  	v55 =	vld.idx.msk [tilespmem:v47+s20+$0x0], $0xffff;
	v0 =	vadd.f32 v0, v39;
	v8 =	vadd.f32 v59, v29;
	v52 =	vpop (erf);
	(erf) = vrcp.f32 v42  }
0x222: {  	v26 =	vadd.s32 v9, v37;
	v59 =	vld [tilespmem:$0x1FF80];
	v6 =	vadd.f32 v6, v56;
	v7 =	vmul.f32 v52, v53  }
0x223: {  	v35 =	vld.idx.msk [tilespmem:v44+s19+$0x0], $0xffff;
	v0 =	vmul.f32 v0, v62;
	v1 =	vadd.f32 v3, v1;
	v8 =	vmul.f32 v8, v62  }
0x224: {  	v60 =	vmovc v15;
	v23 =	vld.idx.msk [tilespmem:v46+s20+$0x0], $0xffff;
	v53 =	vmul.f32 v58, v57;
	v6 =	vmul.f32 v6, v61;
	v54 =	vsel vm0, $0x3F800000, v7  }
0x225: {  	p1 =	slt.u32 s17, $0x3C;
	v63 =	vmovc v40;
	v37 =	vld.idx.msk [tilespmem:v48+s19+$0x0], $0xffff;
	v1 =	vmul.f32 v1, v61;
	v0 =	vadd.f32 v0, v19;
	v3 =	vsel vm3, $0x0, v54  }
.Ltmp2:
0x226: {  	[tilespmem:v30+s31+$0x0] =	vst.idx.msk $0xffff, v4;
	v6 =	vadd.f32 v6, v15;
	v36 =	vsel vm1, $0x3F800000, v53;
	v3 =	vmul.f32 v3, v50;
	(pc) =	sbr.rel @p1 .LBB2_8-.Ltmp2, $4  }
0x227: {  	v8 =	vadd.f32 v8, v19;
	v1 =	vadd.f32 v1, v15;
	v56 =	vsel vm2, $0x0, v36;
	[tilespmem:v31+s31+$0x0] =	vst.idx.msk $0xffff, v0  }
0x228: {  	s17 =	sadd.s32 $0x4, s17;
	s14 =	sadd.s32 $0x40, s14;
	v30 =	vsub.f32 s13, v5;
	[tilespmem:v10+s31+$0x0] =	vst.idx.msk $0xffff, v6;
	v2 =	vmul.f32 v56, v2;
	v57 =	vadd.f32 v3, v45  }
0x229: {  	s18 =	sadd.s32 $0x40, s18;
	s2 =	smov.u32 s10;
	s5 =	smov.u32 s22;
	v58 =	vadd.s32 s1, v32;
	vm0 =	vge.f32 v20, v28;
	[tilespmem:v26+s31+$0x0] =	vst.idx.msk $0xffff, v1;
	v36 =	vld [tilespmem:s14+$0x0];
	v26 =	vsub.f32 v55, v23  }
0x22a: {  	s15 =	smov.u32 s29;
	s13 =	smov.u32 s16;
	s1 =	smov.u32 s7;
	v31 =	vshll.u32 v58, $0x7;
	[tilespmem:v59+s31+$0x0] =	vst.idx.msk $0xffff, v8;
	v32 =	vld [tilespmem:s14+$0xFFFFFFE0];
	v43 =	vadd.f32 v2, v43;
	v39 =	vpop (erf);
	v40 =	vmul.f32 v57, v61  }
0x22b: {  	_ =	sdelay $0x1  }
0x22c: {  	v1 =	vmul.f32 v43, v61  }
0x22d: {  	v0 =	vadd.f32 v40, v60  }
0x22e: {  	v55 =	vld.idx.msk [tilespmem:v25+s20+$0x0], $0xffff;
	v1 =	vadd.f32 v1, v60  }
0x22f: {  	v16 =	vld.idx.msk [tilespmem:v14+s19+$0x0], $0xffff;
	[tilespmem:v41+s31+$0x0] =	vst.idx.msk $0xffff, v0  }
0x230: {  	v2 =	vld [tilespmem:s14+$0xFFFFFFF0];
	[tilespmem:v38+s31+$0x0] =	vst.idx.msk $0xffff, v1  }
0x231: {  	v5 =	vld [tilespmem:s14+$0x10]  }
0x232: {  	v3 =	vadd.s32 s21, v18;
	v4 =	vmul.f32 v39, v30;
	v11 =	vld [tilespmem:$0x1FFB0]  }
0x233: {  	vm1 =	vge.f32 v30, v42;
	vm2 =	vle.f32 v30, $0.0e+00;
	v7 =	vsub.f32 v37, v35;
	v15 =	vld [tilespmem:$0x1FFA0]  }
0x234: {  	v14 =	vlaneseq.u32;
	v22 =	vld.idx.msk [tilespmem:v22+s19+$0x0], $0xffff;
	v23 =	vsub.f32 s26, v23;
	vm13 =	vle.f32 v20, $0.0e+00  }
0x235: {  	v21 =	vld.idx.msk [tilespmem:v21+s19+$0x0], $0xffff;
	v3 =	vshll.u32 v3, $0x7;
	v4 =	vsel vm1, $0x3F800000, v4;
	v1 =	vadd.s32 v24, v32  }
0x236: {  	vm14 =	vge.f32 v23, v26;
	v4 =	vsel vm2, $0x0, v4;
	v2 =	vadd.s32 v1, v2  }
0x237: {  	v4 =	vmul.f32 v4, v7;
	v8 =	vshll.u32 v2, $0x7;
	v7 =	vadd.s32 v2, v36  }
0x238: {  	v56 =	vor.u32 v11, v8;
	v39 =	vadd.s32 v7, v5;
	v5 =	vadd.s32 v15, v8;
	v8 =	vld.idx.msk [tilespmem:v13+s19+$0x0], $0xffff  }
0x239: {  	vm15 =	vle.f32 v23, $0.0e+00;
	v6 =	vsub.f32 v34, v55;
	v0 =	vsub.f32 s28, v55;
	v13 =	vld [tilespmem:$0x1FFF0]  }
0x23a: {  	v22 =	vsub.f32 v22, v21;
	v10 =	vshll.u32 v1, $0x4;
	v59 =	vshll.u32 v2, $0x4  }
0x23b: {  	v57 =	vshll.u32 v1, $0x7;
	v4 =	vadd.f32 v4, v35;
	v19 =	vor.u32 v14, v59  }
0x23c: {  	(erf) = vrcp.f32 v6;
	vm11 =	vge.f32 v0, v6;
	v12 =	vshll.u32 v39, $0x4  }
0x23d: {  	v41 =	vld [tilespmem:$0x1FFD0];
	vm12 =	vle.f32 v0, $0.0e+00;
	(erf) = vrcp.f32 v28;
	v29 =	vor.u32 v14, v12  }
0x23e: {  	v4 =	vmul.f32 v4, v62;
	v24 =	vadd.s32 v11, v3;
	v3 =	vld.idx.msk [tilespmem:v56+s19+$0x0], $0xffff;
	v12 =	vadd.s32 v13, v12  }
0x23f: {  	(erf) = vrcp.f32 v26;
	v1 =	vadd.s32 s9, v1;
	v58 =	vadd.s32 v13, v10;
	v5 =	vld.idx.msk [tilespmem:v5+s19+$0x0], $0xffff  }
0x240: {  	v2 =	vadd.s32 s1, v2;
	v25 =	vadd.s32 v11, v33;
	v32 =	vadd.s32 v13, v59;
	v33 =	vld.idx.msk [tilespmem:v19+s20+$0x0], $0xffff  }
0x241: {  	v1 =	vshll.u32 v1, $0x7;
	v45 =	vshll.u32 v7, $0x4;
	v10 =	vor.u32 v14, v10;
	v19 =	vld [tilespmem:$0x1FFC0]  }
0x242: {  	v18 =	vadd.s32 v11, v31;
	v31 =	vadd.s32 v15, v57;
	v47 =	vadd.s32 v13, v45;
	v29 =	vld.idx.msk [tilespmem:v29+s20+$0x0], $0xffff  }
0x243: {  	v28 =	vor.u32 v11, v57;
	v27 =	vadd.s32 v11, v27;
	v48 =	vor.u32 v14, v45;
	v6 =	vld.idx.msk [tilespmem:v12+s20+$0x0], $0xffff  }
0x244: {  	v4 =	vadd.f32 v4, v41;
	v51 =	vshll.u32 v7, $0x7;
	v46 =	vshll.u32 v39, $0x7;
	v30 =	vld.idx.msk [tilespmem:v58+s20+$0x0], $0xffff  }
0x245: {  	v7 =	vadd.s32 s2, v7;
	v2 =	vshll.u32 v2, $0x7;
	v36 =	vor.u32 v11, v46;
	v44 =	vpop (erf);
	v32 =	vld.idx.msk [tilespmem:v32+s20+$0x0], $0xffff  }
0x246: {  	v1 =	vadd.s32 v11, v1;
	v50 =	vadd.s32 s5, v39;
	v34 =	vmul.f32 v44, v0;
	v10 =	vld.idx.msk [tilespmem:v10+s20+$0x0], $0xffff  }
0x247: {  	v54 =	vadd.s32 v15, v51;
	v7 =	vshll.u32 v7, $0x7;
	v2 =	vadd.s32 v11, v2;
	v52 =	vpop (erf);
	v37 =	vld.idx.msk [tilespmem:v47+s20+$0x0], $0xffff  }
0x248: {  	v53 =	vadd.s32 v15, v46;
	v38 =	vmul.f32 v52, v20;
	v55 =	vpop (erf);
	v49 =	vsel vm11, $0x3F800000, v34;
	v12 =	vld.idx.msk [tilespmem:v48+s20+$0x0], $0xffff  }
0x249: {  	v8 =	vsub.f32 v8, v16;
	v28 =	vld.idx.msk [tilespmem:v28+s19+$0x0], $0xffff;
	v20 =	vmul.f32 v55, v23;
	v0 =	vsel vm12, $0x0, v49  }
0x24a: {  	v59 =	vld.idx.msk [tilespmem:v36+s19+$0x0], $0xffff;
	v38 =	vsel vm0, $0x3F800000, v38;
	v0 =	vmul.f32 v0, v19;
	v29 =	vsub.f32 v29, v6  }
0x24b: {  	v36 =	vld.idx.msk [tilespmem:v31+s19+$0x0], $0xffff;
	v38 =	vsel vm13, $0x0, v38;
	v20 =	vsel vm14, $0x3F800000, v20;
	v56 =	vsub.f32 v33, v32  }
0x24c: {  	v3 =	vsub.f32 v3, v5;
	v10 =	vsub.f32 v10, v30;
	(erf) = vrcp.f32 v29  }
0x24d: {  	v58 =	vor.u32 v11, v51;
	v19 =	vld.idx.msk [tilespmem:v53+s19+$0x0], $0xffff;
	v57 =	vsub.f32 v12, v37;
	(erf) = vrcp.f32 v56  }
0x24e: {  	v8 =	vmul.f32 v38, v8;
	v20 =	vsel vm15, $0x0, v20;
	(erf) = vrcp.f32 v10  }
0x24f: {  	v20 =	vmul.f32 v20, v22;
	v0 =	vadd.f32 v0, v63;
	(erf) = vrcp.f32 v57  }
0x250: {  	v7 =	vadd.s32 v11, v7;
	v28 =	vsub.f32 v28, v36;
	v8 =	vadd.f32 v8, v16  }
0x251: {  	v20 =	vadd.f32 v20, v21;
	v0 =	vmul.f32 v0, v62;
	v63 =	vsub.f32 s15, v30  }
0x252: {  	v44 =	vld.idx.msk [tilespmem:v54+s19+$0x0], $0xffff;
	v8 =	vmul.f32 v8, v62;
	v6 =	vsub.f32 s13, v6;
	v42 =	vsub.f32 v59, v19  }
0x253: {  	v33 =	vshll.u32 v50, $0x7;
	v43 =	vld.idx.msk [tilespmem:v58+s19+$0x0], $0xffff;
	v45 =	vsub.f32 s3, v32;
	v48 =	vsub.f32 s4, v37  }
0x254: {  	v20 =	vmul.f32 v20, v62;
	v8 =	vadd.f32 v8, v41;
	vm4 =	vge.f32 v63, v10  }
0x255: {  	vm5 =	vge.f32 v6, v29;
	vm6 =	vle.f32 v6, $0.0e+00;
	vm7 =	vge.f32 v45, v56;
	v34 =	vpop (erf)  }
0x256: {  	vm8 =	vle.f32 v63, $0.0e+00;
	vm9 =	vle.f32 v45, $0.0e+00;
	v35 =	vmul.f32 v34, v6;
	v38 =	vpop (erf)  }
0x257: {  	vm10 =	vge.f32 v48, v57;
	vm11 =	vle.f32 v48, $0.0e+00;
	v46 =	vpop (erf);
	v29 =	vmul.f32 v38, v45  }
0x258: {  	[tilespmem:v27+s31+$0x0] =	vst.idx.msk $0xffff, v4;
	v4 =	vsub.f32 v43, v44;
	v6 =	vsel vm5, $0x3F800000, v35;
	v47 =	vmul.f32 v46, v63;
	v49 =	vpop (erf)  }
0x259: {  	[tilespmem:v24+s31+$0x0] =	vst.idx.msk $0xffff, v8;
	v6 =	vsel vm6, $0x0, v6;
	v50 =	vmul.f32 v49, v48;
	v8 =	vsel vm7, $0x3F800000, v29  }
0x25a: {  	v6 =	vmul.f32 v6, v42;
	v10 =	vsel vm4, $0x3F800000, v47;
	v8 =	vsel vm9, $0x0, v8  }
0x25b: {  	v10 =	vsel vm8, $0x0, v10;
	v51 =	vsel vm10, $0x3F800000, v50;
	v3 =	vmul.f32 v8, v3  }
0x25c: {  	v10 =	vmul.f32 v10, v28;
	v15 =	vsel vm11, $0x0, v51;
	v6 =	vadd.f32 v6, v19  }
0x25d: {  	v52 =	vadd.s32 v11, v33;
	v4 =	vmul.f32 v15, v4;
	v3 =	vadd.f32 v3, v5  }
0x25e: {  	v0 =	vadd.f32 v0, v41;
	v8 =	vadd.f32 v10, v36;
	v6 =	vmul.f32 v6, v62  }
0x25f: {  	v20 =	vadd.f32 v20, v41;
	v4 =	vadd.f32 v4, v44;
	v53 =	vmul.f32 v3, v62  }
0x260: {  	[tilespmem:v18+s31+$0x0] =	vst.idx.msk $0xffff, v0;
	v8 =	vmul.f32 v8, v62;
	v5 =	vadd.f32 v6, v41  }
0x261: {  	[tilespmem:v25+s31+$0x0] =	vst.idx.msk $0xffff, v20;
	v4 =	vmul.f32 v4, v62;
	v0 =	vadd.f32 v53, v41  }
0x262: {  	v54 =	vadd.f32 v8, v41;
	[tilespmem:v52+s31+$0x0] =	vst.idx.msk $0xffff, v5  }
0x263: {  	v4 =	vadd.f32 v4, v41;
	[tilespmem:v2+s31+$0x0] =	vst.idx.msk $0xffff, v0  }
0x264: {  	[tilespmem:v1+s31+$0x0] =	vst.idx.msk $0xffff, v54  }
0x265: {  	[tilespmem:v7+s31+$0x0] =	vst.idx.msk $0xffff, v4  }
0x266: {  	v0 =	vld [tilespmem:$0x11F00];
	_ =	sdelay $0x4  }
0x267: {  	v0 =	vadd.s32 v17, v0  }
0x268: {  	v55 =	vshll.u32 v0, $0x4  }
0x269: {  	v56 =	vadd.s32 v13, v55  }
0x26a: {  	v1 =	vor.u32 v14, v55;
	_ =	sdelay $0x3  }
0x26b: {  	v2 =	vld.idx.msk [tilespmem:v56+s6+$0x0], $0xffff  }
0x26c: {  	v1 =	vld.idx.msk [tilespmem:v1+s6+$0x0], $0xffff;
	_ =	sdelay $0x4  }
0x26d: {  	v1 =	vsub.f32 v1, v2;
	_ =	sdelay $0x1  }
0x26e: {  	v0 =	vshll.u32 v0, $0x7;
	(erf) = vrcp.f32 v1  }
0x26f: {  	v57 =	vadd.s32 v9, v0;
	v0 =	vor.u32 v9, v0  }
0x270: {  	v4 =	vadd.s32 $0xFFFFFF80, v57;
	_ =	sdelay $0x3  }
0x271: {  	v0 =	vld.idx.msk [tilespmem:v0+s19+$0x0], $0xffff  }
0x272: {  	v4 =	vld.idx.msk [tilespmem:v4+s19+$0x0], $0xffff  }
0x273: {  	v2 =	vsub.f32 $9.923077220e-01, v2  }
0x274: {  	v5 =	vpop (erf)  }
0x275: {  	v5 =	vmul.f32 v5, v2  }
0x276: {  	vm12 =	vge.f32 v2, v1  }
0x277: {  	v0 =	vsub.f32 v0, v4;
	vm13 =	vle.f32 v2, $0.0e+00;
	v1 =	vsel vm12, $0x3F800000, v5  }
0x278: {  	v1 =	vsel vm13, $0x0, v1  }
0x279: {  	v0 =	vmul.f32 v1, v0;
	_ =	sdelay $0x1  }
0x27a: {  	v0 =	vadd.f32 v0, v4  }
0x27b: {  	v58 =	vadd.s32 $0x2000, v57  }
0x27c: {  	v0 =	vmul.f32 v0, v61;
	_ =	sdelay $0x1  }
0x27d: {  	v0 =	vadd.f32 v0, v60;
	_ =	sdelay $0x1  }
0x27e: {  	[tilespmem:v58+s31+$0x0] =	vst.idx.msk $0xffff, v0  }
0x27f: {  	v0 =	vld [tilespmem:$0x12380];
	_ =	sdelay $0x4  }
0x280: {  	v0 =	vadd.s32 v39, v0  }
0x281: {  	v59 =	vshll.u32 v0, $0x4  }
0x282: {  	v60 =	vadd.s32 v13, v59  }
0x283: {  	v1 =	vor.u32 v14, v59;
	_ =	sdelay $0x3  }
0x284: {  	v2 =	vld.idx.msk [tilespmem:v60+s20+$0x0], $0xffff  }
0x285: {  	v1 =	vld.idx.msk [tilespmem:v1+s20+$0x0], $0xffff;
	_ =	sdelay $0x4  }
0x286: {  	v1 =	vsub.f32 v1, v2;
	_ =	sdelay $0x1  }
0x287: {  	v0 =	vshll.u32 v0, $0x7;
	(erf) = vrcp.f32 v1  }
0x288: {  	v61 =	vadd.s32 v11, v0;
	v0 =	vor.u32 v11, v0  }
0x289: {  	v4 =	vadd.s32 $0xFFFFFF80, v61;
	_ =	sdelay $0x3  }
0x28a: {  	v0 =	vld.idx.msk [tilespmem:v0+s19+$0x0], $0xffff  }
0x28b: {  	v4 =	vld.idx.msk [tilespmem:v4+s19+$0x0], $0xffff  }
0x28c: {  	v2 =	vsub.f32 $9.923077220e-01, v2  }
0x28d: {  	v5 =	vpop (erf)  }
0x28e: {  	v5 =	vmul.f32 v5, v2  }
0x28f: {  	vm14 =	vge.f32 v2, v1  }
0x290: {  	v0 =	vsub.f32 v0, v4;
	vm15 =	vle.f32 v2, $0.0e+00;
	v1 =	vsel vm14, $0x3F800000, v5  }
0x291: {  	v1 =	vsel vm15, $0x0, v1  }
0x292: {  	v0 =	vmul.f32 v1, v0  }
0x293: {  	s29 =	rddreg [dreg:$0x14]  }
0x294: {  	s1 =	sadd.s32 $0x1, s29;
	v0 =	vadd.f32 v0, v4  }
0x295: {  	p1 =	sne.s32 s1, $0x4;
	v63 =	vadd.s32 $0x2000, v61  }
.Ltmp3:
0x296: {  	v0 =	vmul.f32 v0, v62;
	(pc) =	sbr.rel @p1 .LBB2_3-.Ltmp3, $3  }
0x297: {  	_ = 	snop  }
0x298: {  	v0 =	vadd.f32 v0, v41;
	_ =	sdelay $0x1  }
0x299: {  	s23 =	sadd.s32 $0x20, s23;
	s25 =	sadd.s32 $0x20, s25;
	v45 =	vimm.s32 $0x1;
	v42 =	vlaneseq.u32;
	v7 =	vimm.s32 $0x0;
	v39 =	vmovc v13;
	[tilespmem:v63+s31+$0x0] =	vst.idx.msk $0xffff, v0  }
0x29a: {  	s4 =	rddreg [dreg:$0x11]  }
0x29b: {  	s2 =	rddreg [dreg:$0xd];
	s25 =	simm.s32 $0x400;
	s1 =	sshll.u32 s4, $0x8  }
0x29c: {  	s3 =	simm.s32 $0x80000;
	s26 =	simm.s32 $0x0;
	s1 =	sadd.s32 s1, s2  }
0x29d: {  	[hbm4b:s1+s25] =	stream.strided.scatter [tilespmem:s31], [sflag:$0x3], $0x4000, s3, s25, $0x38;
	[tilespmem:$0x12400] =	vst v63  }
0x29e: {  	s28 =	simm.s32 $0xCA00;
	s2 =	rddreg [dreg:$0x13];
	s1 =	sadd.s32 $0x100000, s1  }
0x29f: {  	[hbm4b:s1+s26] =	stream.linear.scatter [tilespmem:s28], [sflag:$0x3], $0x100, $0x38;
	[tilespmem:$0x12400] =	vst v63  }
0x2a0: {  	p1 =	seq.s32 s4, $0x7;
	s1 =	rddreg [dreg:$0xe]  }
0x2a1: {  	s1 =	sadd.s32 @!p1 s2, s1  }
0x2a2: {  	s4 =	simm.s32 @!p1 $0x400;
	s3 =	rddreg [dreg:$0x0];
	s2 =	sshll.u32 @!p1 s1, $0x7  }
0x2a3: {  	s5 =	simm.s32 @!p1 $0x80000;
	s7 =	simm.s32 @!p1 $0x0;
	s3 =	sadd.s32 @!p1 s3, s2  }
0x2a4: {  	[tilespmem:s7], [sflag:$0x1] =	stream.strided.gather @!p1 [hbm4b:s3+s4], $0x2000, s5, s4, $0x38;
	[tilespmem:$0x12400] =	vst v63  }
0x2a5: {  	s3 =	rddreg [dreg:$0x1]  }
0x2a6: {  	s2 =	sadd.s32 @!p1 s3, s2;
	s3 =	simm.s32 @!p1 $0x4000  }
0x2a7: {  	[tilespmem:s3], [sflag:$0x1] =	stream.strided.gather @!p1 [hbm4b:s2+s4], $0x2000, s5, s4, $0x38;
	[tilespmem:$0x12400] =	vst v63  }
0x2a8: {  	s1 =	sshll.u32 @!p1 s1, $0x4;
	s2 =	rddreg [dreg:$0x2]  }
0x2a9: {  	s3 =	simm.s32 @!p1 $0x6000;
	s2 =	sadd.s32 @!p1 s2, s1  }
0x2aa: {  	[tilespmem:s3], [sflag:$0x1] =	stream.linear.gather @!p1 [hbm4b:s2+s7], $0x80, $0x38;
	[tilespmem:$0x12400] =	vst v63  }
0x2ab: {  	s2 =	rddreg [dreg:$0x3]  }
0x2ac: {  	s3 =	simm.s32 @!p1 $0x8800;
	s2 =	sadd.s32 @!p1 s2, s1  }
0x2ad: {  	[tilespmem:s3], [sflag:$0x1] =	stream.linear.gather @!p1 [hbm4b:s2+s7], $0x80, $0x38;
	[tilespmem:$0x12400] =	vst v63  }
0x2ae: {  	s2 =	rddreg [dreg:$0x4]  }
0x2af: {  	s29 =	simm.s32 $0x2;
	s1 =	sadd.s32 @!p1 s2, s1;
	s2 =	simm.s32 @!p1 $0x8900  }
0x2b0: {  	[tilespmem:s2], [sflag:$0x1] =	stream.linear.gather @!p1 [hbm4b:s1+s7], $0x80, $0x38;
	[tilespmem:$0x12400] =	vst v63  }
0x2b1: {  	_ =	swait.ge [sflag:s29], $0x2000  }
0x2b2: {  	[sflag:s29] =	ssyncset.done $0x0  }
0x2b3: {  	[sflag:s29] =	ssyncadd.s32 $0xFFFFE000  }
0x2b4: {  	_ =	swait.ge [sflag:s29], $0x2000  }
0x2b5: {  	[sflag:s29] =	ssyncset.done $0x0  }
0x2b6: {  	[sflag:s29] =	ssyncadd.s32 $0xFFFFE000  }
0x2b7: {  	_ =	swait.ge [sflag:s29], $0x80  }
0x2b8: {  	[sflag:s29] =	ssyncset.done $0x0  }
0x2b9: {  	[sflag:s29] =	ssyncadd.s32 $0xFFFFFF80  }
0x2ba: {  	_ =	swait.ge [sflag:s29], $0x80  }
0x2bb: {  	[sflag:s29] =	ssyncset.done $0x0  }
0x2bc: {  	[sflag:s29] =	ssyncadd.s32 $0xFFFFFF80  }
0x2bd: {  	_ =	swait.ge [sflag:s29], $0x80  }
0x2be: {  	[sflag:s29] =	ssyncset.done $0x0  }
0x2bf: {  	s1 =	simm.s32 @!p0 $0x4;
	[sflag:s29] =	ssyncadd.s32 $0xFFFFFF80  }
0x2c0: {  	_ =	swait.ge @!p0 [sflag:s1], $0x4100  }
0x2c1: {  	s12 =	simm.s32 $0x2100;
	[sflag:s1] =	ssyncset.done @!p0 $0x0  }
0x2c2: {  	s23 =	simm.s32 $0x6500;
	[sflag:s1] =	ssyncadd.s32 @!p0 $0xFFFFBF00;
	s1 =	simm.s32 $0x0  }
.LBB2_11:
0x2c3: {  	v0 =	vld [tilespmem:s12+$0xFFFFFF00];
	_ =	sdelay $0x1  }
0x2c4: {  	v1 =	vld [tilespmem:s12+$0xFFFFFF80];
	_ =	sdelay $0x1  }
0x2c5: {  	s25 =	sshll.u32 s1, $0x5  }
0x2c6: {  	v52 =	vld [tilespmem:s25+$0x8880];
	v0 =	vadd.f32 $9.999999770e-03, v0  }
0x2c7: {  	v2 =	vimm.f32 $0.0e+00;
	v8 =	vld [tilespmem:s25+$0x8980]  }
0x2c8: {  	v61 =	vld [tilespmem:s25+$0x8890];
	v1 =	vadd.f32 $9.999999770e-03, v1;
	v0 =	vadd.f32 v0, v2  }
0x2c9: {  	[dreg:$0x15] =	wrdreg s1;
	s4 =	simm.s32 $0x11240;
	v10 =	vld [tilespmem:s25+$0x8990]  }
0x2ca: {  	s5 =	simm.s32 $0x11B20;
	v3 =	vld [tilespmem:s12+$0x0];
	[tilespmem:s4+$0xFFFFFFD0] =	vst v0;
	v0 =	vadd.f32 v1, v0  }
0x2cb: {  	[tilespmem:s5+$0xFFFFFFE0] =	vst v7  }
0x2cc: {  	v55 =	vld [tilespmem:s12+$0xFFFFFF10];
	[tilespmem:s4+$0xFFFFFFE0] =	vst v0  }
0x2cd: {  	[tilespmem:s5+$0xFFFFFFF0] =	vst v7  }
0x2ce: {  	v4 =	vld [tilespmem:s12+$0xFFFFFF90]  }
0x2cf: {  	v5 =	vld [tilespmem:s12+$0x80];
	v3 =	vadd.f32 $9.999999770e-03, v3  }
0x2d0: {  	s1 =	sadd.s32 $0x200, s12  }
0x2d1: {  	v56 =	vld [tilespmem:s1+$0xFFFFFF00];
	v0 =	vadd.f32 v3, v0;
	v1 =	vadd.f32 $9.999999770e-03, v55;
	_ =	sdelay $0x1  }
0x2d2: {  	v9 =	vld [tilespmem:s1+$0xFFFFFF80];
	[tilespmem:s4+$0xFFFFFFF0] =	vst v0;
	v1 =	vadd.f32 v1, v2;
	v57 =	vadd.f32 $9.999999770e-03, v4  }
0x2d3: {  	s3 =	simm.s32 $0x116C0;
	[tilespmem:s5+$0x0] =	vst v7;
	v4 =	vadd.f32 $9.999999770e-03, v5  }
0x2d4: {  	s2 =	simm.s32 $0x11FA0;
	v5 =	vld [tilespmem:s1+$0x0];
	[tilespmem:s3+$0xFFFFFFD0] =	vst v1;
	v1 =	vadd.f32 v57, v1  }
0x2d5: {  	v58 =	vadd.f32 $9.999999770e-03, v56;
	v0 =	vadd.f32 v4, v0;
	[tilespmem:s2+$0xFFFFFFE0] =	vst v7  }
0x2d6: {  	v4 =	vld [tilespmem:s12+$0x10];
	[tilespmem:s3+$0xFFFFFFE0] =	vst v1  }
0x2d7: {  	v59 =	vadd.f32 $9.999999770e-03, v9;
	v2 =	vadd.f32 v58, v0;
	[tilespmem:s4+$0x0] =	vst v0  }
0x2d8: {  	s4 =	simm.s32 $0x11280;
	[tilespmem:s5+$0x10] =	vst v7  }
0x2d9: {  	v60 =	vadd.f32 $9.999999770e-03, v5;
	s5 =	simm.s32 $0x11B60;
	[tilespmem:s4+$0xFFFFFFD0] =	vst v2;
	v2 =	vadd.f32 v59, v2;
	v62 =	vld [tilespmem:s12+$0x90]  }
0x2da: {  	[tilespmem:s5+$0xFFFFFFE0] =	vst v7  }
0x2db: {  	v63 =	vadd.f32 $9.999999770e-03, v4;
	[tilespmem:s4+$0xFFFFFFE0] =	vst v2;
	v9 =	vadd.f32 v60, v2;
	v12 =	vld [tilespmem:s1+$0xFFFFFF10]  }
0x2dc: {  	[tilespmem:s5+$0xFFFFFFF0] =	vst v7  }
0x2dd: {  	s10 =	simm.s32 $0x4;
	s7 =	simm.s32 $0x116C0;
	v13 =	vadd.f32 v63, v1;
	v11 =	vld [tilespmem:s1+$0xFFFFFF90];
	[tilespmem:s4+$0xFFFFFFF0] =	vst v9  }
0x2de: {  	s9 =	simm.s32 $0x11FA0;
	s26 =	sor.u32 $0x10, s25;
	v14 =	vld [tilespmem:s1+$0x80];
	s13 =	sadd.s32 $0x200, s1;
	[tilespmem:s5+$0x0] =	vst v7;
	v15 =	vadd.f32 $9.999999770e-03, v62  }
.LBB2_12:
0x2df: {  	s10 =	sadd.s32 $0x4, s10;
	[tilespmem:s3+$0xFFFFFFF0] =	vst v13;
	s7 =	sadd.s32 $0x40, s7;
	s2 =	sadd.s32 $0x40, s2  }
0x2e0: {  	v0 =	vld [tilespmem:s13+$0xFFFFFF00];
	p0 =	slt.u32 s10, $0x3C;
	v1 =	vadd.f32 $9.999999770e-03, v12;
	[tilespmem:s9+$0x0] =	vst v7;
	v2 =	vadd.f32 v15, v13  }
0x2e1: {  	v3 =	vld [tilespmem:s13+$0xFFFFFF80];
	[tilespmem:s9+$0xFFFFFFF0] =	vst v7  }
0x2e2: {  	v1 =	vadd.f32 v1, v2;
	v4 =	vadd.f32 $9.999999770e-03, v11;
	[tilespmem:s3+$0x0] =	vst v2;
	s3 =	smov.u32 s7  }
0x2e3: {  	v2 =	vld [tilespmem:s13+$0x0];
	v5 =	vadd.f32 $9.999999770e-03, v14;
	[tilespmem:s9+$0x10] =	vst v7;
	s9 =	smov.u32 s2  }
0x2e4: {  	[tilespmem:s7+$0xFFFFFFD0] =	vst v1;
	v1 =	vadd.f32 v4, v1  }
0x2e5: {  	v0 =	vadd.f32 $9.999999770e-03, v0;
	[tilespmem:s2+$0xFFFFFFE0] =	vst v7;
	v4 =	vadd.f32 v5, v9  }
0x2e6: {  	v3 =	vadd.f32 $9.999999770e-03, v3;
	[tilespmem:s7+$0xFFFFFFE0] =	vst v1;
	v5 =	vld [tilespmem:s1+$0x10]  }
0x2e7: {  	v0 =	vadd.f32 v0, v4;
	[tilespmem:s4+$0x0] =	vst v4;
	s4 =	sadd.s32 $0x40, s4  }
0x2e8: {  	v2 =	vadd.f32 $9.999999770e-03, v2;
	[tilespmem:s5+$0x10] =	vst v7;
	s5 =	sadd.s32 $0x40, s5  }
0x2e9: {  	[tilespmem:s4+$0xFFFFFFD0] =	vst v0;
	v0 =	vadd.f32 v3, v0;
	v3 =	vld [tilespmem:s1+$0x90];
	s1 =	smov.u32 s13  }
.Ltmp4:
0x2ea: {  	[tilespmem:s5+$0xFFFFFFE0] =	vst v7;
	(pc) =	sbr.rel @p0 .LBB2_12-.Ltmp4, $4  }
0x2eb: {  	v12 =	vld [tilespmem:s13+$0xFFFFFF10];
	[tilespmem:s4+$0xFFFFFFE0] =	vst v0;
	v9 =	vadd.f32 v2, v0;
	v0 =	vadd.f32 $9.999999770e-03, v5  }
0x2ec: {  	[tilespmem:s5+$0xFFFFFFF0] =	vst v7  }
0x2ed: {  	v11 =	vld [tilespmem:s13+$0xFFFFFF90];
	[tilespmem:s4+$0xFFFFFFF0] =	vst v9;
	v13 =	vadd.f32 v0, v1  }
0x2ee: {  	s13 =	sadd.s32 $0x200, s13;
	[tilespmem:s5+$0x0] =	vst v7;
	v14 =	vld [tilespmem:s1+$0x80];
	v15 =	vadd.f32 $9.999999770e-03, v3  }
0x2ef: {  	_ =	sdelay $0x3  }
0x2f0: {  	v0 =	vadd.f32 $9.999999770e-03, v14;
	_ =	sdelay $0x1  }
0x2f1: {  	[tilespmem:s3+$0xFFFFFFF0] =	vst v13;
	v0 =	vadd.f32 v0, v9  }
0x2f2: {  	[tilespmem:s9+$0xFFFFFFF0] =	vst v7  }
0x2f3: {  	v1 =	vld [tilespmem:s1+$0x10];
	[tilespmem:s4+$0x0] =	vst v0  }
0x2f4: {  	v2 =	vadd.f32 $9.999999770e-03, v12;
	v3 =	vadd.f32 v15, v13;
	[tilespmem:s5+$0x10] =	vst v7  }
0x2f5: {  	[tilespmem:s9+$0x0] =	vst v7;
	v5 =	vld [tilespmem:s1+$0x90]  }
0x2f6: {  	v2 =	vadd.f32 v2, v3;
	v4 =	vadd.f32 $9.999999770e-03, v11;
	[tilespmem:s3+$0x0] =	vst v3  }
0x2f7: {  	s11 =	sadd.s32 $0x40, s7;
	[tilespmem:s9+$0x10] =	vst v7  }
0x2f8: {  	s2 =	sadd.s32 $0x40, s2;
	v37 =	vadd.f32 v4, v2;
	v1 =	vadd.f32 $9.999999770e-03, v1;
	[tilespmem:s11+$0xFFFFFFD0] =	vst v2  }
0x2f9: {  	[tilespmem:s2+$0xFFFFFFE0] =	vst v7  }
0x2fa: {  	v1 =	vadd.f32 v1, v37;
	[tilespmem:s11+$0xFFFFFFE0] =	vst v37;
	v38 =	vadd.f32 $9.999999770e-03, v5  }
0x2fb: {  	[tilespmem:s2+$0xFFFFFFF0] =	vst v7  }
0x2fc: {  	[tilespmem:s11+$0xFFFFFFF0] =	vst v1;
	v1 =	vadd.f32 v38, v1  }
0x2fd: {  	[tilespmem:s2+$0x0] =	vst v7  }
0x2fe: {  	[tilespmem:s11+$0x0] =	vst v1  }
0x2ff: {  	[tilespmem:s2+$0x10] =	vst v7  }
0x300: {  	[tilespmem:$0x11F00] =	vst v7  }
0x301: {  	v40 =	vimm.f32 $0.0e+00;
	(erf) = vrcp.f32 v0;
	[tilespmem:$0x11F10] =	vst v7  }
0x302: {  	[tilespmem:$0x11200] =	vst v40  }
0x303: {  	[tilespmem:$0x12380] =	vst v7  }
0x304: {  	[tilespmem:$0x12390] =	vst v7  }
0x305: {  	s13 =	simm.s32 $0x11220;
	[tilespmem:$0x11680] =	vst v40  }
0x306: {  	v0 =	vld [tilespmem:s13+$0x10];
	_ =	sdelay $0x3  }
0x307: {  	v14 =	vpop (erf)  }
0x308: {  	v0 =	vmul.f32 v0, v14;
	_ =	sdelay $0x1  }
0x309: {  	v41 =	vmul.f32 $6.500000000e+01, v0;
	_ =	sdelay $0x1  }
0x30a: {  	v2 =	vadd.f32 $-5.000000000e-01, v41;
	_ =	sdelay $0x1  }
0x30b: {  	v5 =	vtrunc.f32 v2  }
0x30c: {  	v3 =	vld [tilespmem:s13+$0xFFFFFFF0];
	v11 =	vcvt.f32.s32 v5;
	vm0 =	vgt.f32 v2, v5  }
0x30d: {  	v9 =	vld [tilespmem:s13+$0xFFFFFFE0];
	v2 =	vsel vm0, $0x1, v7  }
0x30e: {  	v4 =	vld [tilespmem:s13+$0x0];
	v2 =	vadd.s32 v11, v2  }
0x30f: {  	v5 =	vshll.u32 v2, $0x4  }
0x310: {  	v5 =	vor.u32 v42, v5  }
0x311: {  	v3 =	vmul.f32 v3, v14  }
0x312: {  	v11 =	vmul.f32 v9, v14  }
0x313: {  	v4 =	vmul.f32 v4, v14;
	v9 =	vmul.f32 $6.500000000e+01, v3  }
0x314: {  	v53 =	vsub.f32 v8, v52;
	s14 =	simm.s32 $0x3;
	(erf) = vrcp.f32 v1;
	[tilespmem:s13+$0x10] =	vst v0;
	v13 =	vmul.f32 $6.500000000e+01, v11  }
0x315: {  	v12 =	vmul.f32 $6.500000000e+01, v4;
	v46 =	vadd.s32 s14, v2;
	v15 =	vadd.f32 $-5.000000000e-01, v9;
	[tilespmem:v5+s30+$0x0] =	vst.idx.add.s32.msk $0xffff, v45  }
0x316: {  	v9 =	vor.u32 s25, v42;
	v1 =	vshll.u32 v46, $0x7;
	v43 =	vadd.f32 $-5.000000000e-01, v13;
	v13 =	vld [tilespmem:s23+$0x80]  }
0x317: {  	v12 =	vadd.f32 $-5.000000000e-01, v12;
	v1 =	vadd.s32 v9, v1;
	v44 =	vtrunc.f32 v15  }
0x318: {  	v17 =	vcvt.f32.s32 v44;
	vm11 =	vgt.f32 v15, v44;
	v16 =	vtrunc.f32 v43  }
0x319: {  	v47 =	vsel vm11, $0x1, v7;
	v18 =	vcvt.f32.s32 v16;
	vm1 =	vgt.f32 v43, v16  }
0x31a: {  	v5 =	vtrunc.f32 v12;
	v0 =	vadd.s32 v17, v47;
	v48 =	vsel vm1, $0x1, v7  }
0x31b: {  	v15 =	vshll.u32 v0, $0x4;
	v2 =	vadd.s32 v18, v48;
	v13 =	vmul.f32 v13, v53  }
0x31c: {  	s18 =	simm.s32 $0x11260;
	v16 =	vcvt.f32.s32 v5;
	v15 =	vor.u32 v42, v15;
	v17 =	vshll.u32 v2, $0x4  }
0x31d: {  	v19 =	vld [tilespmem:s18+$0xFFFFFFF0];
	vm12 =	vgt.f32 v12, v5;
	v5 =	vor.u32 v42, v17;
	v12 =	vadd.f32 v13, v52  }
0x31e: {  	v20 =	vld [tilespmem:s18+$0x0];
	[tilespmem:s13+$0xFFFFFFF0] =	vst v3  }
0x31f: {  	s15 =	simm.s32 $0x116A0;
	v21 =	vld [tilespmem:s18+$0xFFFFFFE0];
	[tilespmem:v1+s8+$0x0] =	vst.idx.msk $0xffff, v12  }
0x320: {  	[tilespmem:s13+$0xFFFFFFE0] =	vst v11;
	v11 =	vld [tilespmem:s15+$0x10]  }
0x321: {  	[tilespmem:v15+s30+$0x0] =	vst.idx.add.s32.msk $0xffff, v45  }
0x322: {  	[tilespmem:v5+s30+$0x0] =	vst.idx.add.s32.msk $0xffff, v45  }
0x323: {  	v49 =	vsel vm12, $0x1, v7;
	v5 =	vld [tilespmem:s23+$0xFFFFFF00]  }
0x324: {  	s16 =	simm.s32 $0x0;
	v8 =	vor.u32 s26, v42;
	v59 =	vmul.f32 v19, v14;
	v3 =	vadd.s32 v16, v49;
	v15 =	vpop (erf);
	v16 =	vld [tilespmem:s23+$0xFFFFFF80]  }
0x325: {  	[tilespmem:s13+$0x0] =	vst v4;
	v2 =	vadd.s32 s16, v2;
	v50 =	vshll.u32 v3, $0x4;
	v17 =	vld [tilespmem:s18+$0x10];
	v4 =	vmul.f32 v11, v15  }
0x326: {  	s22 =	simm.s32 $0x1;
	v19 =	vmul.f32 v20, v14;
	v2 =	vshll.u32 v2, $0x7;
	v1 =	vor.u32 v42, v50  }
0x327: {  	v0 =	vadd.s32 s22, v0;
	v51 =	vadd.s32 v9, v2;
	v18 =	vmul.f32 $6.500000000e+01, v4  }
0x328: {  	v20 =	vmul.f32 v21, v14;
	v0 =	vshll.u32 v0, $0x7;
	v5 =	vmul.f32 v5, v53  }
0x329: {  	s17 =	simm.s32 $0x112A0;
	v0 =	vadd.s32 v9, v0;
	v16 =	vmul.f32 v16, v53;
	v18 =	vadd.f32 $-5.000000000e-01, v18  }
0x32a: {  	v29 =	vld [tilespmem:s17+$0x10];
	v21 =	vmul.f32 $6.500000000e+01, v59;
	v22 =	vmul.f32 v17, v14;
	v5 =	vadd.f32 v5, v52  }
0x32b: {  	v24 =	vmul.f32 $6.500000000e+01, v19;
	[tilespmem:v1+s30+$0x0] =	vst.idx.add.s32.msk $0xffff, v45;
	v16 =	vadd.f32 v16, v52;
	v17 =	vtrunc.f32 v18  }
0x32c: {  	[tilespmem:v51+s8+$0x0] =	vst.idx.msk $0xffff, v5;
	v5 =	vmul.f32 $6.500000000e+01, v22;
	v58 =	vcvt.f32.s32 v17;
	vm13 =	vgt.f32 v18, v17  }
0x32d: {  	v54 =	vsub.f32 v10, v61;
	v21 =	vadd.f32 $-5.000000000e-01, v21;
	v17 =	vld [tilespmem:s15+$0xFFFFFFE0];
	v18 =	vsel vm13, $0x1, v7  }
0x32e: {  	v24 =	vadd.f32 $-5.000000000e-01, v24;
	[tilespmem:v0+s8+$0x0] =	vst.idx.msk $0xffff, v16;
	v5 =	vadd.f32 $-5.000000000e-01, v5;
	v1 =	vadd.s32 v58, v18  }
0x32f: {  	v41 =	vmul.f32 v29, v14;
	v26 =	vtrunc.f32 v21;
	v18 =	vld [tilespmem:s15+$0xFFFFFFF0];
	v16 =	vshll.u32 v1, $0x4  }
0x330: {  	v27 =	vtrunc.f32 v24;
	v23 =	vor.u32 v42, v16;
	v16 =	vtrunc.f32 v5  }
0x331: {  	v31 =	vld [tilespmem:s17+$0x0];
	v28 =	vcvt.f32.s32 v26;
	v25 =	vcvt.f32.s32 v16;
	vm14 =	vgt.f32 v5, v16  }
0x332: {  	vm4 =	vgt.f32 v21, v26;
	v57 =	vld [tilespmem:s23+$0x0];
	v16 =	vmul.f32 v17, v15;
	v17 =	vsel vm14, $0x1, v7  }
0x333: {  	v62 =	vcvt.f32.s32 v27;
	s13 =	simm.s32 $0x2;
	v5 =	vmul.f32 $6.500000000e+01, v20;
	v25 =	vadd.s32 v25, v17  }
0x334: {  	v3 =	vadd.s32 s13, v3;
	v17 =	vmul.f32 v18, v15;
	v18 =	vshll.u32 v25, $0x4  }
0x335: {  	v3 =	vshll.u32 v3, $0x7;
	v5 =	vadd.f32 $-5.000000000e-01, v5;
	v18 =	vor.u32 v42, v18  }
0x336: {  	vm5 =	vgt.f32 v24, v27;
	v43 =	vmul.f32 v31, v14;
	v3 =	vadd.s32 v9, v3  }
0x337: {  	v13 =	vmov s25;
	[tilespmem:s15+$0x10] =	vst v4;
	v2 =	vmul.f32 v57, v53;
	v4 =	vtrunc.f32 v5  }
0x338: {  	[tilespmem:v23+s0+$0x0] =	vst.idx.add.s32.msk $0xffff, v45;
	v23 =	vcvt.f32.s32 v4;
	vm15 =	vgt.f32 v5, v4;
	v4 =	vsel vm4, $0x1, v7  }
0x339: {  	[tilespmem:s18+$0x10] =	vst v22;
	v2 =	vadd.f32 v2, v52;
	v21 =	vsel vm15, $0x1, v7;
	v4 =	vadd.s32 v28, v4  }
0x33a: {  	s21 =	sadd.s32 $0x200, s23;
	v22 =	vsel vm5, $0x1, v7;
	v21 =	vadd.s32 v23, v21;
	v23 =	vshll.u32 v4, $0x4;
	[tilespmem:v18+s30+$0x0] =	vst.idx.add.s32.msk $0xffff, v45  }
0x33b: {  	s9 =	simm.s32 $0x6;
	v12 =	vmov s26;
	[tilespmem:v3+s8+$0x0] =	vst.idx.msk $0xffff, v2;
	v3 =	vadd.s32 v62, v22;
	v22 =	vor.u32 v42, v23;
	v23 =	vld [tilespmem:s21+$0x80]  }
0x33c: {  	s10 =	simm.s32 $0x7;
	v1 =	vadd.s32 s14, v1;
	v24 =	vshll.u32 v3, $0x4;
	v3 =	vadd.s32 s9, v3  }
0x33d: {  	v32 =	vor.u32 v42, v24;
	v24 =	vadd.s32 s10, v25;
	v5 =	vld [tilespmem:s15+$0x0];
	v18 =	vshll.u32 v21, $0x4  }
0x33e: {  	v1 =	vshll.u32 v1, $0x7;
	v33 =	vshll.u32 v24, $0x7;
	v26 =	vor.u32 v42, v18  }
0x33f: {  	s5 =	simm.s32 $0x5;
	[tilespmem:s18+$0xFFFFFFF0] =	vst v59;
	v3 =	vshll.u32 v3, $0x7;
	v60 =	vld [tilespmem:s23+$0x90];
	v18 =	vadd.s32 v8, v1;
	v1 =	vadd.s32 v9, v33  }
0x340: {  	s28 =	simm.s32 $0x4;
	[tilespmem:s18+$0xFFFFFFE0] =	vst v20;
	v36 =	vadd.s32 v9, v3;
	v4 =	vadd.s32 s5, v4;
	v20 =	vmul.f32 v23, v53  }
0x341: {  	v34 =	vadd.s32 s28, v21;
	v4 =	vshll.u32 v4, $0x7;
	[tilespmem:v22+s30+$0x0] =	vst.idx.add.s32.msk $0xffff, v45;
	v22 =	vmul.f32 $6.500000000e+01, v17  }
0x342: {  	v21 =	vmul.f32 $6.500000000e+01, v16;
	v5 =	vmul.f32 v5, v15;
	v24 =	vld [tilespmem:s21+$0xFFFFFF80];
	v35 =	vadd.f32 v20, v52  }
0x343: {  	v0 =	vshll.u32 v34, $0x7;
	v4 =	vadd.s32 v9, v4;
	[tilespmem:v26+s30+$0x0] =	vst.idx.add.s32.msk $0xffff, v45;
	v22 =	vadd.f32 $-5.000000000e-01, v22  }
0x344: {  	s29 =	simm.s32 $0x116E0;
	v63 =	vmul.f32 v60, v54;
	v23 =	vmul.f32 $6.500000000e+01, v5;
	v20 =	vadd.f32 $-5.000000000e-01, v21;
	v21 =	vld [tilespmem:s21+$0xFFFFFF00];
	[tilespmem:v1+s8+$0x0] =	vst.idx.msk $0xffff, v35  }
0x345: {  	[tilespmem:s18+$0x0] =	vst v19;
	v0 =	vadd.s32 v9, v0;
	v33 =	vmul.f32 $6.500000000e+01, v43;
	v25 =	vtrunc.f32 v22;
	v38 =	vld [tilespmem:s29+$0x10]  }
0x346: {  	[tilespmem:v32+s30+$0x0] =	vst.idx.add.s32.msk $0xffff, v45;
	v19 =	vadd.f32 v63, v61;
	v23 =	vadd.f32 $-5.000000000e-01, v23;
	v27 =	vcvt.f32.s32 v25  }
0x347: {  	v26 =	vld [tilespmem:s21+$0x0];
	vm7 =	vgt.f32 v22, v25;
	v37 =	vtrunc.f32 v20;
	v24 =	vmul.f32 v24, v53  }
0x348: {  	vm6 =	vgt.f32 v20, v37;
	v20 =	vtrunc.f32 v23;
	v2 =	vcvt.f32.s32 v37  }
0x349: {  	v22 =	vsel vm6, $0x1, v7;
	v25 =	vcvt.f32.s32 v20;
	vm8 =	vgt.f32 v23, v20  }
0x34a: {  	v20 =	vmul.f32 v21, v53;
	v23 =	vsel vm8, $0x1, v7;
	v3 =	vmul.f32 v38, v15  }
0x34b: {  	v21 =	vsel vm7, $0x1, v7;
	v2 =	vadd.s32 v2, v22;
	v22 =	vadd.s32 v25, v23  }
0x34c: {  	v23 =	vmul.f32 v26, v53;
	v20 =	vadd.f32 v20, v52;
	v26 =	vmul.f32 $6.500000000e+01, v3  }
0x34d: {  	v30 =	vld [tilespmem:s17+$0xFFFFFFF0];
	v24 =	vadd.f32 v24, v52;
	v21 =	vadd.s32 v27, v21;
	v25 =	vshll.u32 v2, $0x4  }
0x34e: {  	v2 =	vadd.s32 s16, v2;
	v27 =	vshll.u32 v21, $0x4;
	[tilespmem:v0+s8+$0x0] =	vst.idx.msk $0xffff, v20;
	v20 =	vld [tilespmem:s17+$0xFFFFFFE0];
	v26 =	vadd.f32 $-5.000000000e-01, v26  }
0x34f: {  	[tilespmem:v4+s8+$0x0] =	vst.idx.msk $0xffff, v24;
	v28 =	vshll.u32 v22, $0x4;
	v25 =	vor.u32 v42, v25;
	v21 =	vadd.s32 s22, v21;
	v4 =	vld [tilespmem:s29+$0xFFFFFFE0]  }
0x350: {  	v40 =	vadd.s32 s13, v22;
	v23 =	vadd.f32 v23, v52;
	v22 =	vtrunc.f32 v26  }
0x351: {  	v2 =	vshll.u32 v2, $0x7;
	v24 =	vcvt.f32.s32 v22;
	vm9 =	vgt.f32 v26, v22  }
0x352: {  	v27 =	vor.u32 v42, v27;
	v28 =	vor.u32 v42, v28;
	[tilespmem:v36+s8+$0x0] =	vst.idx.msk $0xffff, v23;
	v23 =	vsel vm9, $0x1, v7  }
0x353: {  	v20 =	vmul.f32 v20, v14;
	v22 =	vld [tilespmem:s29+$0xFFFFFFF0];
	v26 =	vmul.f32 v30, v14;
	v24 =	vadd.s32 v24, v23  }
0x354: {  	v30 =	vmul.f32 $6.500000000e+01, v41;
	v4 =	vmul.f32 v4, v15;
	v31 =	vshll.u32 v24, $0x4  }
0x355: {  	v34 =	vmul.f32 $6.500000000e+01, v20;
	v32 =	vmul.f32 $6.500000000e+01, v26;
	v31 =	vor.u32 v42, v31  }
0x356: {  	[tilespmem:s15+$0x0] =	vst v5;
	v21 =	vshll.u32 v21, $0x7;
	v0 =	vshll.u32 v40, $0x7;
	v30 =	vadd.f32 $-5.000000000e-01, v30  }
0x357: {  	[tilespmem:v28+s0+$0x0] =	vst.idx.add.s32.msk $0xffff, v45;
	v28 =	vmul.f32 $6.500000000e+01, v4;
	v34 =	vadd.f32 $-5.000000000e-01, v34;
	v32 =	vadd.f32 $-5.000000000e-01, v32  }
0x358: {  	v44 =	vtrunc.f32 v30;
	v35 =	vmul.f32 v22, v15;
	v22 =	vadd.f32 $-5.000000000e-01, v33  }
0x359: {  	[tilespmem:s29+$0x10] =	vst v3;
	v24 =	vadd.s32 s10, v24;
	vm10 =	vgt.f32 v30, v44;
	v30 =	vcvt.f32.s32 v44  }
0x35a: {  	v46 =	vtrunc.f32 v32;
	v47 =	vtrunc.f32 v22;
	[tilespmem:v31+s0+$0x0] =	vst.idx.add.s32.msk $0xffff, v45;
	v31 =	vsel vm10, $0x1, v7  }
0x35b: {  	vm11 =	vgt.f32 v32, v46;
	v3 =	vcvt.f32.s32 v46;
	v30 =	vadd.s32 v30, v31  }
0x35c: {  	vm2 =	vgt.f32 v22, v47;
	v31 =	vtrunc.f32 v34;
	v48 =	vld [tilespmem:s21+$0x90];
	v49 =	vshll.u32 v30, $0x4  }
0x35d: {  	[tilespmem:s15+$0xFFFFFFF0] =	vst v17;
	vm12 =	vgt.f32 v34, v31;
	v17 =	vcvt.f32.s32 v31;
	v31 =	vor.u32 v42, v49  }
0x35e: {  	[tilespmem:s15+$0xFFFFFFE0] =	vst v16;
	v16 =	vcvt.f32.s32 v47;
	v22 =	vshll.u32 v24, $0x7;
	v24 =	vsel vm11, $0x1, v7  }
0x35f: {  	v29 =	vld [tilespmem:s29+$0x0];
	v50 =	vadd.s32 v8, v22;
	v3 =	vadd.s32 v3, v24;
	v5 =	vsel vm12, $0x1, v7  }
0x360: {  	[tilespmem:v25+s0+$0x0] =	vst.idx.add.s32.msk $0xffff, v45;
	v51 =	vshll.u32 v3, $0x4;
	v5 =	vadd.s32 v17, v5;
	v17 =	vsel vm2, $0x1, v7  }
0x361: {  	[tilespmem:s17+$0x10] =	vst v41;
	v1 =	vor.u32 v42, v51;
	v16 =	vadd.s32 v16, v17;
	v22 =	vmul.f32 v48, v54  }
0x362: {  	s1 =	sadd.s32 $0x200, s21;
	v58 =	vadd.f32 $-5.000000000e-01, v28;
	v24 =	vshll.u32 v5, $0x4;
	v17 =	vshll.u32 v16, $0x4;
	[tilespmem:v31+s30+$0x0] =	vst.idx.add.s32.msk $0xffff, v45  }
0x363: {  	s13 =	simm.s32 $0x9;
	v31 =	vadd.f32 v22, v61;
	v22 =	vor.u32 v42, v24;
	v24 =	vor.u32 v42, v17;
	v17 =	vld [tilespmem:s1+$0x80]  }
0x364: {  	s14 =	simm.s32 $0xB;
	[tilespmem:v27+s0+$0x0] =	vst.idx.add.s32.msk $0xffff, v45;
	v29 =	vmul.f32 v29, v15;
	v23 =	vadd.s32 v8, v2;
	v3 =	vadd.s32 s13, v3  }
0x365: {  	v25 =	vld [tilespmem:s23+$0xFFFFFF10];
	[tilespmem:s17+$0xFFFFFFF0] =	vst v26;
	v60 =	vtrunc.f32 v58;
	v3 =	vshll.u32 v3, $0x7;
	v26 =	vadd.s32 s14, v30  }
0x366: {  	s2 =	simm.s32 $0x8;
	s15 =	simm.s32 $0xA;
	vm13 =	vgt.f32 v58, v60;
	v26 =	vshll.u32 v26, $0x7;
	v3 =	vadd.s32 v9, v3;
	[tilespmem:v1+s30+$0x0] =	vst.idx.add.s32.msk $0xffff, v45  }
0x367: {  	[tilespmem:s17+$0x0] =	vst v43;
	v26 =	vadd.s32 v9, v26;
	v5 =	vadd.s32 s2, v5;
	v16 =	vadd.s32 s15, v16;
	v59 =	vld [tilespmem:s1+$0xFFFFFF80]  }
0x368: {  	[tilespmem:v18+s8+$0x0] =	vst.idx.msk $0xffff, v19;
	v55 =	vld [tilespmem:s23+$0xFFFFFF90];
	v5 =	vshll.u32 v5, $0x7;
	v16 =	vshll.u32 v16, $0x7;
	v56 =	vmul.f32 v17, v53  }
0x369: {  	v27 =	vld [tilespmem:s23+$0x10];
	[tilespmem:s17+$0xFFFFFFE0] =	vst v20;
	v20 =	vadd.s32 v9, v16;
	v16 =	vadd.s32 v8, v0;
	v0 =	vcvt.f32.s32 v60  }
0x36a: {  	v19 =	vsel vm13, $0x1, v7;
	v5 =	vadd.s32 v9, v5;
	[tilespmem:v22+s30+$0x0] =	vst.idx.add.s32.msk $0xffff, v45;
	v57 =	vadd.f32 v56, v52  }
0x36b: {  	v0 =	vadd.s32 v0, v19;
	v22 =	vmul.f32 $6.500000000e+01, v29;
	[tilespmem:v24+s30+$0x0] =	vst.idx.add.s32.msk $0xffff, v45;
	v24 =	vmul.f32 v25, v54  }
0x36c: {  	s4 =	simm.s32 $0x11720;
	v2 =	vmul.f32 v59, v53;
	v17 =	vadd.s32 v8, v21;
	v21 =	vmul.f32 $6.500000000e+01, v35;
	v25 =	vld [tilespmem:s1+$0xFFFFFF00];
	[tilespmem:v26+s8+$0x0] =	vst.idx.msk $0xffff, v57  }
0x36d: {  	v30 =	vadd.f32 $-5.000000000e-01, v22;
	v22 =	vmul.f32 v55, v54;
	v24 =	vadd.f32 v24, v61;
	v26 =	vld [tilespmem:s4+$0x10]  }
0x36e: {  	v18 =	vld [tilespmem:s1+$0x0];
	v2 =	vadd.f32 v2, v52;
	v28 =	vadd.f32 $-5.000000000e-01, v21;
	v21 =	vmul.f32 v27, v54  }
0x36f: {  	v27 =	vtrunc.f32 v30;
	[tilespmem:v23+s8+$0x0] =	vst.idx.msk $0xffff, v24;
	v23 =	vshll.u32 v0, $0x4;
	v24 =	vadd.s32 s28, v0  }
0x370: {  	[tilespmem:s29+$0xFFFFFFE0] =	vst v4;
	v62 =	vtrunc.f32 v28;
	vm15 =	vgt.f32 v30, v27;
	v27 =	vcvt.f32.s32 v27  }
0x371: {  	[tilespmem:s29+$0x0] =	vst v29;
	v23 =	vor.u32 v42, v23;
	vm14 =	vgt.f32 v28, v62;
	v28 =	vmul.f32 v25, v53  }
0x372: {  	[tilespmem:s29+$0xFFFFFFF0] =	vst v35;
	v1 =	vcvt.f32.s32 v62;
	v30 =	vsel vm15, $0x1, v7;
	v19 =	vmul.f32 v26, v15  }
0x373: {  	[tilespmem:v50+s8+$0x0] =	vst.idx.msk $0xffff, v31;
	v4 =	vmul.f32 v18, v53;
	v25 =	vsel vm14, $0x1, v7;
	v63 =	vadd.f32 v28, v52  }
0x374: {  	s17 =	simm.s32 $0x112E0;
	[tilespmem:v3+s8+$0x0] =	vst.idx.msk $0xffff, v2;
	v25 =	vadd.s32 v1, v25;
	v26 =	vadd.s32 v27, v30;
	v28 =	vmul.f32 $6.500000000e+01, v19  }
0x375: {  	s3 =	simm.s32 $0xC;
	s18 =	simm.s32 $0x10;
	v18 =	vld [tilespmem:s17+$0x10];
	v29 =	vshll.u32 v25, $0x4;
	[tilespmem:v5+s8+$0x0] =	vst.idx.msk $0xffff, v63;
	v27 =	vadd.f32 v4, v52;
	v30 =	vshll.u32 v26, $0x4  }
.LBB2_14:
0x376: {  	p0 =	slt.u32 s18, $0x3C;
	v0 =	vld [tilespmem:s17+$0xFFFFFFF0];
	v1 =	vadd.f32 $-5.000000000e-01, v28;
	v2 =	vor.u32 v42, v29;
	v3 =	vor.u32 v42, v30  }
0x377: {  	v5 =	vadd.s32 s5, v25;
	v22 =	vadd.f32 v22, v61;
	s5 =	smov.u32 s13;
	v4 =	vld [tilespmem:s17+$0x0];
	[tilespmem:v20+s8+$0x0] =	vst.idx.msk $0xffff, v27;
	v20 =	vadd.s32 s9, v26;
	s9 =	smov.u32 s15  }
0x378: {  	v24 =	vshll.u32 v24, $0x7;
	v21 =	vadd.f32 v21, v61;
	v25 =	vld [tilespmem:s17+$0xFFFFFFE0];
	v26 =	vtrunc.f32 v1  }
0x379: {  	v27 =	vld [tilespmem:s4+$0xFFFFFFE0];
	v28 =	vcvt.f32.s32 v26;
	vm0 =	vgt.f32 v1, v26;
	v1 =	vshll.u32 v5, $0x7;
	[tilespmem:v17+s8+$0x0] =	vst.idx.msk $0xffff, v22  }
0x37a: {  	v22 =	vshll.u32 v20, $0x7;
	v5 =	vmul.f32 v18, v14;
	v17 =	vld [tilespmem:s4+$0xFFFFFFF0];
	v18 =	vsel vm0, $0x1, v7;
	[tilespmem:v16+s8+$0x0] =	vst.idx.msk $0xffff, v21  }
0x37b: {  	v0 =	vmul.f32 v0, v14;
	v16 =	vld [tilespmem:s4+$0x0];
	v20 =	vadd.s32 v28, v18;
	v18 =	vadd.s32 v8, v24  }
0x37c: {  	v4 =	vmul.f32 v4, v14;
	v21 =	vmul.f32 $6.500000000e+01, v5;
	v24 =	vshll.u32 v20, $0x4;
	[tilespmem:v23+s0+$0x0] =	vst.idx.add.s32.msk $0xffff, v45  }
0x37d: {  	v23 =	vmul.f32 v25, v14;
	[tilespmem:s17+$0xFFFFFFF0] =	vst v0;
	v0 =	vmul.f32 $6.500000000e+01, v0;
	v24 =	vor.u32 v42, v24;
	v25 =	vld [tilespmem:s21+$0xFFFFFF10]  }
0x37e: {  	[tilespmem:s17+$0x0] =	vst v4;
	v4 =	vmul.f32 $6.500000000e+01, v4;
	v21 =	vadd.f32 $-5.000000000e-01, v21;
	v26 =	vmul.f32 v27, v15  }
0x37f: {  	[tilespmem:s17+$0xFFFFFFE0] =	vst v23;
	v23 =	vmul.f32 $6.500000000e+01, v23;
	v0 =	vadd.f32 $-5.000000000e-01, v0;
	v27 =	vmul.f32 v17, v15  }
0x380: {  	v4 =	vadd.f32 $-5.000000000e-01, v4;
	v17 =	vtrunc.f32 v21;
	v16 =	vmul.f32 v16, v15;
	[tilespmem:v2+s0+$0x0] =	vst.idx.add.s32.msk $0xffff, v45  }
0x381: {  	v2 =	vadd.f32 $-5.000000000e-01, v23;
	v23 =	vcvt.f32.s32 v17;
	vm0 =	vgt.f32 v21, v17;
	[tilespmem:s4+$0x10] =	vst v19;
	v19 =	vld [tilespmem:s21+$0xFFFFFF90]  }
0x382: {  	v17 =	vtrunc.f32 v0;
	v21 =	vtrunc.f32 v4;
	v28 =	vsel vm0, $0x1, v7;
	[tilespmem:v24+s0+$0x0] =	vst.idx.add.s32.msk $0xffff, v45  }
0x383: {  	v29 =	vcvt.f32.s32 v17;
	v24 =	vtrunc.f32 v2;
	v23 =	vadd.s32 v23, v28;
	[tilespmem:s4+$0xFFFFFFF0] =	vst v27;
	v28 =	vld [tilespmem:s1+$0x90]  }
0x384: {  	v30 =	vcvt.f32.s32 v24;
	vm0 =	vgt.f32 v2, v24;
	v2 =	vshll.u32 v23, $0x4;
	[tilespmem:v3+s0+$0x0] =	vst.idx.add.s32.msk $0xffff, v45  }
0x385: {  	vm1 =	vgt.f32 v0, v17;
	v0 =	vor.u32 v42, v2;
	[tilespmem:s4+$0xFFFFFFE0] =	vst v26;
	v2 =	vadd.s32 s14, v20;
	v3 =	vld [tilespmem:s21+$0x10];
	s21 =	smov.u32 s1  }
0x386: {  	v17 =	vcvt.f32.s32 v21;
	vm2 =	vgt.f32 v4, v21;
	[tilespmem:s4+$0x0] =	vst v16;
	v2 =	vshll.u32 v2, $0x7  }
0x387: {  	v4 =	vsel vm0, $0x1, v7;
	v20 =	vsel vm1, $0x1, v7;
	v2 =	vadd.s32 v8, v2  }
0x388: {  	v21 =	vsel vm2, $0x1, v7;
	v4 =	vadd.s32 v30, v4;
	v24 =	vmul.f32 v28, v54  }
0x389: {  	v17 =	vadd.s32 v17, v21;
	v20 =	vadd.s32 v29, v20;
	v28 =	vshll.u32 v4, $0x4;
	[tilespmem:s17+$0x10] =	vst v5  }
0x38a: {  	s1 =	sadd.s32 $0x200, s1;
	v21 =	vshll.u32 v17, $0x4;
	v5 =	vshll.u32 v20, $0x4;
	[tilespmem:v0+s30+$0x0] =	vst.idx.add.s32.msk $0xffff, v45;
	v0 =	vadd.f32 v24, v61  }
0x38b: {  	s13 =	sadd.s32 $0x1, s3;
	s15 =	sadd.s32 $0x2, s3;
	v21 =	vor.u32 v42, v21;
	v24 =	vor.u32 v42, v28;
	v5 =	vor.u32 v42, v5;
	v28 =	vld [tilespmem:s1+$0x80]  }
0x38c: {  	s14 =	sadd.s32 $0x3, s3;
	v17 =	vadd.s32 s15, v17;
	v4 =	vadd.s32 s3, v4;
	v20 =	vadd.s32 s13, v20;
	[tilespmem:v2+s8+$0x0] =	vst.idx.msk $0xffff, v0  }
0x38d: {  	v0 =	vshll.u32 v4, $0x7;
	v2 =	vshll.u32 v20, $0x7;
	v4 =	vadd.s32 s14, v23  }
0x38e: {  	v17 =	vshll.u32 v17, $0x7;
	v0 =	vadd.s32 v9, v0;
	v4 =	vshll.u32 v4, $0x7  }
0x38f: {  	v20 =	vadd.s32 v9, v17;
	v2 =	vadd.s32 v9, v2;
	v4 =	vadd.s32 v9, v4  }
0x390: {  	v23 =	vmul.f32 $6.500000000e+01, v26;
	v17 =	vadd.s32 v8, v1;
	[tilespmem:v5+s30+$0x0] =	vst.idx.add.s32.msk $0xffff, v45;
	v5 =	vmul.f32 v28, v53  }
0x391: {  	v1 =	vmul.f32 $6.500000000e+01, v27;
	[tilespmem:v24+s30+$0x0] =	vst.idx.add.s32.msk $0xffff, v45;
	v24 =	vmul.f32 $6.500000000e+01, v16;
	v16 =	vadd.s32 v8, v22  }
0x392: {  	v23 =	vadd.f32 $-5.000000000e-01, v23;
	[tilespmem:v21+s30+$0x0] =	vst.idx.add.s32.msk $0xffff, v45;
	v5 =	vadd.f32 v5, v52;
	v21 =	vmul.f32 v25, v54  }
0x393: {  	v1 =	vadd.f32 $-5.000000000e-01, v1;
	v22 =	vmul.f32 v19, v54;
	v25 =	vld [tilespmem:s1+$0xFFFFFF00];
	v24 =	vadd.f32 $-5.000000000e-01, v24  }
0x394: {  	s4 =	sadd.s32 $0x40, s4;
	v19 =	vld [tilespmem:s1+$0xFFFFFF80];
	[tilespmem:v4+s8+$0x0] =	vst.idx.msk $0xffff, v5;
	v4 =	vtrunc.f32 v23;
	v5 =	vadd.f32 v21, v61;
	v21 =	vmul.f32 v3, v54  }
0x395: {  	v3 =	vld [tilespmem:s4+$0x10];
	vm0 =	vgt.f32 v23, v4;
	v23 =	vtrunc.f32 v1;
	v26 =	vtrunc.f32 v24  }
0x396: {  	v4 =	vcvt.f32.s32 v4;
	v27 =	vld [tilespmem:s1+$0x0];
	v28 =	vcvt.f32.s32 v23;
	vm1 =	vgt.f32 v1, v23;
	[tilespmem:v18+s8+$0x0] =	vst.idx.msk $0xffff, v5  }
0x397: {  	v1 =	vsel vm0, $0x1, v7;
	v5 =	vcvt.f32.s32 v26;
	vm0 =	vgt.f32 v24, v26  }
0x398: {  	v23 =	vsel vm1, $0x1, v7;
	v24 =	vsel vm0, $0x1, v7;
	v18 =	vmul.f32 v25, v53  }
.Ltmp5:
0x399: {  	v1 =	vadd.s32 v4, v1;
	v25 =	vadd.s32 v28, v23;
	v29 =	vmul.f32 v19, v53;
	(pc) =	sbr.rel @p0 .LBB2_14-.Ltmp5, $4  }
0x39a: {  	v26 =	vadd.s32 v5, v24;
	v4 =	vadd.f32 v18, v52;
	v19 =	vmul.f32 v3, v15  }
0x39b: {  	v23 =	vshll.u32 v1, $0x4;
	v3 =	vadd.f32 v29, v52;
	v5 =	vmul.f32 v27, v53  }
0x39c: {  	s17 =	sadd.s32 $0x40, s17;
	v30 =	vshll.u32 v26, $0x4;
	v29 =	vshll.u32 v25, $0x4;
	[tilespmem:v0+s8+$0x0] =	vst.idx.msk $0xffff, v4;
	v28 =	vmul.f32 $6.500000000e+01, v19  }
0x39d: {  	v24 =	vadd.s32 s2, v1;
	s2 =	smov.u32 s3;
	s3 =	smov.u32 s18;
	s18 =	sadd.s32 $0x4, s18;
	v23 =	vor.u32 v42, v23;
	v18 =	vld [tilespmem:s17+$0x10];
	[tilespmem:v2+s8+$0x0] =	vst.idx.msk $0xffff, v3;
	v27 =	vadd.f32 v5, v52  }
0x39e: {  	_ =	sdelay $0x1  }
0x39f: {  	v1 =	vld [tilespmem:s17+$0x0]  }
0x3a0: {  	v2 =	vadd.f32 $-5.000000000e-01, v28;
	v3 =	vld [tilespmem:s17+$0xFFFFFFE0]  }
0x3a1: {  	v0 =	vld [tilespmem:s17+$0xFFFFFFF0];
	v5 =	vor.u32 v42, v29;
	v25 =	vadd.s32 s5, v25;
	v4 =	vmul.f32 v18, v14  }
0x3a2: {  	v26 =	vadd.s32 s9, v26;
	v22 =	vadd.f32 v22, v61;
	v28 =	vtrunc.f32 v2  }
0x3a3: {  	v49 =	vshll.u32 v26, $0x7;
	vm0 =	vgt.f32 v2, v28;
	v29 =	vmul.f32 $6.500000000e+01, v4  }
0x3a4: {  	v18 =	vor.u32 v42, v30;
	v30 =	vcvt.f32.s32 v28;
	v1 =	vmul.f32 v1, v14  }
0x3a5: {  	v2 =	vsel vm0, $0x1, v7;
	v3 =	vmul.f32 v3, v14;
	v28 =	vadd.f32 $-5.000000000e-01, v29  }
0x3a6: {  	v0 =	vmul.f32 v0, v14;
	v2 =	vadd.s32 v30, v2;
	v31 =	vmul.f32 $6.500000000e+01, v1  }
0x3a7: {  	v30 =	vshll.u32 v2, $0x4;
	v33 =	vmul.f32 $6.500000000e+01, v3;
	v32 =	vtrunc.f32 v28  }
0x3a8: {  	v29 =	vmul.f32 $6.500000000e+01, v0;
	v34 =	vcvt.f32.s32 v32;
	vm0 =	vgt.f32 v28, v32  }
0x3a9: {  	v31 =	vadd.f32 $-5.000000000e-01, v31;
	v28 =	vor.u32 v42, v30;
	v30 =	vsel vm0, $0x1, v7  }
0x3aa: {  	[tilespmem:v23+s0+$0x0] =	vst.idx.add.s32.msk $0xffff, v45;
	v6 =	vadd.f32 $-5.000000000e-01, v33;
	v29 =	vadd.f32 $-5.000000000e-01, v29;
	v30 =	vadd.s32 v34, v30  }
0x3ab: {  	v40 =	vld [tilespmem:s4+$0xFFFFFFE0];
	[tilespmem:v20+s8+$0x0] =	vst.idx.msk $0xffff, v27;
	v2 =	vadd.s32 s14, v2;
	v27 =	vtrunc.f32 v31;
	v35 =	vshll.u32 v30, $0x4  }
0x3ac: {  	v20 =	vld [tilespmem:s4+$0xFFFFFFF0];
	v36 =	vtrunc.f32 v6;
	v41 =	vtrunc.f32 v29;
	v35 =	vor.u32 v42, v35  }
0x3ad: {  	[tilespmem:v5+s0+$0x0] =	vst.idx.add.s32.msk $0xffff, v45;
	v37 =	vcvt.f32.s32 v36;
	v23 =	vcvt.f32.s32 v41;
	vm0 =	vgt.f32 v29, v41  }
0x3ae: {  	[tilespmem:s4+$0x10] =	vst v19;
	vm1 =	vgt.f32 v6, v36;
	v19 =	vcvt.f32.s32 v27;
	v29 =	vld [tilespmem:s4+$0x0];
	v43 =	vsel vm0, $0x1, v7  }
0x3af: {  	vm0 =	vgt.f32 v31, v27;
	v27 =	vsel vm1, $0x1, v7;
	v23 =	vadd.s32 v23, v43;
	[tilespmem:v28+s0+$0x0] =	vst.idx.add.s32.msk $0xffff, v45  }
0x3b0: {  	[tilespmem:s17+$0x10] =	vst v4;
	v27 =	vadd.s32 v37, v27;
	v31 =	vsel vm0, $0x1, v7;
	v44 =	vshll.u32 v23, $0x4;
	v28 =	vld [tilespmem:s1+$0x90]  }
0x3b1: {  	s22 =	sadd.s32 $0x200, s1;
	v46 =	vshll.u32 v27, $0x4;
	v31 =	vadd.s32 v19, v31;
	v4 =	vor.u32 v42, v44;
	[tilespmem:v35+s30+$0x0] =	vst.idx.add.s32.msk $0xffff, v45  }
0x3b2: {  	[tilespmem:s17+$0xFFFFFFF0] =	vst v0;
	v19 =	vshll.u32 v24, $0x7;
	v47 =	vshll.u32 v31, $0x4;
	v24 =	vor.u32 v42, v46;
	v48 =	vld [tilespmem:s22+$0x80]  }
0x3b3: {  	s18 =	sadd.s32 $0x3, s3;
	[tilespmem:s17+$0x0] =	vst v1;
	v34 =	vadd.f32 v21, v61;
	v21 =	vshll.u32 v25, $0x7;
	v25 =	vld [tilespmem:s21+$0xFFFFFF10];
	v0 =	vor.u32 v42, v47  }
0x3b4: {  	v51 =	vmul.f32 v20, v15;
	v2 =	vshll.u32 v2, $0x7;
	[tilespmem:v18+s0+$0x0] =	vst.idx.add.s32.msk $0xffff, v45;
	v50 =	vadd.s32 s18, v30  }
0x3b5: {  	v26 =	vmul.f32 v40, v15;
	[tilespmem:s17+$0xFFFFFFE0] =	vst v3;
	v2 =	vadd.s32 v8, v2;
	v30 =	vld [tilespmem:s21+$0xFFFFFF90];
	v5 =	vshll.u32 v50, $0x7  }
0x3b6: {  	v57 =	vmul.f32 $6.500000000e+01, v51;
	v21 =	vadd.s32 v8, v21;
	v5 =	vadd.s32 v9, v5;
	[tilespmem:v4+s30+$0x0] =	vst.idx.add.s32.msk $0xffff, v45  }
0x3b7: {  	s7 =	sadd.s32 $0x1, s3;
	v20 =	vmul.f32 v28, v54;
	[tilespmem:v24+s30+$0x0] =	vst.idx.add.s32.msk $0xffff, v45;
	v28 =	vmul.f32 v48, v53  }
0x3b8: {  	v55 =	vadd.s32 s7, v23;
	v25 =	vmul.f32 v25, v54;
	v4 =	vmul.f32 v29, v15;
	[tilespmem:v0+s30+$0x0] =	vst.idx.add.s32.msk $0xffff, v45  }
0x3b9: {  	v24 =	vadd.f32 v20, v61;
	v20 =	vadd.s32 s3, v27;
	v27 =	vld [tilespmem:s22+$0xFFFFFF00];
	v23 =	vadd.f32 v28, v52  }
0x3ba: {  	s28 =	sadd.s32 $0x2, s3;
	v19 =	vadd.s32 v8, v19;
	v30 =	vmul.f32 v30, v54;
	v56 =	vld [tilespmem:s22+$0x0];
	v59 =	vmul.f32 $6.500000000e+01, v4  }
0x3bb: {  	s10 =	sadd.s32 $0x40, s4;
	v18 =	vadd.f32 v25, v61;
	v0 =	vshll.u32 v55, $0x7;
	v28 =	vadd.s32 s28, v31;
	v31 =	vld [tilespmem:s22+$0xFFFFFF80];
	[tilespmem:v5+s8+$0x0] =	vst.idx.msk $0xffff, v23  }
0x3bc: {  	v0 =	vadd.s32 v9, v0;
	v20 =	vshll.u32 v20, $0x7;
	v62 =	vadd.f32 $-5.000000000e-01, v59;
	v58 =	vld [tilespmem:s10+$0x10]  }
0x3bd: {  	v29 =	vadd.s32 v9, v20;
	v20 =	vshll.u32 v28, $0x7;
	v28 =	vmul.f32 $6.500000000e+01, v26  }
0x3be: {  	v41 =	vtrunc.f32 v62;
	v27 =	vmul.f32 v27, v53;
	v23 =	vadd.s32 v9, v20  }
0x3bf: {  	v20 =	vadd.s32 v8, v49;
	v5 =	vmul.f32 v56, v53;
	v60 =	vadd.f32 $-5.000000000e-01, v28  }
0x3c0: {  	v28 =	vadd.f32 $-5.000000000e-01, v57;
	v27 =	vadd.f32 v27, v52;
	v31 =	vmul.f32 v31, v53  }
0x3c1: {  	v5 =	vadd.f32 v5, v52;
	v63 =	vtrunc.f32 v60;
	v33 =	vmul.f32 v58, v15  }
0x3c2: {  	v40 =	vtrunc.f32 v28;
	[tilespmem:v29+s8+$0x0] =	vst.idx.msk $0xffff, v27;
	v29 =	vcvt.f32.s32 v41;
	v31 =	vadd.f32 v31, v52  }
0x3c3: {  	v38 =	vcvt.f32.s32 v63;
	vm0 =	vgt.f32 v60, v63;
	v44 =	vld [tilespmem:s10+$0xFFFFFFE0];
	[tilespmem:v23+s8+$0x0] =	vst.idx.msk $0xffff, v5;
	v27 =	vmul.f32 $6.500000000e+01, v33  }
0x3c4: {  	v43 =	vcvt.f32.s32 v40;
	vm1 =	vgt.f32 v28, v40;
	v28 =	vsel vm0, $0x1, v7;
	[tilespmem:v0+s8+$0x0] =	vst.idx.msk $0xffff, v31;
	v31 =	vld [tilespmem:s10+$0x0]  }
0x3c5: {  	vm0 =	vgt.f32 v62, v41;
	v23 =	vsel vm1, $0x1, v7;
	v46 =	vld [tilespmem:s10+$0xFFFFFFF0];
	v27 =	vadd.f32 $-5.000000000e-01, v27  }
0x3c6: {  	v32 =	vsel vm0, $0x1, v7;
	v28 =	vadd.s32 v38, v28;
	v1 =	vadd.s32 v43, v23  }
0x3c7: {  	v23 =	vshll.u32 v28, $0x4;
	v47 =	vshll.u32 v1, $0x4;
	v48 =	vtrunc.f32 v27  }
0x3c8: {  	[tilespmem:s4+$0xFFFFFFE0] =	vst v26;
	v26 =	vld [tilespmem:s21+$0x10];
	v0 =	vmul.f32 v44, v15;
	v49 =	vcvt.f32.s32 v48;
	vm0 =	vgt.f32 v27, v48  }
0x3c9: {  	[tilespmem:v17+s8+$0x0] =	vst.idx.msk $0xffff, v22;
	v23 =	vor.u32 v42, v23;
	v22 =	vmul.f32 v31, v15;
	v27 =	vsel vm0, $0x1, v7  }
0x3ca: {  	[tilespmem:s4+$0xFFFFFFF0] =	vst v51;
	v5 =	vmul.f32 v46, v15;
	v17 =	vadd.s32 v49, v27;
	v27 =	vmul.f32 $6.500000000e+01, v0  }
0x3cb: {  	[tilespmem:v16+s8+$0x0] =	vst.idx.msk $0xffff, v34;
	v16 =	vadd.s32 v29, v32;
	v29 =	vor.u32 v42, v47;
	v51 =	vmul.f32 $6.500000000e+01, v22  }
0x3cc: {  	v50 =	vmul.f32 $6.500000000e+01, v5;
	v31 =	vshll.u32 v17, $0x4;
	v27 =	vadd.f32 $-5.000000000e-01, v27  }
0x3cd: {  	v60 =	vmul.f32 v26, v54;
	v25 =	vshll.u32 v16, $0x4;
	v31 =	vor.u32 v42, v31  }
0x3ce: {  	[tilespmem:v19+s8+$0x0] =	vst.idx.msk $0xffff, v18;
	v32 =	vadd.f32 $-5.000000000e-01, v51;
	v3 =	vadd.f32 $-5.000000000e-01, v50;
	v55 =	vtrunc.f32 v27  }
0x3cf: {  	v25 =	vor.u32 v42, v25;
	[tilespmem:v23+s0+$0x0] =	vst.idx.add.s32.msk $0xffff, v45;
	vm0 =	vgt.f32 v27, v55;
	v23 =	vcvt.f32.s32 v55  }
0x3d0: {  	[tilespmem:v29+s0+$0x0] =	vst.idx.add.s32.msk $0xffff, v45;
	v29 =	vtrunc.f32 v32;
	v27 =	vtrunc.f32 v3;
	v56 =	vsel vm0, $0x1, v7  }
0x3d1: {  	[tilespmem:s10+$0x10] =	vst v33;
	v59 =	vld [tilespmem:s1+$0xFFFFFF10];
	v57 =	vcvt.f32.s32 v27;
	vm0 =	vgt.f32 v3, v27;
	v58 =	vadd.s32 v23, v56  }
0x3d2: {  	[tilespmem:v31+s0+$0x0] =	vst.idx.add.s32.msk $0xffff, v45;
	v23 =	vcvt.f32.s32 v29;
	v27 =	vsel vm0, $0x1, v7;
	v31 =	vshll.u32 v58, $0x4  }
0x3d3: {  	[tilespmem:s4+$0x0] =	vst v4;
	v18 =	vld [tilespmem:s1+$0xFFFFFF90];
	vm0 =	vgt.f32 v32, v29;
	v27 =	vadd.s32 v57, v27;
	v29 =	vor.u32 v42, v31  }
0x3d4: {  	[tilespmem:v2+s8+$0x0] =	vst.idx.msk $0xffff, v24;
	v2 =	vadd.f32 v60, v61;
	v24 =	vld [tilespmem:s22+$0x90];
	v26 =	vsel vm0, $0x1, v7;
	v31 =	vshll.u32 v27, $0x4  }
0x3d5: {  	[tilespmem:v25+s0+$0x0] =	vst.idx.add.s32.msk $0xffff, v45;
	v19 =	vadd.s32 v23, v26;
	v23 =	vor.u32 v42, v31  }
0x3d6: {  	v1 =	vadd.s32 s13, v1;
	v16 =	vadd.s32 s15, v16;
	v62 =	vld [tilespmem:s1+$0x10];
	v25 =	vshll.u32 v19, $0x4  }
0x3d7: {  	v1 =	vshll.u32 v1, $0x7;
	[tilespmem:s10+$0xFFFFFFE0] =	vst v0;
	v17 =	vadd.s32 s18, v17;
	v25 =	vor.u32 v42, v25  }
0x3d8: {  	v16 =	vshll.u32 v16, $0x7;
	v1 =	vadd.s32 v8, v1;
	v63 =	vshll.u32 v17, $0x7;
	[tilespmem:v29+s0+$0x0] =	vst.idx.add.s32.msk $0xffff, v45  }
0x3d9: {  	v16 =	vadd.s32 v8, v16;
	[tilespmem:s10+$0xFFFFFFF0] =	vst v5;
	v5 =	vadd.s32 v8, v63;
	v17 =	vmul.f32 v24, v54;
	v24 =	vld [tilespmem:s22+$0xFFFFFF10]  }
0x3da: {  	v4 =	vmul.f32 v59, v54;
	v18 =	vmul.f32 v18, v54;
	v26 =	vadd.s32 s2, v28;
	[tilespmem:v23+s0+$0x0] =	vst.idx.add.s32.msk $0xffff, v45  }
0x3db: {  	[tilespmem:s10+$0x0] =	vst v22;
	v0 =	vmul.f32 v62, v54;
	v28 =	vadd.f32 v30, v61;
	v26 =	vshll.u32 v26, $0x7;
	v22 =	vld [tilespmem:s22+$0xFFFFFF90]  }
0x3dc: {  	v4 =	vadd.f32 v4, v61;
	v26 =	vadd.s32 v8, v26;
	[tilespmem:v25+s0+$0x0] =	vst.idx.add.s32.msk $0xffff, v45  }
0x3dd: {  	v33 =	vadd.f32 v18, v61;
	v0 =	vadd.f32 v0, v61;
	v3 =	vadd.s32 s3, v58;
	[tilespmem:v21+s8+$0x0] =	vst.idx.msk $0xffff, v28;
	v21 =	vld [tilespmem:s22+$0x10]  }
0x3de: {  	v32 =	vadd.s32 s7, v27;
	v3 =	vshll.u32 v3, $0x7;
	v17 =	vadd.f32 v17, v61  }
0x3df: {  	[tilespmem:v20+s8+$0x0] =	vst.idx.msk $0xffff, v2;
	v19 =	vadd.s32 s28, v19;
	v2 =	vshll.u32 v32, $0x7;
	v3 =	vadd.s32 v8, v3  }
0x3e0: {  	v34 =	vshll.u32 v19, $0x7;
	v2 =	vadd.s32 v8, v2;
	[tilespmem:v5+s8+$0x0] =	vst.idx.msk $0xffff, v17;
	v17 =	vmul.f32 v24, v54  }
0x3e1: {  	[tilespmem:v26+s8+$0x0] =	vst.idx.msk $0xffff, v4;
	v4 =	vadd.s32 v8, v34;
	v18 =	vmul.f32 v22, v54  }
0x3e2: {  	[tilespmem:v1+s8+$0x0] =	vst.idx.msk $0xffff, v33;
	v35 =	vadd.f32 v17, v61;
	v36 =	vmul.f32 v21, v54  }
0x3e3: {  	[tilespmem:v16+s8+$0x0] =	vst.idx.msk $0xffff, v0;
	v37 =	vadd.f32 v18, v61  }
0x3e4: {  	[tilespmem:v3+s8+$0x0] =	vst.idx.msk $0xffff, v35;
	v38 =	vadd.f32 v36, v61  }
0x3e5: {  	[tilespmem:v2+s8+$0x0] =	vst.idx.msk $0xffff, v37  }
0x3e6: {  	[tilespmem:v4+s8+$0x0] =	vst.idx.msk $0xffff, v38  }
0x3e7: {  	v0 =	vld [tilespmem:$0x11600];
	_ =	sdelay $0x4  }
0x3e8: {  	v0 =	vmul.f32 v0, v14;
	_ =	sdelay $0x1  }
0x3e9: {  	v40 =	vmul.f32 $6.500000000e+01, v0;
	_ =	sdelay $0x1  }
0x3ea: {  	v1 =	vadd.f32 $-5.000000000e-01, v40;
	_ =	sdelay $0x1  }
0x3eb: {  	v41 =	vtrunc.f32 v1  }
0x3ec: {  	v43 =	vcvt.f32.s32 v41;
	vm0 =	vgt.f32 v1, v41  }
0x3ed: {  	v1 =	vsel vm0, $0x1, v7  }
0x3ee: {  	v1 =	vadd.s32 v43, v1  }
0x3ef: {  	v44 =	vshll.u32 v1, $0x4  }
0x3f0: {  	v2 =	vor.u32 v42, v44;
	_ =	sdelay $0x3  }
0x3f1: {  	[tilespmem:$0x11600] =	vst v0  }
0x3f2: {  	[tilespmem:v2+s30+$0x0] =	vst.idx.add.s32.msk $0xffff, v45  }
0x3f3: {  	v0 =	vld [tilespmem:s25+$0x8400];
	_ =	sdelay $0x1  }
0x3f4: {  	v1 =	vshll.u32 v1, $0x7  }
0x3f5: {  	v1 =	vadd.s32 v9, v1  }
0x3f6: {  	v1 =	vadd.s32 $0x2000, v1  }
0x3f7: {  	v0 =	vmul.f32 v0, v53;
	_ =	sdelay $0x1  }
0x3f8: {  	v0 =	vadd.f32 v0, v52;
	_ =	sdelay $0x1  }
0x3f9: {  	[tilespmem:v1+s8+$0x0] =	vst.idx.msk $0xffff, v0  }
0x3fa: {  	v0 =	vld [tilespmem:$0x11A80];
	_ =	sdelay $0x4  }
0x3fb: {  	v0 =	vmul.f32 v0, v15;
	_ =	sdelay $0x1  }
0x3fc: {  	v46 =	vmul.f32 $6.500000000e+01, v0;
	_ =	sdelay $0x1  }
0x3fd: {  	v1 =	vadd.f32 $-5.000000000e-01, v46;
	_ =	sdelay $0x1  }
0x3fe: {  	v47 =	vtrunc.f32 v1  }
0x3ff: {  	v48 =	vcvt.f32.s32 v47;
	vm0 =	vgt.f32 v1, v47  }
0x400: {  	v1 =	vsel vm0, $0x1, v7  }
0x401: {  	v1 =	vadd.s32 v48, v1  }
0x402: {  	v49 =	vshll.u32 v1, $0x4  }
0x403: {  	v2 =	vor.u32 v42, v49;
	_ =	sdelay $0x3  }
0x404: {  	[tilespmem:$0x11A80] =	vst v0  }
0x405: {  	[tilespmem:v2+s0+$0x0] =	vst.idx.add.s32.msk $0xffff, v45  }
0x406: {  	v0 =	vld [tilespmem:s26+$0x8400];
	_ =	sdelay $0x1  }
0x407: {  	v1 =	vshll.u32 v1, $0x7  }
0x408: {  	v1 =	vadd.s32 v8, v1  }
0x409: {  	v1 =	vadd.s32 $0x2000, v1  }
0x40a: {  	v0 =	vmul.f32 v0, v54;
	_ =	sdelay $0x1  }
0x40b: {  	v0 =	vadd.f32 v0, v61;
	_ =	sdelay $0x1  }
0x40c: {  	s29 =	simm.s32 $0x11B20;
	[tilespmem:v1+s8+$0x0] =	vst.idx.msk $0xffff, v0  }
0x40d: {  	v0 =	vld [tilespmem:s29+$0xFFFFFFE0]  }
0x40e: {  	v1 =	vld [tilespmem:s29+$0xFFFFFFF0]  }
0x40f: {  	v2 =	vld [tilespmem:s29+$0x0];
	_ =	sdelay $0x1  }
0x410: {  	v14 =	vimm.s32 $0x0  }
0x411: {  	v0 =	vadd.s32 v14, v0  }
0x412: {  	v50 =	vld [tilespmem:s29+$0x10];
	v1 =	vadd.s32 v0, v1  }
0x413: {  	v51 =	vshll.u32 v0, $0x4;
	v2 =	vadd.s32 v1, v2  }
0x414: {  	v55 =	vadd.s32 v39, v51;
	v15 =	vshll.u32 v2, $0x4  }
0x415: {  	v16 =	vadd.s32 v39, v15  }
0x416: {  	v17 =	vor.u32 v42, v15  }
0x417: {  	v4 =	vor.u32 v42, v51;
	v56 =	vshll.u32 v1, $0x4;
	v15 =	vadd.s32 v2, v50  }
0x418: {  	v6 =	vld [tilespmem:$0x1FFE0];
	v19 =	vadd.s32 v39, v56;
	v18 =	vshll.u32 v15, $0x4  }
0x419: {  	v20 =	vor.u32 v42, v18;
	v5 =	vld.idx.msk [tilespmem:v55+s6+$0x0], $0xffff  }
0x41a: {  	v18 =	vadd.s32 v39, v18;
	v16 =	vld.idx.msk [tilespmem:v16+s6+$0x0], $0xffff  }
0x41b: {  	v3 =	vor.u32 v42, v56;
	v17 =	vld.idx.msk [tilespmem:v17+s6+$0x0], $0xffff  }
0x41c: {  	v4 =	vld.idx.msk [tilespmem:v4+s6+$0x0], $0xffff  }
0x41d: {  	v19 =	vld.idx.msk [tilespmem:v19+s6+$0x0], $0xffff  }
0x41e: {  	v20 =	vld.idx.msk [tilespmem:v20+s6+$0x0], $0xffff  }
0x41f: {  	v18 =	vld.idx.msk [tilespmem:v18+s6+$0x0], $0xffff  }
0x420: {  	v3 =	vld.idx.msk [tilespmem:v3+s6+$0x0], $0xffff;
	v17 =	vsub.f32 v17, v16  }
0x421: {  	v4 =	vsub.f32 v4, v5  }
0x422: {  	s21 =	simm.s32 $0x0;
	(erf) = vrcp.f32 v17  }
0x423: {  	s2 =	scvt.s32.f32 s21;
	v7 =	vadd.s32 v6, v13;
	v21 =	vshll.u32 v0, $0x7;
	(erf) = vrcp.f32 v4  }
0x424: {  	v22 =	vadd.s32 v7, v21;
	v20 =	vsub.f32 v20, v18  }
0x425: {  	s17 =	simm.s32 $0x1;
	s1 =	sadd.f32 s2, s2;
	v21 =	vor.u32 v9, v21;
	v3 =	vsub.f32 v3, v19  }
0x426: {  	s3 =	scvt.s32.f32 s17;
	(erf) = vrcp.f32 v20  }
0x427: {  	s1 =	sadd.f32 $1.000000000e+00, s1;
	v23 =	vshll.u32 v1, $0x7;
	(erf) = vrcp.f32 v3  }
0x428: {  	s2 =	sadd.f32 s3, s3;
	v24 =	vor.u32 v9, v23  }
0x429: {  	s14 =	smul.f32 $7.692307700e-03, s1;
	v23 =	vadd.s32 v7, v23;
	v25 =	vshll.u32 v2, $0x7;
	v22 =	vld.idx.msk [tilespmem:v22+s24+$0x0], $0xffff  }
0x42a: {  	s4 =	sadd.f32 $1.000000000e+00, s2;
	v26 =	vadd.s32 v7, v25;
	v21 =	vld.idx.msk [tilespmem:v21+s24+$0x0], $0xffff  }
0x42b: {  	s18 =	simm.s32 $0x2;
	v25 =	vor.u32 v9, v25;
	v5 =	vsub.f32 s14, v5;
	v27 =	vpop (erf)  }
0x42c: {  	s5 =	scvt.s32.f32 s18;
	s7 =	simm.s32 $0x3;
	s26 =	smul.f32 $7.692307700e-03, s4;
	v0 =	vadd.s32 s21, v0;
	v28 =	vpop (erf)  }
0x42d: {  	s10 =	scvt.s32.f32 s7;
	v1 =	vadd.s32 s17, v1;
	v29 =	vshll.u32 v15, $0x7;
	v24 =	vld.idx.msk [tilespmem:v24+s24+$0x0], $0xffff;
	v28 =	vmul.f32 v28, v5  }
0x42e: {  	s2 =	sadd.f32 s5, s5;
	v30 =	vor.u32 v9, v29;
	v23 =	vld.idx.msk [tilespmem:v23+s24+$0x0], $0xffff;
	v57 =	vsub.f32 s26, v19;
	vm0 =	vge.f32 v5, v4  }
0x42f: {  	s1 =	sadd.f32 s10, s10;
	v26 =	vld.idx.msk [tilespmem:v26+s24+$0x0], $0xffff;
	v19 =	vsub.f32 v21, v22;
	vm1 =	vle.f32 v5, $0.0e+00;
	v21 =	vpop (erf);
	v58 =	vsel vm0, $0x3F800000, v28  }
0x430: {  	s2 =	sadd.f32 $1.000000000e+00, s2;
	v0 =	vshll.u32 v0, $0x7;
	v25 =	vld.idx.msk [tilespmem:v25+s24+$0x0], $0xffff;
	v28 =	vadd.s32 v7, v29;
	v29 =	vpop (erf);
	v5 =	vsel vm1, $0x0, v58  }
0x431: {  	s1 =	sadd.f32 $1.000000000e+00, s1;
	v1 =	vshll.u32 v1, $0x7;
	v5 =	vmul.f32 v5, v19;
	v19 =	vmul.f32 v29, v57  }
0x432: {  	s25 =	smul.f32 $7.692307700e-03, s2;
	v0 =	vadd.s32 v9, v0;
	v1 =	vadd.s32 v9, v1;
	vm0 =	vge.f32 v57, v3  }
0x433: {  	s11 =	smul.f32 $7.692307700e-03, s1;
	v24 =	vsub.f32 v24, v23;
	vm1 =	vle.f32 v57, $0.0e+00;
	v60 =	vsel vm0, $0x3F800000, v19  }
0x434: {  	v62 =	vld.idx.msk [tilespmem:v30+s24+$0x0], $0xffff;
	v16 =	vsub.f32 s25, v16;
	v59 =	vadd.f32 v5, v22;
	v4 =	vsel vm1, $0x0, v60  }
0x435: {  	v18 =	vsub.f32 s11, v18;
	v22 =	vsub.f32 v25, v26;
	v19 =	vld.idx.msk [tilespmem:v28+s24+$0x0], $0xffff;
	v4 =	vmul.f32 v4, v24  }
0x436: {  	vm0 =	vge.f32 v16, v17;
	v3 =	vmul.f32 v59, v53;
	v24 =	vmul.f32 v27, v16  }
0x437: {  	v17 =	vmul.f32 v21, v18;
	vm1 =	vle.f32 v16, $0.0e+00;
	v4 =	vadd.f32 v4, v23  }
0x438: {  	v3 =	vadd.f32 v3, v52;
	v16 =	vsel vm0, $0x3F800000, v24;
	vm0 =	vge.f32 v18, v20  }
0x439: {  	s15 =	simm.s32 $0x11B60;
	v16 =	vsel vm1, $0x0, v16;
	vm1 =	vle.f32 v18, $0.0e+00;
	v63 =	vmul.f32 v4, v53  }
0x43a: {  	v18 =	vld [tilespmem:s15+$0xFFFFFFF0];
	v32 =	vsub.f32 v62, v19;
	v33 =	vmul.f32 v16, v22;
	v16 =	vsel vm0, $0x3F800000, v17  }
0x43b: {  	s13 =	simm.s32 $0x11FA0;
	v2 =	vadd.s32 s18, v2;
	[tilespmem:v0+s8+$0x0] =	vst.idx.msk $0xffff, v3;
	v17 =	vld [tilespmem:s15+$0xFFFFFFE0];
	v16 =	vsel vm1, $0x0, v16  }
0x43c: {  	v34 =	vld [tilespmem:s13+$0xFFFFFFE0];
	v0 =	vadd.f32 v63, v52;
	v4 =	vadd.f32 v33, v26;
	v3 =	vmul.f32 v16, v32  }
0x43d: {  	v35 =	vshll.u32 v2, $0x7;
	v36 =	vadd.s32 s7, v15;
	v16 =	vld [tilespmem:s15+$0x0]  }
0x43e: {  	[tilespmem:v1+s8+$0x0] =	vst.idx.msk $0xffff, v0;
	v37 =	vmul.f32 v4, v53;
	v1 =	vshll.u32 v36, $0x7;
	v3 =	vadd.f32 v3, v19  }
0x43f: {  	v10 =	vadd.s32 v6, v12;
	v0 =	vadd.s32 v9, v35;
	v38 =	vld [tilespmem:s13+$0xFFFFFFF0];
	v1 =	vadd.s32 v9, v1  }
0x440: {  	v19 =	vadd.s32 v15, v17;
	v2 =	vadd.f32 v37, v52;
	v3 =	vmul.f32 v3, v53  }
0x441: {  	v15 =	vshll.u32 v19, $0x4;
	v20 =	vadd.s32 v19, v18;
	v18 =	vadd.s32 v14, v34  }
0x442: {  	v44 =	vld [tilespmem:s15+$0x10];
	v40 =	vadd.s32 v39, v15;
	v21 =	vadd.s32 v20, v16;
	v46 =	vshll.u32 v18, $0x7  }
0x443: {  	v25 =	vshll.u32 v20, $0x4;
	v48 =	vor.u32 v42, v15;
	v41 =	vshll.u32 v21, $0x4  }
0x444: {  	v43 =	vadd.f32 v3, v52;
	v47 =	vadd.s32 v39, v25;
	v26 =	vadd.s32 v18, v38  }
0x445: {  	s1 =	simm.s32 $0x5;
	v58 =	vshll.u32 v20, $0x7;
	[tilespmem:v0+s8+$0x0] =	vst.idx.msk $0xffff, v2;
	v22 =	vadd.s32 v39, v41;
	v45 =	vshll.u32 v26, $0x7  }
0x446: {  	v20 =	vadd.s32 s1, v20;
	v14 =	vadd.s32 v10, v46;
	v23 =	vld [tilespmem:s13+$0x0];
	[tilespmem:v1+s8+$0x0] =	vst.idx.msk $0xffff, v43;
	v24 =	vor.u32 v8, v45  }
0x447: {  	v17 =	vor.u32 v8, v46;
	v12 =	vadd.s32 v21, v44;
	v4 =	vor.u32 v42, v41;
	v28 =	vld [tilespmem:s13+$0x10]  }
0x448: {  	v57 =	vor.u32 v42, v25;
	v60 =	vshll.u32 v21, $0x7;
	v50 =	vor.u32 v9, v58;
	v5 =	vld.idx.msk [tilespmem:v40+s6+$0x0], $0xffff  }
0x449: {  	v56 =	vadd.s32 v7, v58;
	v0 =	vshll.u32 v18, $0x4;
	v25 =	vshll.u32 v12, $0x7;
	v1 =	vld.idx.msk [tilespmem:v47+s6+$0x0], $0xffff  }
0x44a: {  	v63 =	vadd.s32 v7, v60;
	v34 =	vor.u32 v9, v60;
	v59 =	vor.u32 v9, v25;
	v30 =	vld.idx.msk [tilespmem:v22+s6+$0x0], $0xffff  }
0x44b: {  	s5 =	simm.s32 $0x7;
	v27 =	vadd.s32 v39, v0;
	v3 =	vadd.s32 v10, v45;
	v31 =	vld.idx.msk [tilespmem:v24+s24+$0x0], $0xffff;
	v24 =	vshll.u32 v12, $0x4  }
0x44c: {  	s9 =	simm.s32 $0x4;
	s16 =	scvt.s32.f32 s1;
	s2 =	simm.s32 $0x6;
	v51 =	vadd.s32 v7, v25;
	v25 =	vadd.s32 s5, v12;
	v4 =	vld.idx.msk [tilespmem:v4+s6+$0x0], $0xffff;
	v62 =	vor.u32 v42, v24  }
0x44d: {  	s29 =	scvt.s32.f32 s2;
	v44 =	vshll.u32 v25, $0x7;
	v2 =	vld.idx.msk [tilespmem:v57+s6+$0x0], $0xffff;
	v22 =	vadd.s32 s9, v19;
	v49 =	vadd.s32 v39, v24  }
0x44e: {  	v11 =	vmovc v39;
	s4 =	sadd.f32 s16, s16;
	v19 =	vshll.u32 v19, $0x7;
	v39 =	vshll.u32 v20, $0x7;
	v20 =	vadd.s32 s2, v21;
	v21 =	vld.idx.msk [tilespmem:v48+s6+$0x0], $0xffff  }
0x44f: {  	s3 =	sadd.f32 s29, s29;
	v23 =	vadd.s32 v26, v23;
	v33 =	vld.idx.msk [tilespmem:v59+s24+$0x0], $0xffff;
	v43 =	vshll.u32 v22, $0x7;
	v59 =	vlaneseq.u32  }
0x450: {  	s4 =	sadd.f32 $1.000000000e+00, s4;
	v57 =	vadd.s32 v7, v19;
	v0 =	vor.u32 v59, v0;
	v55 =	vld.idx.msk [tilespmem:v3+s24+$0x0], $0xffff;
	v24 =	vshll.u32 v26, $0x4  }
0x451: {  	s16 =	sadd.f32 $1.000000000e+00, s3;
	v48 =	vor.u32 v9, v19;
	v40 =	vshll.u32 v20, $0x7;
	v4 =	vsub.f32 v4, v30;
	v20 =	vld.idx.msk [tilespmem:v62+s6+$0x0], $0xffff;
	[tilespmem:$0x1FF50] =	vst v7  }
0x452: {  	s3 =	smul.f32 $7.692307700e-03, s4;
	v32 =	vor.u32 v42, v24;
	v25 =	vadd.s32 v11, v24;
	v24 =	vadd.s32 v23, v28;
	v28 =	vld.idx.msk [tilespmem:v49+s6+$0x0], $0xffff  }
0x453: {  	s28 =	scvt.s32.f32 s9;
	s4 =	smul.f32 $7.692307700e-03, s16;
	v22 =	vshll.u32 v24, $0x4;
	(erf) = vrcp.f32 v4;
	v62 =	vsub.f32 v21, v5;
	v37 =	vld.idx.msk [tilespmem:v50+s24+$0x0], $0xffff  }
0x454: {  	s22 =	scvt.s32.f32 s5;
	v2 =	vsub.f32 v2, v1;
	v1 =	vsub.f32 s3, v1;
	v60 =	vor.u32 v59, v22;
	v6 =	vld.idx.msk [tilespmem:v56+s24+$0x0], $0xffff  }
0x455: {  	s13 =	sadd.f32 s28, s28;
	v19 =	vshll.u32 v23, $0x7;
	v30 =	vsub.f32 s4, v30;
	v47 =	vld.idx.msk [tilespmem:v51+s24+$0x0], $0xffff;
	(erf) = vrcp.f32 v62  }
0x456: {  	s10 =	sadd.f32 s22, s22;
	v58 =	vshll.u32 v24, $0x7;
	vm2 =	vge.f32 v1, v2;
	v46 =	vadd.s32 v11, v22;
	v49 =	vld.idx.msk [tilespmem:v27+s20+$0x0], $0xffff  }
0x457: {  	s13 =	sadd.f32 $1.000000000e+00, s13;
	v41 =	vadd.s32 s7, v24;
	v22 =	vor.u32 v8, v19;
	v3 =	vld.idx.msk [tilespmem:v63+s24+$0x0], $0xffff;
	[tilespmem:$0x1FF60] =	vst v10;
	v20 =	vsub.f32 v20, v28  }
0x458: {  	s10 =	sadd.f32 $1.000000000e+00, s10;
	v36 =	vor.u32 v8, v58;
	v21 =	vshll.u32 v23, $0x4;
	v23 =	vadd.s32 s18, v23;
	v34 =	vld.idx.msk [tilespmem:v34+s24+$0x0], $0xffff;
	[tilespmem:$0x1FF70] =	vst v8  }
0x459: {  	s15 =	smul.f32 $7.692307700e-03, s13;
	v38 =	vadd.s32 v11, v21;
	v50 =	vor.u32 v59, v21;
	v42 =	vld.idx.msk [tilespmem:v60+s20+$0x0], $0xffff;
	(erf) = vrcp.f32 v20  }
0x45a: {  	s13 =	smul.f32 $7.692307700e-03, s10;
	v21 =	vadd.s32 v10, v19;
	v19 =	vsub.f32 v31, v55;
	v31 =	vld.idx.msk [tilespmem:v57+s24+$0x0], $0xffff;
	(erf) = vrcp.f32 v2  }
0x45b: {  	vm3 =	vge.f32 v30, v4;
	vm4 =	vle.f32 v30, $0.0e+00;
	v5 =	vsub.f32 s15, v5;
	v45 =	vld.idx.msk [tilespmem:v46+s20+$0x0], $0xffff  }
0x45c: {  	v35 =	vsub.f32 s13, v28;
	v28 =	vld.idx.msk [tilespmem:v48+s24+$0x0], $0xffff;
	v46 =	vsub.f32 v33, v47;
	v33 =	vshll.u32 v23, $0x7;
	v23 =	vpop (erf)  }
0x45d: {  	v51 =	vadd.s32 v10, v58;
	v27 =	vshll.u32 v41, $0x7;
	v56 =	vmul.f32 v23, v30  }
0x45e: {  	v41 =	vadd.s32 v9, v39;
	vm1 =	vge.f32 v5, v62;
	v62 =	vadd.s32 v9, v43;
	v23 =	vpop (erf)  }
0x45f: {  	v34 =	vsub.f32 v34, v3;
	v2 =	vsel vm3, $0x3F800000, v56;
	v57 =	vmul.f32 v23, v5  }
0x460: {  	v42 =	vsub.f32 v42, v45;
	vm3 =	vle.f32 v5, $0.0e+00;
	v2 =	vsel vm4, $0x0, v2  }
0x461: {  	v0 =	vld.idx.msk [tilespmem:v0+s20+$0x0], $0xffff;
	v23 =	vsub.f32 v28, v31;
	v2 =	vmul.f32 v2, v34;
	v4 =	vsel vm1, $0x3F800000, v57  }
0x462: {  	v60 =	vadd.s32 v9, v40;
	v63 =	vsub.f32 v37, v6;
	v4 =	vsel vm3, $0x0, v4;
	v58 =	vpop (erf)  }
0x463: {  	(erf) = vrcp.f32 v42;
	v2 =	vadd.f32 v2, v3;
	v4 =	vmul.f32 v4, v23;
	v59 =	vpop (erf)  }
0x464: {  	vm0 =	vge.f32 v35, v20;
	vm1 =	vle.f32 v1, $0.0e+00;
	v1 =	vmul.f32 v59, v1  }
0x465: {  	v20 =	vsub.f32 s14, v49;
	v30 =	vld.idx.msk [tilespmem:v50+s20+$0x0], $0xffff;
	v2 =	vmul.f32 v2, v53;
	v4 =	vadd.f32 v4, v31  }
0x466: {  	v28 =	vsub.f32 v0, v49;
	v23 =	vld.idx.msk [tilespmem:v38+s20+$0x0], $0xffff;
	v0 =	vmul.f32 v58, v35;
	v1 =	vsel vm2, $0x3F800000, v1  }
0x467: {  	v37 =	vld.idx.msk [tilespmem:v36+s24+$0x0], $0xffff;
	v2 =	vadd.f32 v2, v52;
	v4 =	vmul.f32 v4, v53;
	v1 =	vsel vm1, $0x0, v1  }
0x468: {  	v34 =	vld.idx.msk [tilespmem:v32+s20+$0x0], $0xffff;
	v0 =	vsel vm0, $0x3F800000, v0;
	vm2 =	vle.f32 v35, $0.0e+00;
	v1 =	vmul.f32 v1, v63  }
0x469: {  	v38 =	vadd.s32 v9, v44;
	[tilespmem:v60+s8+$0x0] =	vst.idx.msk $0xffff, v2;
	v4 =	vadd.f32 v4, v52;
	v0 =	vsel vm2, $0x0, v0  }
0x46a: {  	s14 =	simm.s32 $0x11FE0;
	vm0 =	vge.f32 v20, v28;
	v35 =	vld.idx.msk [tilespmem:v51+s24+$0x0], $0xffff;
	v0 =	vmul.f32 v0, v46;
	v1 =	vadd.f32 v1, v6  }
0x46b: {  	v36 =	vld [tilespmem:s14+$0x0];
	v63 =	vadd.s32 s17, v26;
	v26 =	vsub.f32 v30, v23;
	v30 =	vsub.f32 s11, v45;
	[tilespmem:v62+s8+$0x0] =	vst.idx.msk $0xffff, v4  }
0x46c: {  	s18 =	simm.s32 $0x11BA0;
	v39 =	vpop (erf);
	s17 =	simm.s32 $0x8;
	v31 =	vshll.u32 v63, $0x7;
	v32 =	vld [tilespmem:s14+$0xFFFFFFE0];
	v43 =	vadd.f32 v0, v47;
	v40 =	vmul.f32 v1, v53  }
.LBB2_16:
0x46d: {  	v8 =	vld [tilespmem:$0x1FF70]  }
0x46e: {  	v1 =	vadd.s32 s21, v18;
	v46 =	vld [tilespmem:s18+$0xFFFFFFE0]  }
0x46f: {  	v10 =	vlaneseq.u32;
	v2 =	vmul.f32 v39, v30;
	v5 =	vmul.f32 v43, v53  }
0x470: {  	v3 =	vld [tilespmem:s18+$0xFFFFFFF0];
	v4 =	vadd.f32 v40, v52;
	vm1 =	vge.f32 v30, v42;
	vm2 =	vle.f32 v30, $0.0e+00  }
0x471: {  	v7 =	vld [tilespmem:$0x1FFF0];
	v1 =	vshll.u32 v1, $0x7;
	v2 =	vsel vm1, $0x3F800000, v2;
	v47 =	vadd.f32 v5, v52  }
0x472: {  	v0 =	vld [tilespmem:s18+$0x0];
	[tilespmem:v41+s8+$0x0] =	vst.idx.msk $0xffff, v4;
	v18 =	vsub.f32 v37, v35;
	v2 =	vsel vm2, $0x0, v2;
	v1 =	vadd.s32 v8, v1  }
0x473: {  	v42 =	vld.idx.msk [tilespmem:v25+s20+$0x0], $0xffff;
	v49 =	vadd.s32 v8, v31;
	v31 =	vadd.s32 v8, v33;
	v25 =	vadd.s32 v12, v46  }
0x474: {  	s21 =	smov.u32 s9;
	s9 =	smov.u32 s17;
	v16 =	vld [tilespmem:$0x1FF60];
	v27 =	vadd.s32 v8, v27;
	v50 =	vmul.f32 v2, v18;
	v18 =	vadd.s32 v24, v32  }
0x475: {  	v12 =	vshll.u32 v25, $0x4;
	v3 =	vadd.s32 v25, v3;
	v37 =	vadd.s32 s9, v25  }
0x476: {  	v48 =	vld [tilespmem:s14+$0xFFFFFFF0];
	v43 =	vshll.u32 v18, $0x4;
	v51 =	vshll.u32 v18, $0x7;
	v56 =	vadd.s32 v7, v12  }
0x477: {  	v6 =	vld [tilespmem:$0x1FF50];
	v44 =	vor.u32 v10, v12;
	v0 =	vadd.s32 v3, v0;
	v59 =	vshll.u32 v3, $0x4  }
0x478: {  	[tilespmem:$0x1FF30] =	vst v1;
	v37 =	vshll.u32 v37, $0x7;
	v1 =	vadd.f32 v50, v35;
	v33 =	vadd.s32 v7, v43  }
0x479: {  	v24 =	vadd.s32 v16, v51;
	v2 =	vor.u32 v8, v51;
	v58 =	vshll.u32 v0, $0x4  }
0x47a: {  	[tilespmem:v38+s8+$0x0] =	vst.idx.msk $0xffff, v47;
	v46 =	vor.u32 v10, v59;
	v5 =	vadd.s32 v7, v59;
	v62 =	vshll.u32 v0, $0x7  }
0x47b: {  	s7 =	sadd.s32 $0x1, s9;
	v4 =	vld [tilespmem:s18+$0x10];
	v32 =	vadd.s32 v18, v48;
	v60 =	vadd.s32 v7, v58;
	v45 =	vor.u32 v10, v58  }
0x47c: {  	v29 =	vmovc v52;
	v48 =	vshll.u32 v3, $0x7;
	v3 =	vadd.s32 s7, v3;
	v51 =	vadd.s32 v6, v62  }
0x47d: {  	v50 =	vld.idx.msk [tilespmem:v17+s24+$0x0], $0xffff;
	v17 =	vmovc v55;
	v52 =	vor.u32 v9, v62;
	v55 =	vsub.f32 v34, v42;
	v58 =	vshll.u32 v25, $0x7  }
0x47e: {  	v42 =	vsub.f32 s26, v42;
	v1 =	vmul.f32 v1, v54;
	v57 =	vshll.u32 v32, $0x7  }
0x47f: {  	v15 =	vmovc v53;
	v39 =	vld.idx.msk [tilespmem:v21+s24+$0x0], $0xffff;
	v53 =	vor.u32 v9, v48;
	v41 =	vshll.u32 v3, $0x7;
	v40 =	vadd.s32 v16, v57  }
0x480: {  	s10 =	sadd.s32 $0x2, s9;
	v59 =	vld.idx.msk [tilespmem:v22+s24+$0x0], $0xffff;
	v12 =	vadd.s32 v0, v4;
	v4 =	vadd.s32 v32, v36;
	v35 =	vor.u32 v8, v57  }
0x481: {  	v11 =	vmovc v54;
	v54 =	vld [tilespmem:s14+$0x10];
	v0 =	vadd.s32 s10, v0;
	(erf) = vrcp.f32 v55;
	vm1 =	vge.f32 v42, v55  }
0x482: {  	v13 =	vmovc v19;
	s22 =	sadd.s32 $0x3, s9;
	v36 =	vld.idx.msk [tilespmem:v14+s24+$0x0], $0xffff;
	vm3 =	vle.f32 v42, $0.0e+00;
	v41 =	vadd.s32 v9, v41;
	v47 =	vshll.u32 v12, $0x4  }
0x483: {  	v30 =	vmovc v2;
	v19 =	vmovc v24;
	v2 =	vld.idx.msk [tilespmem:v56+s6+$0x0], $0xffff;
	v24 =	vshll.u32 v12, $0x7;
	v38 =	vshll.u32 v0, $0x7;
	v63 =	vadd.s32 s22, v12  }
0x484: {  	v0 =	vadd.s32 v6, v58;
	v1 =	vadd.f32 v1, v61;
	(erf) = vrcp.f32 v28;
	v62 =	vld.idx.msk [tilespmem:v46+s6+$0x0], $0xffff  }
0x485: {  	s11 =	scvt.s32.f32 s9;
	[tilespmem:$0x1FF40] =	vst v49;
	v56 =	vadd.s32 v6, v24;
	v57 =	vor.u32 v9, v24;
	v24 =	vshll.u32 v32, $0x4;
	v49 =	vld.idx.msk [tilespmem:v60+s6+$0x0], $0xffff  }
0x486: {  	v28 =	vadd.s32 v6, v48;
	v21 =	vor.u32 v10, v47;
	v34 =	vor.u32 v10, v24;
	v60 =	vld.idx.msk [tilespmem:v45+s6+$0x0], $0xffff  }
0x487: {  	s11 =	sadd.f32 s11, s11;
	v25 =	vadd.s32 v7, v24;
	v45 =	vadd.s32 v7, v47;
	v47 =	vshll.u32 v4, $0x4;
	[tilespmem:v27+s8+$0x0] =	vst.idx.msk $0xffff, v1  }
0x488: {  	v1 =	vld.idx.msk [tilespmem:v44+s6+$0x0], $0xffff;
	v24 =	vadd.s32 v4, v54;
	v46 =	vadd.s32 v7, v47;
	v47 =	vor.u32 v10, v47  }
0x489: {  	s16 =	scvt.s32.f32 s7;
	s11 =	sadd.f32 $1.000000000e+00, s11;
	v3 =	vld.idx.msk [tilespmem:v35+s24+$0x0], $0xffff;
	v35 =	vshll.u32 v63, $0x7;
	v22 =	vshll.u32 v24, $0x4;
	v54 =	vshll.u32 v24, $0x7  }
0x48a: {  	s28 =	scvt.s32.f32 s22;
	v14 =	vmovc v61;
	v5 =	vld.idx.msk [tilespmem:v5+s6+$0x0], $0xffff;
	v61 =	vadd.s32 s5, v24;
	v63 =	vadd.s32 v7, v22;
	v6 =	vor.u32 v10, v22  }
0x48b: {  	s16 =	sadd.f32 s16, s16;
	s11 =	smul.f32 $7.692307700e-03, s11;
	v40 =	vld.idx.msk [tilespmem:v40+s24+$0x0], $0xffff;
	v22 =	vshll.u32 v4, $0x7;
	v44 =	vadd.s32 v16, v54;
	v48 =	vor.u32 v8, v54  }
0x48c: {  	s28 =	sadd.f32 s28, s28;
	v4 =	vadd.s32 s2, v4;
	v7 =	vld.idx.msk [tilespmem:v21+s6+$0x0], $0xffff;
	v21 =	vadd.s32 v16, v22;
	v22 =	vor.u32 v8, v22  }
0x48d: {  	s16 =	sadd.f32 $1.000000000e+00, s16;
	v55 =	vld.idx.msk [tilespmem:v33+s20+$0x0], $0xffff;
	v8 =	vor.u32 v10, v43;
	v10 =	vsub.f32 s11, v2;
	v60 =	vsub.f32 v60, v49  }
0x48e: {  	s29 =	scvt.s32.f32 s10;
	v27 =	vshll.u32 v61, $0x7;
	v54 =	vld.idx.msk [tilespmem:v45+s6+$0x0], $0xffff;
	v1 =	vsub.f32 v1, v2;
	v2 =	vsub.f32 v50, v36  }
0x48f: {  	s28 =	sadd.f32 $1.000000000e+00, s28;
	s16 =	smul.f32 $7.692307700e-03, s16;
	v53 =	vld.idx.msk [tilespmem:v53+s24+$0x0], $0xffff;
	v50 =	vor.u32 v9, v58;
	v43 =	vpop (erf);
	(erf) = vrcp.f32 v26;
	vm15 =	vle.f32 v10, $0.0e+00  }
0x490: {  	s29 =	sadd.f32 s29, s29;
	v45 =	vld.idx.msk [tilespmem:v28+s24+$0x0], $0xffff;
	v3 =	vsub.f32 v3, v40;
	v28 =	vmul.f32 v43, v42;
	(erf) = vrcp.f32 v60  }
0x491: {  	s28 =	smul.f32 $7.692307700e-03, s28;
	s26 =	smov.u32 s3;
	s3 =	smov.u32 s16;
	v43 =	vld.idx.msk [tilespmem:v56+s24+$0x0], $0xffff;
	vm2 =	vge.f32 v10, v1;
	v56 =	vsub.f32 v59, v39;
	v33 =	vpop (erf);
	v42 =	vsub.f32 v62, v5  }
0x492: {  	v57 =	vld.idx.msk [tilespmem:v57+s24+$0x0], $0xffff;
	v5 =	vsub.f32 s3, v5;
	(erf) = vrcp.f32 v1;
	v33 =	vmul.f32 v33, v20  }
0x493: {  	s29 =	sadd.f32 $1.000000000e+00, s29;
	v51 =	vld.idx.msk [tilespmem:v51+s24+$0x0], $0xffff;
	v28 =	vsel vm1, $0x3F800000, v28;
	v58 =	vsub.f32 s28, v54;
	v7 =	vsub.f32 v7, v54  }
0x494: {  	v52 =	vld.idx.msk [tilespmem:v52+s24+$0x0], $0xffff;
	v28 =	vsel vm3, $0x0, v28;
	v1 =	vsel vm0, $0x3F800000, v33;
	v33 =	vshll.u32 v4, $0x7  }
0x495: {  	s5 =	smov.u32 s22;
	s22 =	smul.f32 $7.692307700e-03, s29;
	v8 =	vld.idx.msk [tilespmem:v8+s20+$0x0], $0xffff;
	v59 =	vsub.f32 v53, v45;
	vm0 =	vle.f32 v20, $0.0e+00;
	v20 =	vsub.f32 s15, v55  }
0x496: {  	v0 =	vld.idx.msk [tilespmem:v0+s24+$0x0], $0xffff;
	v61 =	vmovc v14;
	v14 =	vmovc v19;
	v54 =	vmul.f32 v28, v13;
	v1 =	vsel vm0, $0x0, v1;
	(erf) = vrcp.f32 v7  }
0x497: {  	v6 =	vld.idx.msk [tilespmem:v6+s20+$0x0], $0xffff;
	v19 =	vmovc v3;
	vm1 =	vge.f32 v58, v7;
	v7 =	vsub.f32 v57, v43;
	v57 =	vsub.f32 s25, v23;
	s25 =	smov.u32 s4;
	s4 =	smov.u32 s22  }
0x498: {  	v3 =	vld.idx.msk [tilespmem:v50+s24+$0x0], $0xffff;
	vm0 =	vge.f32 v5, v42;
	v1 =	vmul.f32 v1, v2;
	v49 =	vsub.f32 s4, v49;
	v23 =	vpop (erf)  }
0x499: {  	v53 =	vld.idx.msk [tilespmem:v63+s20+$0x0], $0xffff;
	(erf) = vrcp.f32 v42;
	vm3 =	vge.f32 v57, v26;
	v62 =	vmul.f32 v23, v57;
	v23 =	vpop (erf)  }
0x49a: {  	v26 =	vsub.f32 v52, v51;
	v28 =	vsub.f32 v8, v55;
	v63 =	vmul.f32 v23, v49  }
0x49b: {  	vm4 =	vle.f32 v57, $0.0e+00;
	vm5 =	vge.f32 v49, v60;
	v2 =	vsel vm3, $0x3F800000, v62  }
0x49c: {  	vm6 =	vle.f32 v49, $0.0e+00;
	v2 =	vsel vm4, $0x0, v2;
	v4 =	vsel vm5, $0x3F800000, v63  }
0x49d: {  	v1 =	vadd.f32 v1, v36;
	v2 =	vmul.f32 v2, v56;
	v4 =	vsel vm6, $0x0, v4  }
0x49e: {  	v3 =	vsub.f32 v3, v0;
	v42 =	vsub.f32 v6, v53;
	v8 =	vpop (erf);
	v4 =	vmul.f32 v4, v26  }
0x49f: {  	v1 =	vmul.f32 v1, v11;
	v8 =	vmul.f32 v8, v10;
	v2 =	vadd.f32 v2, v39  }
0x4a0: {  	vm3 =	vle.f32 v5, $0.0e+00;
	v4 =	vadd.f32 v4, v51;
	v51 =	vadd.f32 v54, v17  }
0x4a1: {  	v10 =	vadd.s32 v9, v38;
	v1 =	vadd.f32 v1, v61;
	v8 =	vsel vm2, $0x3F800000, v8;
	v23 =	vpop (erf)  }
0x4a2: {  	v8 =	vsel vm15, $0x0, v8;
	v54 =	vmovc v11;
	v2 =	vmul.f32 v2, v11;
	v6 =	vmul.f32 v51, v11;
	v11 =	vld [tilespmem:$0x1FF30]  }
0x4a3: {  	v34 =	vld.idx.msk [tilespmem:v34+s20+$0x0], $0xffff;
	v38 =	vadd.s32 v9, v35;
	v49 =	vpop (erf);
	(erf) = vrcp.f32 v42;
	v3 =	vmul.f32 v8, v3  }
0x4a4: {  	v62 =	vadd.s32 s1, v32;
	v63 =	vld [tilespmem:$0x1FF40];
	vm2 =	vle.f32 v58, $0.0e+00;
	v5 =	vmul.f32 v49, v5  }
0x4a5: {  	v26 =	vmul.f32 v23, v58;
	v23 =	vld.idx.msk [tilespmem:v46+s20+$0x0], $0xffff;
	v0 =	vadd.f32 v3, v0;
	v4 =	vmul.f32 v4, v15  }
0x4a6: {  	v52 =	vmovc v29;
	v8 =	vadd.s32 v9, v37;
	v58 =	vld.idx.msk [tilespmem:v47+s20+$0x0], $0xffff;
	v57 =	vsel vm0, $0x3F800000, v5;
	v2 =	vadd.f32 v2, v61  }
0x4a7: {  	p0 =	slt.u32 s17, $0x3C;
	v55 =	vmovc v40;
	v35 =	vld.idx.msk [tilespmem:v44+s24+$0x0], $0xffff;
	v3 =	vsel vm3, $0x0, v57;
	v0 =	vmul.f32 v0, v15;
	v4 =	vadd.f32 v4, v29  }
.Ltmp6:
0x4a8: {  	v37 =	vld.idx.msk [tilespmem:v48+s24+$0x0], $0xffff;
	v17 =	vmov v30;
	v26 =	vsel vm1, $0x3F800000, v26;
	v3 =	vmul.f32 v3, v59;
	[tilespmem:v31+s8+$0x0] =	vst.idx.msk $0xffff, v2;
	(pc) =	sbr.rel @p0 .LBB2_16-.Ltmp6, $4  }
0x4a9: {  	v59 =	vsel vm2, $0x0, v26;
	v6 =	vadd.f32 v6, v61;
	v0 =	vadd.f32 v0, v29;
	[tilespmem:v10+s8+$0x0] =	vst.idx.msk $0xffff, v4  }
0x4aa: {  	s14 =	sadd.s32 $0x40, s14;
	v30 =	vsub.f32 s13, v53;
	v60 =	vadd.f32 v3, v45;
	[tilespmem:v11+s8+$0x0] =	vst.idx.msk $0xffff, v1;
	v1 =	vmul.f32 v59, v7  }
0x4ab: {  	s17 =	sadd.s32 $0x4, s17;
	s18 =	sadd.s32 $0x40, s18;
	s2 =	smov.u32 s10;
	v53 =	vmov v15;
	vm0 =	vge.f32 v20, v28;
	v26 =	vsub.f32 v58, v23;
	v36 =	vld [tilespmem:s14+$0x0];
	[tilespmem:v8+s8+$0x0] =	vst.idx.msk $0xffff, v0  }
0x4ac: {  	s15 =	smov.u32 s11;
	s1 =	smov.u32 s7;
	s13 =	smov.u32 s28;
	v31 =	vshll.u32 v62, $0x7;
	[tilespmem:v63+s8+$0x0] =	vst.idx.msk $0xffff, v6;
	v39 =	vpop (erf);
	v40 =	vmul.f32 v60, v15;
	v32 =	vld [tilespmem:s14+$0xFFFFFFE0];
	v43 =	vadd.f32 v1, v43  }
0x4ad: {  	_ =	sdelay $0x2  }
0x4ae: {  	v1 =	vmul.f32 v43, v53  }
0x4af: {  	v48 =	vld.idx.msk [tilespmem:v25+s20+$0x0], $0xffff;
	v0 =	vadd.f32 v40, v52  }
0x4b0: {  	v22 =	vld.idx.msk [tilespmem:v22+s24+$0x0], $0xffff;
	v1 =	vadd.f32 v1, v52  }
0x4b1: {  	v3 =	vadd.s32 s21, v18;
	v4 =	vmul.f32 v39, v30;
	v21 =	vld.idx.msk [tilespmem:v21+s24+$0x0], $0xffff;
	[tilespmem:v41+s8+$0x0] =	vst.idx.msk $0xffff, v0  }
0x4b2: {  	vm1 =	vge.f32 v30, v42;
	vm2 =	vle.f32 v30, $0.0e+00;
	v23 =	vsub.f32 s25, v23;
	v2 =	vld [tilespmem:s14+$0xFFFFFFF0];
	[tilespmem:v38+s8+$0x0] =	vst.idx.msk $0xffff, v1  }
0x4b3: {  	v7 =	vsub.f32 v37, v35;
	vm13 =	vle.f32 v20, $0.0e+00;
	v4 =	vsel vm1, $0x3F800000, v4;
	v5 =	vld [tilespmem:s14+$0x10]  }
0x4b4: {  	v3 =	vshll.u32 v3, $0x7;
	vm14 =	vge.f32 v23, v26;
	v4 =	vsel vm2, $0x0, v4;
	v11 =	vld [tilespmem:$0x1FF70]  }
0x4b5: {  	vm15 =	vle.f32 v23, $0.0e+00;
	v41 =	vlaneseq.u32;
	v4 =	vmul.f32 v4, v7;
	v15 =	vld [tilespmem:$0x1FF60]  }
0x4b6: {  	v1 =	vadd.s32 v24, v32;
	v6 =	vsub.f32 v34, v48;
	v0 =	vsub.f32 s26, v48;
	v13 =	vld [tilespmem:$0x1FFF0]  }
0x4b7: {  	v22 =	vsub.f32 v22, v21;
	v10 =	vshll.u32 v1, $0x4;
	v2 =	vadd.s32 v1, v2  }
0x4b8: {  	v51 =	vshll.u32 v1, $0x7;
	v4 =	vadd.f32 v4, v35;
	v8 =	vshll.u32 v2, $0x7  }
0x4b9: {  	(erf) = vrcp.f32 v6;
	v7 =	vadd.s32 v2, v36;
	v49 =	vor.u32 v11, v8  }
0x4ba: {  	vm11 =	vge.f32 v0, v6;
	v39 =	vadd.s32 v7, v5;
	v5 =	vadd.s32 v15, v8  }
0x4bb: {  	vm12 =	vle.f32 v0, $0.0e+00;
	v58 =	vshll.u32 v2, $0x4;
	v57 =	vadd.s32 v13, v10  }
0x4bc: {  	v16 =	vld.idx.msk [tilespmem:v14+s24+$0x0], $0xffff;
	(erf) = vrcp.f32 v28;
	v4 =	vmul.f32 v4, v54;
	v59 =	vor.u32 v41, v58  }
0x4bd: {  	(erf) = vrcp.f32 v26;
	v8 =	vld.idx.msk [tilespmem:v17+s24+$0x0], $0xffff;
	v32 =	vadd.s32 v13, v58;
	v50 =	vshll.u32 v39, $0x4  }
0x4be: {  	v1 =	vadd.s32 s9, v1;
	v24 =	vadd.s32 v11, v3;
	v56 =	vor.u32 v41, v50;
	v3 =	vld.idx.msk [tilespmem:v49+s24+$0x0], $0xffff  }
0x4bf: {  	v4 =	vadd.f32 v4, v61;
	v2 =	vadd.s32 s1, v2;
	v17 =	vadd.s32 v13, v50;
	v5 =	vld.idx.msk [tilespmem:v5+s24+$0x0], $0xffff  }
0x4c0: {  	v1 =	vshll.u32 v1, $0x7;
	v62 =	vshll.u32 v7, $0x4;
	v10 =	vor.u32 v41, v10;
	v30 =	vld.idx.msk [tilespmem:v57+s20+$0x0], $0xffff  }
0x4c1: {  	v18 =	vadd.s32 v11, v31;
	v25 =	vadd.s32 v11, v33;
	v44 =	vadd.s32 v13, v62;
	v33 =	vld.idx.msk [tilespmem:v59+s20+$0x0], $0xffff  }
0x4c2: {  	v31 =	vadd.s32 v15, v51;
	v28 =	vor.u32 v11, v51;
	v45 =	vor.u32 v41, v62;
	v32 =	vld.idx.msk [tilespmem:v32+s20+$0x0], $0xffff  }
0x4c3: {  	v27 =	vadd.s32 v11, v27;
	v48 =	vshll.u32 v7, $0x7;
	v7 =	vadd.s32 s2, v7;
	v63 =	vld.idx.msk [tilespmem:v56+s20+$0x0], $0xffff  }
0x4c4: {  	v2 =	vshll.u32 v2, $0x7;
	v1 =	vadd.s32 v11, v1;
	v43 =	vshll.u32 v39, $0x7;
	v6 =	vld.idx.msk [tilespmem:v17+s20+$0x0], $0xffff  }
0x4c5: {  	v47 =	vadd.s32 s5, v39;
	v51 =	vadd.s32 v15, v48;
	v7 =	vshll.u32 v7, $0x7;
	v60 =	vpop (erf);
	v10 =	vld.idx.msk [tilespmem:v10+s20+$0x0], $0xffff  }
0x4c6: {  	v2 =	vadd.s32 v11, v2;
	v50 =	vadd.s32 v15, v43;
	v34 =	vmul.f32 v60, v0;
	v37 =	vld.idx.msk [tilespmem:v44+s20+$0x0], $0xffff  }
0x4c7: {  	v36 =	vor.u32 v11, v43;
	v7 =	vadd.s32 v11, v7;
	v8 =	vsub.f32 v8, v16;
	v49 =	vpop (erf);
	v17 =	vld.idx.msk [tilespmem:v45+s20+$0x0], $0xffff  }
0x4c8: {  	v59 =	vor.u32 v11, v48;
	v28 =	vld.idx.msk [tilespmem:v28+s24+$0x0], $0xffff;
	v38 =	vmul.f32 v49, v20;
	v56 =	vpop (erf);
	v46 =	vsel vm11, $0x3F800000, v34  }
0x4c9: {  	v35 =	vld.idx.msk [tilespmem:v31+s24+$0x0], $0xffff;
	v20 =	vmul.f32 v56, v23;
	v0 =	vsel vm12, $0x0, v46;
	v29 =	vsub.f32 v63, v6  }
0x4ca: {  	v38 =	vsel vm0, $0x3F800000, v38;
	v0 =	vmul.f32 v0, v19;
	v57 =	vsub.f32 v33, v32  }
0x4cb: {  	v38 =	vsel vm13, $0x0, v38;
	v10 =	vsub.f32 v10, v30;
	(erf) = vrcp.f32 v29  }
0x4cc: {  	v20 =	vsel vm14, $0x3F800000, v20;
	v58 =	vsub.f32 v17, v37;
	(erf) = vrcp.f32 v57  }
0x4cd: {  	v3 =	vsub.f32 v3, v5;
	v62 =	vsub.f32 s15, v30;
	(erf) = vrcp.f32 v10  }
0x4ce: {  	v42 =	vsub.f32 s3, v32;
	v28 =	vsub.f32 v28, v35;
	(erf) = vrcp.f32 v58  }
0x4cf: {  	v14 =	vld.idx.msk [tilespmem:v51+s24+$0x0], $0xffff;
	v8 =	vmul.f32 v38, v8;
	v20 =	vsel vm15, $0x0, v20;
	v45 =	vsub.f32 s4, v37  }
0x4d0: {  	v60 =	vld.idx.msk [tilespmem:v36+s24+$0x0], $0xffff;
	v20 =	vmul.f32 v20, v22;
	v0 =	vadd.f32 v0, v55;
	v63 =	vshll.u32 v47, $0x7  }
0x4d1: {  	v19 =	vld.idx.msk [tilespmem:v50+s24+$0x0], $0xffff;
	v6 =	vsub.f32 s13, v6;
	vm4 =	vge.f32 v62, v10;
	vm7 =	vge.f32 v42, v57  }
0x4d2: {  	v40 =	vld.idx.msk [tilespmem:v59+s24+$0x0], $0xffff;
	vm8 =	vle.f32 v62, $0.0e+00;
	vm9 =	vle.f32 v42, $0.0e+00;
	v8 =	vadd.f32 v8, v16  }
0x4d3: {  	vm11 =	vle.f32 v45, $0.0e+00;
	v49 =	vadd.s32 v11, v63;
	v20 =	vadd.f32 v20, v21  }
0x4d4: {  	v0 =	vmul.f32 v0, v54;
	vm5 =	vge.f32 v6, v29;
	v8 =	vmul.f32 v8, v54;
	v33 =	vpop (erf)  }
0x4d5: {  	vm6 =	vle.f32 v6, $0.0e+00;
	vm10 =	vge.f32 v45, v58;
	v34 =	vmul.f32 v33, v6;
	v36 =	vpop (erf)  }
0x4d6: {  	v38 =	vsub.f32 v60, v19;
	v8 =	vadd.f32 v8, v61;
	v43 =	vpop (erf);
	v29 =	vmul.f32 v36, v42  }
0x4d7: {  	[tilespmem:v27+s8+$0x0] =	vst.idx.msk $0xffff, v4;
	v4 =	vsub.f32 v40, v14;
	v6 =	vsel vm5, $0x3F800000, v34;
	v44 =	vmul.f32 v43, v62;
	v46 =	vpop (erf)  }
0x4d8: {  	[tilespmem:v24+s8+$0x0] =	vst.idx.msk $0xffff, v8;
	v6 =	vsel vm6, $0x0, v6;
	v47 =	vmul.f32 v46, v45;
	v8 =	vsel vm7, $0x3F800000, v29  }
0x4d9: {  	v6 =	vmul.f32 v6, v38;
	v10 =	vsel vm4, $0x3F800000, v44;
	v8 =	vsel vm9, $0x0, v8  }
0x4da: {  	v10 =	vsel vm8, $0x0, v10;
	v48 =	vsel vm10, $0x3F800000, v47;
	v3 =	vmul.f32 v8, v3  }
0x4db: {  	v10 =	vmul.f32 v10, v28;
	v15 =	vsel vm11, $0x0, v48;
	v6 =	vadd.f32 v6, v19  }
0x4dc: {  	v20 =	vmul.f32 v20, v54;
	v4 =	vmul.f32 v15, v4;
	v3 =	vadd.f32 v3, v5  }
0x4dd: {  	v0 =	vadd.f32 v0, v61;
	v8 =	vadd.f32 v10, v35;
	v6 =	vmul.f32 v6, v54  }
0x4de: {  	v20 =	vadd.f32 v20, v61;
	v4 =	vadd.f32 v4, v14;
	v50 =	vmul.f32 v3, v54  }
0x4df: {  	[tilespmem:v18+s8+$0x0] =	vst.idx.msk $0xffff, v0;
	v8 =	vmul.f32 v8, v54;
	v5 =	vadd.f32 v6, v61  }
0x4e0: {  	[tilespmem:v25+s8+$0x0] =	vst.idx.msk $0xffff, v20;
	v4 =	vmul.f32 v4, v54;
	v0 =	vadd.f32 v50, v61  }
0x4e1: {  	v51 =	vadd.f32 v8, v61;
	[tilespmem:v49+s8+$0x0] =	vst.idx.msk $0xffff, v5  }
0x4e2: {  	v4 =	vadd.f32 v4, v61;
	[tilespmem:v2+s8+$0x0] =	vst.idx.msk $0xffff, v0  }
0x4e3: {  	[tilespmem:v1+s8+$0x0] =	vst.idx.msk $0xffff, v51  }
0x4e4: {  	[tilespmem:v7+s8+$0x0] =	vst.idx.msk $0xffff, v4  }
0x4e5: {  	v0 =	vld [tilespmem:$0x11F00];
	_ =	sdelay $0x4  }
0x4e6: {  	v0 =	vadd.s32 v12, v0  }
0x4e7: {  	v55 =	vshll.u32 v0, $0x4  }
0x4e8: {  	v56 =	vadd.s32 v13, v55  }
0x4e9: {  	v1 =	vor.u32 v41, v55;
	_ =	sdelay $0x3  }
0x4ea: {  	v2 =	vld.idx.msk [tilespmem:v56+s6+$0x0], $0xffff  }
0x4eb: {  	v1 =	vld.idx.msk [tilespmem:v1+s6+$0x0], $0xffff;
	_ =	sdelay $0x4  }
0x4ec: {  	v1 =	vsub.f32 v1, v2;
	_ =	sdelay $0x1  }
0x4ed: {  	v0 =	vshll.u32 v0, $0x7;
	(erf) = vrcp.f32 v1  }
0x4ee: {  	v57 =	vadd.s32 v9, v0;
	v0 =	vor.u32 v9, v0  }
0x4ef: {  	v4 =	vadd.s32 $0xFFFFFF80, v57;
	_ =	sdelay $0x3  }
0x4f0: {  	v0 =	vld.idx.msk [tilespmem:v0+s24+$0x0], $0xffff  }
0x4f1: {  	v4 =	vld.idx.msk [tilespmem:v4+s24+$0x0], $0xffff  }
0x4f2: {  	v2 =	vsub.f32 $9.923077220e-01, v2  }
0x4f3: {  	v5 =	vpop (erf)  }
0x4f4: {  	v5 =	vmul.f32 v5, v2  }
0x4f5: {  	vm12 =	vge.f32 v2, v1  }
0x4f6: {  	v0 =	vsub.f32 v0, v4;
	vm13 =	vle.f32 v2, $0.0e+00;
	v1 =	vsel vm12, $0x3F800000, v5  }
0x4f7: {  	v1 =	vsel vm13, $0x0, v1  }
0x4f8: {  	v0 =	vmul.f32 v1, v0;
	_ =	sdelay $0x1  }
0x4f9: {  	v0 =	vadd.f32 v0, v4  }
0x4fa: {  	v58 =	vadd.s32 $0x2000, v57  }
0x4fb: {  	v0 =	vmul.f32 v0, v53;
	_ =	sdelay $0x1  }
0x4fc: {  	v0 =	vadd.f32 v0, v52;
	_ =	sdelay $0x1  }
0x4fd: {  	[tilespmem:v58+s8+$0x0] =	vst.idx.msk $0xffff, v0  }
0x4fe: {  	v0 =	vld [tilespmem:$0x12380];
	_ =	sdelay $0x4  }
0x4ff: {  	v0 =	vadd.s32 v39, v0  }
0x500: {  	v59 =	vshll.u32 v0, $0x4  }
0x501: {  	v60 =	vadd.s32 v13, v59  }
0x502: {  	v1 =	vor.u32 v41, v59;
	_ =	sdelay $0x3  }
0x503: {  	v2 =	vld.idx.msk [tilespmem:v60+s20+$0x0], $0xffff  }
0x504: {  	v1 =	vld.idx.msk [tilespmem:v1+s20+$0x0], $0xffff;
	_ =	sdelay $0x4  }
0x505: {  	v1 =	vsub.f32 v1, v2;
	_ =	sdelay $0x1  }
0x506: {  	v0 =	vshll.u32 v0, $0x7;
	(erf) = vrcp.f32 v1  }
0x507: {  	v62 =	vadd.s32 v11, v0;
	v0 =	vor.u32 v11, v0  }
0x508: {  	v4 =	vadd.s32 $0xFFFFFF80, v62;
	_ =	sdelay $0x3  }
0x509: {  	v0 =	vld.idx.msk [tilespmem:v0+s24+$0x0], $0xffff  }
0x50a: {  	v4 =	vld.idx.msk [tilespmem:v4+s24+$0x0], $0xffff  }
0x50b: {  	v2 =	vsub.f32 $9.923077220e-01, v2  }
0x50c: {  	v5 =	vpop (erf)  }
0x50d: {  	v5 =	vmul.f32 v5, v2  }
0x50e: {  	vm14 =	vge.f32 v2, v1  }
0x50f: {  	v0 =	vsub.f32 v0, v4;
	vm15 =	vle.f32 v2, $0.0e+00;
	v1 =	vsel vm14, $0x3F800000, v5  }
0x510: {  	v1 =	vsel vm15, $0x0, v1  }
0x511: {  	v0 =	vmul.f32 v1, v0  }
0x512: {  	s29 =	rddreg [dreg:$0x15]  }
0x513: {  	s1 =	sadd.s32 $0x1, s29;
	v0 =	vadd.f32 v0, v4  }
0x514: {  	p0 =	sne.s32 s1, $0x4;
	v63 =	vadd.s32 $0x2000, v62  }
.Ltmp7:
0x515: {  	v0 =	vmul.f32 v0, v54;
	(pc) =	sbr.rel @p0 .LBB2_11-.Ltmp7, $3  }
0x516: {  	_ = 	snop  }
0x517: {  	v0 =	vadd.f32 v0, v61;
	_ =	sdelay $0x1  }
0x518: {  	s12 =	sadd.s32 $0x20, s12;
	s23 =	sadd.s32 $0x20, s23;
	v42 =	vlaneseq.u32;
	v45 =	vimm.s32 $0x1;
	v7 =	vimm.s32 $0x0;
	v39 =	vmovc v13;
	[tilespmem:v63+s8+$0x0] =	vst.idx.msk $0xffff, v0  }
0x519: {  	s9 =	rddreg [dreg:$0x11]  }
0x51a: {  	s9 =	sadd.s32 $0x1, s9  }
0x51b: {  	s1 =	rddreg [dreg:$0x12];
	p0 =	sne.s32 s9, $0x8  }
.Ltmp8:
0x51c: {  	s2 =	rddreg [dreg:$0xd];
	s1 =	sshll.u32 s1, $0x7;
	(pc) =	sbr.rel @p0 .LBB2_2-.Ltmp8, $4  }
0x51d: {  	s4 =	simm.s32 $0x400;
	s5 =	simm.s32 $0x80000;
	s1 =	sadd.s32 s1, s2  }
0x51e: {  	[hbm4b:s1+s4] =	stream.strided.scatter [tilespmem:s8], [sflag:$0x4], $0x4000, s5, s4, $0x38;
	[tilespmem:$0x12400] =	vst v63  }
0x51f: {  	s10 =	simm.s32 $0x0;
	s29 =	simm.s32 $0x10E00;
	s1 =	sadd.s32 $0x100000, s1  }
0x520: {  	[hbm4b:s1+s10] =	stream.linear.scatter [tilespmem:s29], [sflag:$0x4], $0x100, $0x38;
	[tilespmem:$0x12400] =	vst v63  }
0x521: {  	s1 =	simm.s32 $0x3  }
0x522: {  	_ =	swait.ge [sflag:s1], $0x4100  }
0x523: {  	[sflag:s1] =	ssyncset.done $0x0  }
0x524: {  	s2 =	simm.s32 $0x4;
	[sflag:s1] =	ssyncadd.s32 $0xFFFFBF00  }
0x525: {  	_ =	swait.ge [sflag:s2], $0x4100  }
0x526: {  	s3 =	rddreg [dreg:$0x10]  }
0x527: {  	s29 =	rddreg [dreg:$0xf];
	s3 =	sadd.s32 $0x1, s3  }
0x528: {  	p0 =	sne.s32 s3, s29  }
.Ltmp9:
0x529: {  	_ = 	snop;
	(pc) =	sbr.rel @p0 .LBB2_1-.Ltmp9, $3  }
0x52a: {  	_ =	sdelay $0x1  }
0x52b: {  	[sflag:s2] =	ssyncset.done $0x0  }
0x52c: {  	[sflag:s2] =	ssyncadd.s32 $0xFFFFBF00  }
0x52d: {  	_ =	sfence.sel $0x180000  }
0x52e: {  	[bflag:$0x0] =	sbarrier.arrive $0xFFFF  }
0x52f: {  	_ =	strace $0x90000047  }
0x530: {  	s0 =	stileid.u32;
	[bflag:$0x2] =	sbarrier.arrive $0xFFFF  }
0x531: {  	p0 =	sne.s32 s0, $0x0;
	s0 =	rddreg [dreg:$0x6]  }
0x532: {  	s0 =	sadd.s32 @!p0 $0x100000, s0  }
0x533: {  	[sflag:s0] =	ssyncadd.tile.s32 @!p0 $0x1;
	_ =	shalt  }
.Lfunc_end2:
_tile_overlayer_lowered:
.L_overlay_start_2:
0x534: {  	(tag) =	ssettag $0x2  }
0x535: {  	s0 =	rddreg [dreg:$0x0];
	s2 =	stileid.u32  }
0x536: {  	s1 =	rddreg [dreg:$0x1];
	p0 =	sne.s32 s2, $0x0  }
0x537: {  	s3 =	rddreg [dreg:$0x2];
	[bflag:$0x3] =	sbarrier.arrive $0xFFFF;
	s2 =	simm.s32 @!p0 $0x1C05  }
0x538: {  	[timem:s3], [sflag:s2] =	dma.local @!p0 [hbm:s0], s1  }
0x539: {  	s0 =	simm.s32 @!p0 $0x5  }
0x53a: {  	_ =	swait.ge @!p0 [sflag:s0], s1  }
0x53b: {  	s1 =	ssub.s32 @!p0 $0x0, s1;
	[sflag:s0] =	ssyncset.done @!p0 $0x0  }
0x53c: {  	[sflag:s0] =	ssyncadd.s32 @!p0 s1  }
0x53d: {  	[bflag:$0x3] =	sbarrier.arrive $0xFFFF  }
0x53e: {  	_ =	shalt  }

</sc_bundles>
